<compile_context>
chip_gen: v7x
topology: tpu7x:2x2x1
jax: 0.10.2.dev20260603
libtpu: 0.0.44.dev20260713+nightly
codegen_flags: <defaults>
</compile_context>

<pallas_src>
import functools

import jax
import jax.numpy as jnp
from jax import lax
from jax.experimental import pallas as pl
from jax.experimental.pallas import tpu as pltpu
from jax.experimental.pallas import tpu_sc as plsc

_NC = 2
_NS = 16
_NW = _NC * _NS
_CHUNK = 120


def _sc_mesh():
    return plsc.VectorSubcoreMesh(
        core_axis_name="c", subcore_axis_name="s", num_cores=_NC, num_subcores=_NS
    )


def _sc_degree(dst3, zeros_hbm, npad, nch):
    rps = npad // _NS

    @functools.partial(
        pl.kernel,
        out_type=jax.ShapeDtypeStruct((_NC, npad), jnp.float32),
        mesh=_sc_mesh(),
        scratch_types=[
            pltpu.VMEM((nch, _CHUNK), jnp.int32),
            pltpu.VMEM((_CHUNK,), jnp.float32),
            pltpu.VMEM_SHARED((npad,), jnp.float32),
            pltpu.SemaphoreType.DMA,
        ],
    )
    def k(dst_hbm, zeros_h, ones_h, out_hbm, didx, ones_v, acc, sem):
        c = lax.axis_index("c")
        s = lax.axis_index("s")
        wid = s * _NC + c
        r0 = s * rps
        pltpu.sync_copy(zeros_h.at[pl.ds(r0, rps)], acc.at[pl.ds(r0, rps)])
        pltpu.sync_copy(ones_h, ones_v)
        pltpu.sync_copy(dst_hbm.at[wid], didx)
        plsc.subcore_barrier()

        def body(i, carry):
            pltpu.async_copy(ones_v, acc.at[didx.at[i]], sem, add=True)
            return carry

        lax.fori_loop(0, nch, body, 0)

        def drain(i, carry):
            pltpu.make_async_copy(ones_v, acc.at[pl.ds(0, _CHUNK)], sem).wait()
            return carry

        lax.fori_loop(0, nch, drain, 0)
        plsc.subcore_barrier()
        pltpu.sync_copy(acc.at[pl.ds(r0, rps)], out_hbm.at[c, pl.ds(r0, rps)])

    return k(dst3, zeros_hbm, jnp.ones((_CHUNK,), jnp.float32))


_NBUF = 3
_LOOK = 2
_IDXB = 2 * _NBUF


def _sc_edge_agg(h, ei4, zeros_hbm, npad, nch):
    n, d = h.shape
    rps = npad // _NS
    assert nch % _IDXB == 0

    @functools.partial(
        pl.kernel,
        out_type=jax.ShapeDtypeStruct((_NC, npad, d), jnp.float32),
        mesh=_sc_mesh(),
        scratch_types=[pltpu.VMEM((_CHUNK, d), jnp.float32)] * _NBUF
        + [pltpu.VMEM((2, _CHUNK), jnp.int32)] * _IDXB
        + [pltpu.VMEM_SHARED((npad, d), jnp.float32)]
        + [pltpu.SemaphoreType.DMA] * (2 * _NBUF + _IDXB),
    )
    def k(h_hbm, ei_hbm, zeros_h, out_hbm, *rest):
        rows = rest[:_NBUF]
        idxs = rest[_NBUF : _NBUF + _IDXB]
        acc = rest[_NBUF + _IDXB]
        sems = rest[_NBUF + _IDXB + 1 :]
        gsem = sems[:_NBUF]
        ssem = sems[_NBUF : 2 * _NBUF]
        isem = sems[2 * _NBUF :]
        c = lax.axis_index("c")
        s = lax.axis_index("s")
        wid = s * _NC + c
        r0 = s * rps
        pltpu.sync_copy(zeros_h, acc.at[pl.ds(r0, rps)])

        def idx_start(chunk, q):
            pltpu.async_copy(ei_hbm.at[wid, chunk], idxs[q], isem[q])

        def idx_wait(q):
            pltpu.make_async_copy(ei_hbm.at[0, 0], idxs[q], isem[q]).wait()

        def gather_start(q, b):
            pltpu.async_copy(h_hbm.at[idxs[q].at[0]], rows[b], gsem[b])

        def gather_wait(b):
            pltpu.make_async_copy(h_hbm.at[pl.ds(0, _CHUNK)], rows[b], gsem[b]).wait()

        def scatter_start(q, b):
            pltpu.async_copy(rows[b], acc.at[idxs[q].at[1]], ssem[b], add=True)

        def scatter_wait(b):
            pltpu.make_async_copy(rows[b], acc.at[pl.ds(0, _CHUNK)], ssem[b]).wait()

        for j in range(_NBUF):
            idx_start(j, j)
        plsc.subcore_barrier()

        def emit_iter(i, u, first):
            b = u % _NBUF
            q = u % _IDXB
            idx_wait(q)
            if not first or u >= _NBUF:
                scatter_wait(b)
            gather_start(q, b)
            idx_start(lax.rem(i + _NBUF, nch), (u + _NBUF) % _IDXB)
            if not first or u >= _LOOK:
                bl = (u - _LOOK) % _NBUF
                gather_wait(bl)
                scatter_start((u - _LOOK) % _IDXB, bl)

        for u in range(_IDXB):
            emit_iter(jnp.int32(u), u, True)

        def blk(t, carry):
            for u in range(_IDXB):
                emit_iter(t * _IDXB + u, u, False)
            return carry

        lax.fori_loop(1, nch // _IDXB, blk, 0)
        for j in range(_LOOK):
            u = nch + j
            bl = (u - _LOOK) % _NBUF
            gather_wait(bl)
            scatter_start((u - _LOOK) % _IDXB, bl)
        for b in range(_NBUF):
            scatter_wait(b)
        for j in range(_NBUF):
            idx_wait((nch + j) % _IDXB)
        plsc.subcore_barrier()
        pltpu.sync_copy(acc.at[pl.ds(r0, rps)], out_hbm.at[c, pl.ds(r0, rps)])

    return k(h, ei4, zeros_hbm)


def _tc_layer1f(x, w1, d0, d1, bm=1000):
    m, d = x.shape

    def body(x_ref, w_ref, d0_ref, d1_ref, o_ref):
        dis = lax.rsqrt(d0_ref[...] + d1_ref[...] + 1.0)
        o_ref[...] = (
            jnp.dot(x_ref[...], w_ref[...], preferred_element_type=jnp.float32)
            * dis
        )

    return pl.pallas_call(
        body,
        grid=(m // bm,),
        in_specs=[
            pl.BlockSpec((bm, d), lambda i: (i, 0)),
            pl.BlockSpec((d, d), lambda i: (0, 0)),
            pl.BlockSpec((bm, 1), lambda i: (i, 0)),
            pl.BlockSpec((bm, 1), lambda i: (i, 0)),
        ],
        out_specs=pl.BlockSpec((bm, d), lambda i: (i, 0)),
        out_shape=jax.ShapeDtypeStruct((m, d), jnp.float32),
    )(x, w1, d0, d1)


def _tc_layer2(p0, p1, h1p, d0, d1, b1, w2, bm=1000):
    m, d = h1p.shape

    def body(p0_ref, p1_ref, h_ref, d0_ref, d1_ref, b_ref, w_ref, o_ref):
        dis = lax.rsqrt(d0_ref[...] + d1_ref[...] + 1.0)
        z = dis * (p0_ref[...] + p1_ref[...] + h_ref[...]) + b_ref[...]
        z = jnp.maximum(z, 0.0)
        o_ref[...] = (
            jnp.dot(z, w_ref[...], preferred_element_type=jnp.float32) * dis
        )

    row = pl.BlockSpec((bm, d), lambda i: (i, 0))
    return pl.pallas_call(
        body,
        grid=(m // bm,),
        in_specs=[
            row,
            row,
            row,
            pl.BlockSpec((bm, 1), lambda i: (i, 0)),
            pl.BlockSpec((bm, 1), lambda i: (i, 0)),
            pl.BlockSpec((1, d), lambda i: (0, 0)),
            pl.BlockSpec((d, d), lambda i: (0, 0)),
        ],
        out_specs=row,
        out_shape=jax.ShapeDtypeStruct((m, d), jnp.float32),
    )(p0, p1, h1p, d0, d1, b1, w2)


def _tc_layer3(q0, q1, h2p, d0, d1, b2, bm=1000):
    m, d = h2p.shape

    def body(q0_ref, q1_ref, h_ref, d0_ref, d1_ref, b_ref, o_ref):
        dis = lax.rsqrt(d0_ref[...] + d1_ref[...] + 1.0)
        o_ref[...] = dis * (q0_ref[...] + q1_ref[...] + h_ref[...]) + b_ref[...]

    row = pl.BlockSpec((bm, d), lambda i: (i, 0))
    return pl.pallas_call(
        body,
        grid=(m // bm,),
        in_specs=[
            row,
            row,
            row,
            pl.BlockSpec((bm, 1), lambda i: (i, 0)),
            pl.BlockSpec((bm, 1), lambda i: (i, 0)),
            pl.BlockSpec((1, d), lambda i: (0, 0)),
        ],
        out_specs=row,
        out_shape=jax.ShapeDtypeStruct((m, d), jnp.float32),
    )(q0, q1, h2p, d0, d1, b2)


def kernel(x, edge_index, W1, b1, W2, b2):
    n, d = x.shape
    e = edge_index.shape[1]

    nch = _IDXB * (-(-e // (_NW * _CHUNK * _IDXB)))
    epw = nch * _CHUNK
    ep = epw * _NW
    npad = 256 * (-(-(n + 1) // 256))

    src = edge_index[0].astype(jnp.int32)
    dst = edge_index[1].astype(jnp.int32)
    pad = ep - e
    pad_src = jnp.arange(pad, dtype=jnp.int32) % n
    pad_dst = n + jnp.arange(pad, dtype=jnp.int32) % (npad - n)
    src3 = jnp.concatenate([src, pad_src]).reshape(_NW, nch, _CHUNK)
    dst3 = jnp.concatenate([dst, pad_dst]).reshape(_NW, nch, _CHUNK)
    ei4 = jnp.stack([src3, dst3], axis=2)

    rps = npad // _NS
    zeros_1d = jnp.zeros((npad,), jnp.float32)
    zeros_d = jnp.zeros((rps, d), jnp.float32)

    degp = _sc_degree(dst3, zeros_1d, npad, nch)
    d0 = degp[0, :n].reshape(n, 1)
    d1 = degp[1, :n].reshape(n, 1)

    h1p = _tc_layer1f(x, W1, d0, d1)

    p = _sc_edge_agg(h1p, ei4, zeros_d, npad, nch)
    h2p = _tc_layer2(p[0, :n, :], p[1, :n, :], h1p, d0, d1, b1.reshape(1, d), W2)

    q = _sc_edge_agg(h2p, ei4, zeros_d, npad, nch)
    return _tc_layer3(q[0, :n, :], q[1, :n, :], h2p, d0, d1, b2.reshape(1, d))

# --- scband reference (transcript-rebuilt; emitter-appended) ---
"""Pipeline reference for scband-gcnconv-58402965291043 (READ-ONLY COPY).

The authoritative reference and input builder live on the scoring server;
editing this copy changes nothing except your own understanding.
"""

import jax, jax.numpy as jnp
import numpy as np

N_NODES = 10000
N_EDGES = 320000
D_IN = 128
D_HID = 128
D_OUT = 128


def setup_inputs(seed: int = 0) -> dict:
    key = jax.random.key(seed)
    k_x, k_e, k_w1, k_b1, k_w2, k_b2 = jax.random.split(key, 6)
    x = jax.random.normal(k_x, (N_NODES, D_IN), dtype=jnp.float32)
    edge_index = jax.random.randint(k_e, (2, N_EDGES), 0, N_NODES, dtype=jnp.int64)
    W1 = jax.random.normal(k_w1, (D_IN, D_HID), dtype=jnp.float32) * (1.0 / np.sqrt(D_IN))
    b1 = jnp.zeros((D_HID,), dtype=jnp.float32)
    W2 = jax.random.normal(k_w2, (D_HID, D_OUT), dtype=jnp.float32) * (1.0 / np.sqrt(D_HID))
    b2 = jnp.zeros((D_OUT,), dtype=jnp.float32)
    return {"x": x, "edge_index": edge_index, "W1": W1, "b1": b1, "W2": W2, "b2": b2}


def _gcn_layer(x, src, dst, W, b):
    # PyG-style GCNConv: symmetric normalization with self-loops.
    n = x.shape[0]
    h = x @ W
    deg = jnp.zeros((n,), dtype=h.dtype).at[dst].add(1.0)
    deg_inv_sqrt = jnp.where(deg > 0, jax.lax.rsqrt(jnp.maximum(deg, 1.0)), 0.0)
    norm = deg_inv_sqrt[src] * deg_inv_sqrt[dst]
    msg = h[src] * norm[:, None]
    out = jnp.zeros((n, h.shape[1]), dtype=h.dtype).at[dst].add(msg)
    return out + b


def reference(x, edge_index, W1, b1, W2, b2):
    n = x.shape[0]
    loop = jnp.arange(n, dtype=edge_index.dtype)
    src = jnp.concatenate([edge_index[0], loop])
    dst = jnp.concatenate([edge_index[1], loop])
    h = _gcn_layer(x, src, dst, W1, b1)
    h = jax.nn.relu(h)
    # dropout p=0.0 -> identity
    out = _gcn_layer(h, src, dst, W2, b2)
    return out

if __name__ == "__main__":
    import jax
    _d = setup_inputs()
    print(jax.jit(kernel)(*tuple(_d.values())))

</pallas_src>

<mosaic_0001>
#map = affine_map<(d0, d1) -> (0, 0, 0)>
#map1 = affine_map<(d0, d1) -> (0)>
#map2 = affine_map<(d0, d1) -> (0, 0)>
module attributes {stable_mosaic.version = 14 : i64} {
  func.func @k(%arg0: i32, %arg1: i32, %arg2: memref<32x84x120xi32, #tpu.memory_space<hbm>>, %arg3: memref<10240xf32, #tpu.memory_space<hbm>>, %arg4: memref<120xf32, #tpu.memory_space<hbm>>, %arg5: memref<2x10240xf32, #tpu.memory_space<hbm>>, %arg6: memref<84x120xi32, #tpu.memory_space<vmem>>, %arg7: memref<120xf32, #tpu.memory_space<vmem>>, %arg8: memref<10240xf32, #tpu.memory_space<vmem_shared>>, %arg9: memref<!tpu.dma_semaphore, #tpu.memory_space<semaphore_mem>>) attributes {dimension_semantics = [#tpu.dimension_semantics<core_parallel>, #tpu.dimension_semantics<subcore_parallel>], iteration_bounds = array<i64: 2, 16>, scalar_prefetch = 0 : i64, scratch_operands = 4 : i64, tpu.core_type = #tpu.core_type<sc_vector_subcore>, window_params = [{transform_indices = #map}, {transform_indices = #map1}, {transform_indices = #map1}, {transform_indices = #map2}]} {
    %mul3A = arith.constant 2 : i32
    %mul3A_0 = arith.muli %arg1, %mul3A : i32
    %add3A = arith.addi %mul3A_0, %arg0 : i32
    %mul3A_1 = arith.constant 640 : i32
    %mul3A_2 = arith.muli %arg1, %mul3A_1 : i32
    "tpu.region"() ({
      %run_scoped3A = tpu.sem_alloc : memref<!tpu.dma_semaphore, #tpu.memory_space<semaphore_mem>>
      %dma_start3A = tpu.memref_slice %arg8[%mul3A_2] : memref<10240xf32, #tpu.memory_space<vmem_shared>> -> memref<640xf32, #tpu.memory_space<vmem_shared>>
      %dma_start3A_15 = tpu.memref_slice %arg3[%mul3A_2] : memref<10240xf32, #tpu.memory_space<hbm>> -> memref<640xf32, #tpu.memory_space<hbm>>
      tpu.enqueue_dma source(%dma_start3A_15 : memref<640xf32, #tpu.memory_space<hbm>>) target(%dma_start3A : memref<640xf32, #tpu.memory_space<vmem_shared>>) target_semaphore(%run_scoped3A : memref<!tpu.dma_semaphore, #tpu.memory_space<semaphore_mem>>)
      %dma_wait3A = tpu.memref_slice %arg8[%mul3A_2] : memref<10240xf32, #tpu.memory_space<vmem_shared>> -> memref<640xf32, #tpu.memory_space<vmem_shared>>
      %dma_wait3A_16 = tpu.memref_slice %arg3[%mul3A_2] : memref<10240xf32, #tpu.memory_space<hbm>> -> memref<640xf32, #tpu.memory_space<hbm>>
      tpu.wait_dma2 semaphore(%run_scoped3A : memref<!tpu.dma_semaphore, #tpu.memory_space<semaphore_mem>>) src(%dma_wait3A_16 : memref<640xf32, #tpu.memory_space<hbm>>) dst(%dma_wait3A : memref<640xf32, #tpu.memory_space<vmem_shared>>)
      tpu.yield
    }) : () -> ()
    "tpu.region"() ({
      %run_scoped3A = tpu.sem_alloc : memref<!tpu.dma_semaphore, #tpu.memory_space<semaphore_mem>>
      tpu.enqueue_dma source(%arg4 : memref<120xf32, #tpu.memory_space<hbm>>) target(%arg7 : memref<120xf32, #tpu.memory_space<vmem>>) target_semaphore(%run_scoped3A : memref<!tpu.dma_semaphore, #tpu.memory_space<semaphore_mem>>)
      tpu.wait_dma2 semaphore(%run_scoped3A : memref<!tpu.dma_semaphore, #tpu.memory_space<semaphore_mem>>) src(%arg4 : memref<120xf32, #tpu.memory_space<hbm>>) dst(%arg7 : memref<120xf32, #tpu.memory_space<vmem>>)
      tpu.yield
    }) : () -> ()
    "tpu.region"() ({
      %run_scoped3A = tpu.sem_alloc : memref<!tpu.dma_semaphore, #tpu.memory_space<semaphore_mem>>
      %dma_start3A = arith.constant 0 : i32
      %dma_start3A_15 = arith.constant 0 : i32
      %dma_start3A_16 = tpu.memref_slice %arg2[%add3A, %dma_start3A, %dma_start3A_15] : memref<32x84x120xi32, #tpu.memory_space<hbm>> -> memref<1x84x120xi32, #tpu.memory_space<hbm>>
      %dma_start3A_17 = tpu.memref_squeeze %dma_start3A_16 : memref<1x84x120xi32, #tpu.memory_space<hbm>> -> memref<84x120xi32, #tpu.memory_space<hbm>>
      %dma_start3A_18 = arith.constant 0 : i32
      %dma_start3A_19 = arith.constant 0 : i32
      %dma_start3A_20 = tpu.memref_slice %arg2[%add3A, %dma_start3A_18, %dma_start3A_19] : memref<32x84x120xi32, #tpu.memory_space<hbm>> -> memref<1x84x120xi32, #tpu.memory_space<hbm>>
      %dma_start3A_21 = tpu.memref_squeeze %dma_start3A_20 : memref<1x84x120xi32, #tpu.memory_space<hbm>> -> memref<84x120xi32, #tpu.memory_space<hbm>>
      tpu.enqueue_dma source(%dma_start3A_21 : memref<84x120xi32, #tpu.memory_space<hbm>>) target(%arg6 : memref<84x120xi32, #tpu.memory_space<vmem>>) target_semaphore(%run_scoped3A : memref<!tpu.dma_semaphore, #tpu.memory_space<semaphore_mem>>)
      %dma_wait3A = arith.constant 0 : i32
      %dma_wait3A_22 = arith.constant 0 : i32
      %dma_wait3A_23 = tpu.memref_slice %arg2[%add3A, %dma_wait3A, %dma_wait3A_22] : memref<32x84x120xi32, #tpu.memory_space<hbm>> -> memref<1x84x120xi32, #tpu.memory_space<hbm>>
      %dma_wait3A_24 = tpu.memref_squeeze %dma_wait3A_23 : memref<1x84x120xi32, #tpu.memory_space<hbm>> -> memref<84x120xi32, #tpu.memory_space<hbm>>
      %dma_wait3A_25 = arith.constant 0 : i32
      %dma_wait3A_26 = arith.constant 0 : i32
      %dma_wait3A_27 = tpu.memref_slice %arg2[%add3A, %dma_wait3A_25, %dma_wait3A_26] : memref<32x84x120xi32, #tpu.memory_space<hbm>> -> memref<1x84x120xi32, #tpu.memory_space<hbm>>
      %dma_wait3A_28 = tpu.memref_squeeze %dma_wait3A_27 : memref<1x84x120xi32, #tpu.memory_space<hbm>> -> memref<84x120xi32, #tpu.memory_space<hbm>>
      tpu.wait_dma2 semaphore(%run_scoped3A : memref<!tpu.dma_semaphore, #tpu.memory_space<semaphore_mem>>) src(%dma_wait3A_28 : memref<84x120xi32, #tpu.memory_space<hbm>>) dst(%arg6 : memref<84x120xi32, #tpu.memory_space<vmem>>)
      tpu.yield
    }) : () -> ()
    %barrier3A = arith.constant 0 : index
    tpu.barrier barrier_id(%barrier3A)
    %scan3A = arith.constant 0 : i32
    %scan3A_3 = arith.constant 0 : i32
    %scan3A_4 = arith.constant 84 : i32
    %scan3A_5 = arith.addi %scan3A_3, %scan3A_4 : i32
    %scan3A_6 = arith.constant 1 : i32
    scf.for %scan3A_15 = %scan3A_3 to %scan3A_5 step %scan3A_6  : i32 {
      %dma_start3A = arith.constant 0 : i32
      %dma_start3A_16 = tpu.memref_slice %arg6[%scan3A_15, %dma_start3A] : memref<84x120xi32, #tpu.memory_space<vmem>> -> memref<1x120xi32, #tpu.memory_space<vmem>>
      %dma_start3A_17 = tpu.memref_squeeze %dma_start3A_16 : memref<1x120xi32, #tpu.memory_space<vmem>> -> memref<120xi32, #tpu.memory_space<vmem>>
      %dma_start3A_18 = arith.constant 0 : i32
      %dma_start3A_19 = tpu.memref_slice %arg8[%dma_start3A_18] : memref<10240xf32, #tpu.memory_space<vmem_shared>> -> memref<10240xf32, #tpu.memory_space<vmem_shared>>
      tpu.enqueue_indirect_dma source(%arg7 : memref<120xf32, #tpu.memory_space<vmem>>) target(%dma_start3A_19 : memref<10240xf32, #tpu.memory_space<vmem_shared>>) offsets(%dma_start3A_17 : memref<120xi32, #tpu.memory_space<vmem>>) semaphore(%arg9 : memref<!tpu.dma_semaphore, #tpu.memory_space<semaphore_mem>>) {add = true}
    }
    %scan3A_7 = arith.constant 84 : i32
    %scan3A_8 = arith.constant 0 : i32
    %scan3A_9 = arith.constant 0 : i32
    %scan3A_10 = arith.constant 84 : i32
    %scan3A_11 = arith.addi %scan3A_9, %scan3A_10 : i32
    %scan3A_12 = arith.constant 1 : i32
    scf.for %scan3A_15 = %scan3A_9 to %scan3A_11 step %scan3A_12  : i32 {
      %dma_wait3A = arith.constant 0 : i32
      %dma_wait3A_16 = tpu.memref_slice %arg8[%dma_wait3A] : memref<10240xf32, #tpu.memory_space<vmem_shared>> -> memref<120xf32, #tpu.memory_space<vmem_shared>>
      %dma_wait3A_17 = arith.constant 0 : i32
      %dma_wait3A_18 = tpu.memref_slice %arg8[%dma_wait3A_17] : memref<10240xf32, #tpu.memory_space<vmem_shared>> -> memref<120xf32, #tpu.memory_space<vmem_shared>>
      tpu.wait_dma2 semaphore(%arg9 : memref<!tpu.dma_semaphore, #tpu.memory_space<semaphore_mem>>) src(%arg7 : memref<120xf32, #tpu.memory_space<vmem>>) dst(%dma_wait3A_18 : memref<120xf32, #tpu.memory_space<vmem_shared>>)
    }
    %scan3A_13 = arith.constant 84 : i32
    %barrier3A_14 = arith.constant 0 : index
    tpu.barrier barrier_id(%barrier3A_14)
    "tpu.region"() ({
      %run_scoped3A = tpu.sem_alloc : memref<!tpu.dma_semaphore, #tpu.memory_space<semaphore_mem>>
      %dma_start3A = tpu.memref_slice %arg5[%arg0, %mul3A_2] : memref<2x10240xf32, #tpu.memory_space<hbm>> -> memref<1x640xf32, #tpu.memory_space<hbm>>
      %dma_start3A_15 = tpu.memref_squeeze %dma_start3A : memref<1x640xf32, #tpu.memory_space<hbm>> -> memref<640xf32, #tpu.memory_space<hbm>>
      %dma_start3A_16 = tpu.memref_slice %arg8[%mul3A_2] : memref<10240xf32, #tpu.memory_space<vmem_shared>> -> memref<640xf32, #tpu.memory_space<vmem_shared>>
      tpu.enqueue_dma source(%dma_start3A_16 : memref<640xf32, #tpu.memory_space<vmem_shared>>) target(%dma_start3A_15 : memref<640xf32, #tpu.memory_space<hbm>>) target_semaphore(%run_scoped3A : memref<!tpu.dma_semaphore, #tpu.memory_space<semaphore_mem>>)
      %dma_wait3A = tpu.memref_slice %arg5[%arg0, %mul3A_2] : memref<2x10240xf32, #tpu.memory_space<hbm>> -> memref<1x640xf32, #tpu.memory_space<hbm>>
      %dma_wait3A_17 = tpu.memref_squeeze %dma_wait3A : memref<1x640xf32, #tpu.memory_space<hbm>> -> memref<640xf32, #tpu.memory_space<hbm>>
      %dma_wait3A_18 = tpu.memref_slice %arg8[%mul3A_2] : memref<10240xf32, #tpu.memory_space<vmem_shared>> -> memref<640xf32, #tpu.memory_space<vmem_shared>>
      tpu.wait_dma2 semaphore(%run_scoped3A : memref<!tpu.dma_semaphore, #tpu.memory_space<semaphore_mem>>) src(%dma_wait3A_18 : memref<640xf32, #tpu.memory_space<vmem_shared>>) dst(%dma_wait3A_17 : memref<640xf32, #tpu.memory_space<hbm>>)
      tpu.yield
    }) : () -> ()
    return
  }
}

#map = affine_map<(d0, d1) -> (0, 0)>
#map1 = affine_map<(d0, d1) -> (0, 0, 0, 0)>
#map2 = affine_map<(d0, d1) -> (0, 0, 0)>
module attributes {stable_mosaic.version = 14 : i64} {
  func.func @k(%arg0: i32, %arg1: i32, %arg2: memref<10000x128xf32, #tpu.memory_space<hbm>>, %arg3: memref<32x84x2x120xi32, #tpu.memory_space<hbm>>, %arg4: memref<640x128xf32, #tpu.memory_space<hbm>>, %arg5: memref<2x10240x128xf32, #tpu.memory_space<hbm>>, %arg6: memref<120x128xf32, #tpu.memory_space<vmem>>, %arg7: memref<120x128xf32, #tpu.memory_space<vmem>>, %arg8: memref<120x128xf32, #tpu.memory_space<vmem>>, %arg9: memref<2x120xi32, #tpu.memory_space<vmem>>, %arg10: memref<2x120xi32, #tpu.memory_space<vmem>>, %arg11: memref<2x120xi32, #tpu.memory_space<vmem>>, %arg12: memref<2x120xi32, #tpu.memory_space<vmem>>, %arg13: memref<2x120xi32, #tpu.memory_space<vmem>>, %arg14: memref<2x120xi32, #tpu.memory_space<vmem>>, %arg15: memref<10240x128xf32, #tpu.memory_space<vmem_shared>>, %arg16: memref<!tpu.dma_semaphore, #tpu.memory_space<semaphore_mem>>, %arg17: memref<!tpu.dma_semaphore, #tpu.memory_space<semaphore_mem>>, %arg18: memref<!tpu.dma_semaphore, #tpu.memory_space<semaphore_mem>>, %arg19: memref<!tpu.dma_semaphore, #tpu.memory_space<semaphore_mem>>, %arg20: memref<!tpu.dma_semaphore, #tpu.memory_space<semaphore_mem>>, %arg21: memref<!tpu.dma_semaphore, #tpu.memory_space<semaphore_mem>>, %arg22: memref<!tpu.dma_semaphore, #tpu.memory_space<semaphore_mem>>, %arg23: memref<!tpu.dma_semaphore, #tpu.memory_space<semaphore_mem>>, %arg24: memref<!tpu.dma_semaphore, #tpu.memory_space<semaphore_mem>>, %arg25: memref<!tpu.dma_semaphore, #tpu.memory_space<semaphore_mem>>, %arg26: memref<!tpu.dma_semaphore, #tpu.memory_space<semaphore_mem>>, %arg27: memref<!tpu.dma_semaphore, #tpu.memory_space<semaphore_mem>>) attributes {dimension_semantics = [#tpu.dimension_semantics<core_parallel>, #tpu.dimension_semantics<subcore_parallel>], iteration_bounds = array<i64: 2, 16>, scalar_prefetch = 0 : i64, scratch_operands = 22 : i64, tpu.core_type = #tpu.core_type<sc_vector_subcore>, window_params = [{transform_indices = #map}, {transform_indices = #map1}, {transform_indices = #map}, {transform_indices = #map2}]} {
    %mul3A = arith.constant 2 : i32
    %mul3A_0 = arith.muli %arg1, %mul3A : i32
    %add3A = arith.addi %mul3A_0, %arg0 : i32
    %mul3A_1 = arith.constant 640 : i32
    %mul3A_2 = arith.muli %arg1, %mul3A_1 : i32
    "tpu.region"() ({
      %run_scoped3A = tpu.sem_alloc : memref<!tpu.dma_semaphore, #tpu.memory_space<semaphore_mem>>
      %dma_start3A_357 = arith.constant 0 : i32
      %dma_start3A_358 = tpu.memref_slice %arg15[%mul3A_2, %dma_start3A_357] : memref<10240x128xf32, #tpu.memory_space<vmem_shared>> -> memref<640x128xf32, #tpu.memory_space<vmem_shared>>
      tpu.enqueue_dma source(%arg4 : memref<640x128xf32, #tpu.memory_space<hbm>>) target(%dma_start3A_358 : memref<640x128xf32, #tpu.memory_space<vmem_shared>>) target_semaphore(%run_scoped3A : memref<!tpu.dma_semaphore, #tpu.memory_space<semaphore_mem>>)
      %dma_wait3A_359 = arith.constant 0 : i32
      %dma_wait3A_360 = tpu.memref_slice %arg15[%mul3A_2, %dma_wait3A_359] : memref<10240x128xf32, #tpu.memory_space<vmem_shared>> -> memref<640x128xf32, #tpu.memory_space<vmem_shared>>
      tpu.wait_dma2 semaphore(%run_scoped3A : memref<!tpu.dma_semaphore, #tpu.memory_space<semaphore_mem>>) src(%arg4 : memref<640x128xf32, #tpu.memory_space<hbm>>) dst(%dma_wait3A_360 : memref<640x128xf32, #tpu.memory_space<vmem_shared>>)
      tpu.yield
    }) : () -> ()
    %dma_start3A = arith.constant 0 : i32
    %dma_start3A_3 = arith.constant 0 : i32
    %dma_start3A_4 = arith.constant 0 : i32
    %dma_start3A_5 = tpu.memref_slice %arg3[%add3A, %dma_start3A, %dma_start3A_3, %dma_start3A_4] : memref<32x84x2x120xi32, #tpu.memory_space<hbm>> -> memref<1x1x2x120xi32, #tpu.memory_space<hbm>>
    %dma_start3A_6 = tpu.memref_squeeze %dma_start3A_5 : memref<1x1x2x120xi32, #tpu.memory_space<hbm>> -> memref<2x120xi32, #tpu.memory_space<hbm>>
    %dma_start3A_7 = arith.constant 0 : i32
    %dma_start3A_8 = arith.constant 0 : i32
    %dma_start3A_9 = tpu.memref_slice %arg3[%add3A, %dma_start3A, %dma_start3A_7, %dma_start3A_8] : memref<32x84x2x120xi32, #tpu.memory_space<hbm>> -> memref<1x1x2x120xi32, #tpu.memory_space<hbm>>
    %dma_start3A_10 = tpu.memref_squeeze %dma_start3A_9 : memref<1x1x2x120xi32, #tpu.memory_space<hbm>> -> memref<2x120xi32, #tpu.memory_space<hbm>>
    tpu.enqueue_dma source(%dma_start3A_10 : memref<2x120xi32, #tpu.memory_space<hbm>>) target(%arg9 : memref<2x120xi32, #tpu.memory_space<vmem>>) target_semaphore(%arg22 : memref<!tpu.dma_semaphore, #tpu.memory_space<semaphore_mem>>)
    %dma_start3A_11 = arith.constant 1 : i32
    %dma_start3A_12 = arith.constant 0 : i32
    %dma_start3A_13 = arith.constant 0 : i32
    %dma_start3A_14 = tpu.memref_slice %arg3[%add3A, %dma_start3A_11, %dma_start3A_12, %dma_start3A_13] : memref<32x84x2x120xi32, #tpu.memory_space<hbm>> -> memref<1x1x2x120xi32, #tpu.memory_space<hbm>>
    %dma_start3A_15 = tpu.memref_squeeze %dma_start3A_14 : memref<1x1x2x120xi32, #tpu.memory_space<hbm>> -> memref<2x120xi32, #tpu.memory_space<hbm>>
    %dma_start3A_16 = arith.constant 0 : i32
    %dma_start3A_17 = arith.constant 0 : i32
    %dma_start3A_18 = tpu.memref_slice %arg3[%add3A, %dma_start3A_11, %dma_start3A_16, %dma_start3A_17] : memref<32x84x2x120xi32, #tpu.memory_space<hbm>> -> memref<1x1x2x120xi32, #tpu.memory_space<hbm>>
    %dma_start3A_19 = tpu.memref_squeeze %dma_start3A_18 : memref<1x1x2x120xi32, #tpu.memory_space<hbm>> -> memref<2x120xi32, #tpu.memory_space<hbm>>
    tpu.enqueue_dma source(%dma_start3A_19 : memref<2x120xi32, #tpu.memory_space<hbm>>) target(%arg10 : memref<2x120xi32, #tpu.memory_space<vmem>>) target_semaphore(%arg23 : memref<!tpu.dma_semaphore, #tpu.memory_space<semaphore_mem>>)
    %dma_start3A_20 = arith.constant 2 : i32
    %dma_start3A_21 = arith.constant 0 : i32
    %dma_start3A_22 = arith.constant 0 : i32
    %dma_start3A_23 = tpu.memref_slice %arg3[%add3A, %dma_start3A_20, %dma_start3A_21, %dma_start3A_22] : memref<32x84x2x120xi32, #tpu.memory_space<hbm>> -> memref<1x1x2x120xi32, #tpu.memory_space<hbm>>
    %dma_start3A_24 = tpu.memref_squeeze %dma_start3A_23 : memref<1x1x2x120xi32, #tpu.memory_space<hbm>> -> memref<2x120xi32, #tpu.memory_space<hbm>>
    %dma_start3A_25 = arith.constant 0 : i32
    %dma_start3A_26 = arith.constant 0 : i32
    %dma_start3A_27 = tpu.memref_slice %arg3[%add3A, %dma_start3A_20, %dma_start3A_25, %dma_start3A_26] : memref<32x84x2x120xi32, #tpu.memory_space<hbm>> -> memref<1x1x2x120xi32, #tpu.memory_space<hbm>>
    %dma_start3A_28 = tpu.memref_squeeze %dma_start3A_27 : memref<1x1x2x120xi32, #tpu.memory_space<hbm>> -> memref<2x120xi32, #tpu.memory_space<hbm>>
    tpu.enqueue_dma source(%dma_start3A_28 : memref<2x120xi32, #tpu.memory_space<hbm>>) target(%arg11 : memref<2x120xi32, #tpu.memory_space<vmem>>) target_semaphore(%arg24 : memref<!tpu.dma_semaphore, #tpu.memory_space<semaphore_mem>>)
    %barrier3A = arith.constant 0 : index
    tpu.barrier barrier_id(%barrier3A)
    %dma_wait3A = arith.constant 0 : i32
    %dma_wait3A_29 = arith.constant 0 : i32
    %dma_wait3A_30 = arith.constant 0 : i32
    %dma_wait3A_31 = arith.constant 0 : i32
    %dma_wait3A_32 = tpu.memref_slice %arg3[%dma_wait3A, %dma_wait3A_29, %dma_wait3A_30, %dma_wait3A_31] : memref<32x84x2x120xi32, #tpu.memory_space<hbm>> -> memref<1x1x2x120xi32, #tpu.memory_space<hbm>>
    %dma_wait3A_33 = tpu.memref_squeeze %dma_wait3A_32 : memref<1x1x2x120xi32, #tpu.memory_space<hbm>> -> memref<2x120xi32, #tpu.memory_space<hbm>>
    %dma_wait3A_34 = arith.constant 0 : i32
    %dma_wait3A_35 = arith.constant 0 : i32
    %dma_wait3A_36 = tpu.memref_slice %arg3[%dma_wait3A, %dma_wait3A_29, %dma_wait3A_34, %dma_wait3A_35] : memref<32x84x2x120xi32, #tpu.memory_space<hbm>> -> memref<1x1x2x120xi32, #tpu.memory_space<hbm>>
    %dma_wait3A_37 = tpu.memref_squeeze %dma_wait3A_36 : memref<1x1x2x120xi32, #tpu.memory_space<hbm>> -> memref<2x120xi32, #tpu.memory_space<hbm>>
    tpu.wait_dma2 semaphore(%arg22 : memref<!tpu.dma_semaphore, #tpu.memory_space<semaphore_mem>>) src(%dma_wait3A_37 : memref<2x120xi32, #tpu.memory_space<hbm>>) dst(%arg9 : memref<2x120xi32, #tpu.memory_space<vmem>>)
    %dma_start3A_38 = arith.constant 0 : i32
    %dma_start3A_39 = arith.constant 0 : i32
    %dma_start3A_40 = tpu.memref_slice %arg9[%dma_start3A_38, %dma_start3A_39] : memref<2x120xi32, #tpu.memory_space<vmem>> -> memref<1x120xi32, #tpu.memory_space<vmem>>
    %dma_start3A_41 = tpu.memref_squeeze %dma_start3A_40 : memref<1x120xi32, #tpu.memory_space<vmem>> -> memref<120xi32, #tpu.memory_space<vmem>>
    %dma_start3A_42 = arith.constant 0 : i32
    %dma_start3A_43 = arith.constant 0 : i32
    %dma_start3A_44 = tpu.memref_slice %arg2[%dma_start3A_42, %dma_start3A_43] : memref<10000x128xf32, #tpu.memory_space<hbm>> -> memref<10000x128xf32, #tpu.memory_space<hbm>>
    tpu.enqueue_indirect_dma source(%dma_start3A_44 : memref<10000x128xf32, #tpu.memory_space<hbm>>) target(%arg6 : memref<120x128xf32, #tpu.memory_space<vmem>>) offsets(%dma_start3A_41 : memref<120xi32, #tpu.memory_space<vmem>>) semaphore(%arg16 : memref<!tpu.dma_semaphore, #tpu.memory_space<semaphore_mem>>)
    %add3A_45 = arith.constant 0 : i32
    %add3A_46 = arith.constant 3 : i32
    %add3A_47 = arith.addi %add3A_45, %add3A_46 : i32
    %rem3A = arith.constant 84 : i32
    %rem3A_48 = arith.remsi %add3A_47, %rem3A : i32
    %dma_start3A_49 = arith.constant 0 : i32
    %dma_start3A_50 = arith.constant 0 : i32
    %dma_start3A_51 = tpu.memref_slice %arg3[%add3A, %rem3A_48, %dma_start3A_49, %dma_start3A_50] : memref<32x84x2x120xi32, #tpu.memory_space<hbm>> -> memref<1x1x2x120xi32, #tpu.memory_space<hbm>>
    %dma_start3A_52 = tpu.memref_squeeze %dma_start3A_51 : memref<1x1x2x120xi32, #tpu.memory_space<hbm>> -> memref<2x120xi32, #tpu.memory_space<hbm>>
    %dma_start3A_53 = arith.constant 0 : i32
    %dma_start3A_54 = arith.constant 0 : i32
    %dma_start3A_55 = tpu.memref_slice %arg3[%add3A, %rem3A_48, %dma_start3A_53, %dma_start3A_54] : memref<32x84x2x120xi32, #tpu.memory_space<hbm>> -> memref<1x1x2x120xi32, #tpu.memory_space<hbm>>
    %dma_start3A_56 = tpu.memref_squeeze %dma_start3A_55 : memref<1x1x2x120xi32, #tpu.memory_space<hbm>> -> memref<2x120xi32, #tpu.memory_space<hbm>>
    tpu.enqueue_dma source(%dma_start3A_56 : memref<2x120xi32, #tpu.memory_space<hbm>>) target(%arg12 : memref<2x120xi32, #tpu.memory_space<vmem>>) target_semaphore(%arg25 : memref<!tpu.dma_semaphore, #tpu.memory_space<semaphore_mem>>)
    %dma_wait3A_57 = arith.constant 0 : i32
    %dma_wait3A_58 = arith.constant 0 : i32
    %dma_wait3A_59 = arith.constant 0 : i32
    %dma_wait3A_60 = arith.constant 0 : i32
    %dma_wait3A_61 = tpu.memref_slice %arg3[%dma_wait3A_57, %dma_wait3A_58, %dma_wait3A_59, %dma_wait3A_60] : memref<32x84x2x120xi32, #tpu.memory_space<hbm>> -> memref<1x1x2x120xi32, #tpu.memory_space<hbm>>
    %dma_wait3A_62 = tpu.memref_squeeze %dma_wait3A_61 : memref<1x1x2x120xi32, #tpu.memory_space<hbm>> -> memref<2x120xi32, #tpu.memory_space<hbm>>
    %dma_wait3A_63 = arith.constant 0 : i32
    %dma_wait3A_64 = arith.constant 0 : i32
    %dma_wait3A_65 = tpu.memref_slice %arg3[%dma_wait3A_57, %dma_wait3A_58, %dma_wait3A_63, %dma_wait3A_64] : memref<32x84x2x120xi32, #tpu.memory_space<hbm>> -> memref<1x1x2x120xi32, #tpu.memory_space<hbm>>
    %dma_wait3A_66 = tpu.memref_squeeze %dma_wait3A_65 : memref<1x1x2x120xi32, #tpu.memory_space<hbm>> -> memref<2x120xi32, #tpu.memory_space<hbm>>
    tpu.wait_dma2 semaphore(%arg23 : memref<!tpu.dma_semaphore, #tpu.memory_space<semaphore_mem>>) src(%dma_wait3A_66 : memref<2x120xi32, #tpu.memory_space<hbm>>) dst(%arg10 : memref<2x120xi32, #tpu.memory_space<vmem>>)
    %dma_start3A_67 = arith.constant 0 : i32
    %dma_start3A_68 = arith.constant 0 : i32
    %dma_start3A_69 = tpu.memref_slice %arg10[%dma_start3A_67, %dma_start3A_68] : memref<2x120xi32, #tpu.memory_space<vmem>> -> memref<1x120xi32, #tpu.memory_space<vmem>>
    %dma_start3A_70 = tpu.memref_squeeze %dma_start3A_69 : memref<1x120xi32, #tpu.memory_space<vmem>> -> memref<120xi32, #tpu.memory_space<vmem>>
    %dma_start3A_71 = arith.constant 0 : i32
    %dma_start3A_72 = arith.constant 0 : i32
    %dma_start3A_73 = tpu.memref_slice %arg2[%dma_start3A_71, %dma_start3A_72] : memref<10000x128xf32, #tpu.memory_space<hbm>> -> memref<10000x128xf32, #tpu.memory_space<hbm>>
    tpu.enqueue_indirect_dma source(%dma_start3A_73 : memref<10000x128xf32, #tpu.memory_space<hbm>>) target(%arg7 : memref<120x128xf32, #tpu.memory_space<vmem>>) offsets(%dma_start3A_70 : memref<120xi32, #tpu.memory_space<vmem>>) semaphore(%arg17 : memref<!tpu.dma_semaphore, #tpu.memory_space<semaphore_mem>>)
    %add3A_74 = arith.constant 1 : i32
    %add3A_75 = arith.constant 3 : i32
    %add3A_76 = arith.addi %add3A_74, %add3A_75 : i32
    %rem3A_77 = arith.constant 84 : i32
    %rem3A_78 = arith.remsi %add3A_76, %rem3A_77 : i32
    %dma_start3A_79 = arith.constant 0 : i32
    %dma_start3A_80 = arith.constant 0 : i32
    %dma_start3A_81 = tpu.memref_slice %arg3[%add3A, %rem3A_78, %dma_start3A_79, %dma_start3A_80] : memref<32x84x2x120xi32, #tpu.memory_space<hbm>> -> memref<1x1x2x120xi32, #tpu.memory_space<hbm>>
    %dma_start3A_82 = tpu.memref_squeeze %dma_start3A_81 : memref<1x1x2x120xi32, #tpu.memory_space<hbm>> -> memref<2x120xi32, #tpu.memory_space<hbm>>
    %dma_start3A_83 = arith.constant 0 : i32
    %dma_start3A_84 = arith.constant 0 : i32
    %dma_start3A_85 = tpu.memref_slice %arg3[%add3A, %rem3A_78, %dma_start3A_83, %dma_start3A_84] : memref<32x84x2x120xi32, #tpu.memory_space<hbm>> -> memref<1x1x2x120xi32, #tpu.memory_space<hbm>>
    %dma_start3A_86 = tpu.memref_squeeze %dma_start3A_85 : memref<1x1x2x120xi32, #tpu.memory_space<hbm>> -> memref<2x120xi32, #tpu.memory_space<hbm>>
    tpu.enqueue_dma source(%dma_start3A_86 : memref<2x120xi32, #tpu.memory_space<hbm>>) target(%arg13 : memref<2x120xi32, #tpu.memory_space<vmem>>) target_semaphore(%arg26 : memref<!tpu.dma_semaphore, #tpu.memory_space<semaphore_mem>>)
    %dma_wait3A_87 = arith.constant 0 : i32
    %dma_wait3A_88 = arith.constant 0 : i32
    %dma_wait3A_89 = arith.constant 0 : i32
    %dma_wait3A_90 = arith.constant 0 : i32
    %dma_wait3A_91 = tpu.memref_slice %arg3[%dma_wait3A_87, %dma_wait3A_88, %dma_wait3A_89, %dma_wait3A_90] : memref<32x84x2x120xi32, #tpu.memory_space<hbm>> -> memref<1x1x2x120xi32, #tpu.memory_space<hbm>>
    %dma_wait3A_92 = tpu.memref_squeeze %dma_wait3A_91 : memref<1x1x2x120xi32, #tpu.memory_space<hbm>> -> memref<2x120xi32, #tpu.memory_space<hbm>>
    %dma_wait3A_93 = arith.constant 0 : i32
    %dma_wait3A_94 = arith.constant 0 : i32
    %dma_wait3A_95 = tpu.memref_slice %arg3[%dma_wait3A_87, %dma_wait3A_88, %dma_wait3A_93, %dma_wait3A_94] : memref<32x84x2x120xi32, #tpu.memory_space<hbm>> -> memref<1x1x2x120xi32, #tpu.memory_space<hbm>>
    %dma_wait3A_96 = tpu.memref_squeeze %dma_wait3A_95 : memref<1x1x2x120xi32, #tpu.memory_space<hbm>> -> memref<2x120xi32, #tpu.memory_space<hbm>>
    tpu.wait_dma2 semaphore(%arg24 : memref<!tpu.dma_semaphore, #tpu.memory_space<semaphore_mem>>) src(%dma_wait3A_96 : memref<2x120xi32, #tpu.memory_space<hbm>>) dst(%arg11 : memref<2x120xi32, #tpu.memory_space<vmem>>)
    %dma_start3A_97 = arith.constant 0 : i32
    %dma_start3A_98 = arith.constant 0 : i32
    %dma_start3A_99 = tpu.memref_slice %arg11[%dma_start3A_97, %dma_start3A_98] : memref<2x120xi32, #tpu.memory_space<vmem>> -> memref<1x120xi32, #tpu.memory_space<vmem>>
    %dma_start3A_100 = tpu.memref_squeeze %dma_start3A_99 : memref<1x120xi32, #tpu.memory_space<vmem>> -> memref<120xi32, #tpu.memory_space<vmem>>
    %dma_start3A_101 = arith.constant 0 : i32
    %dma_start3A_102 = arith.constant 0 : i32
    %dma_start3A_103 = tpu.memref_slice %arg2[%dma_start3A_101, %dma_start3A_102] : memref<10000x128xf32, #tpu.memory_space<hbm>> -> memref<10000x128xf32, #tpu.memory_space<hbm>>
    tpu.enqueue_indirect_dma source(%dma_start3A_103 : memref<10000x128xf32, #tpu.memory_space<hbm>>) target(%arg8 : memref<120x128xf32, #tpu.memory_space<vmem>>) offsets(%dma_start3A_100 : memref<120xi32, #tpu.memory_space<vmem>>) semaphore(%arg18 : memref<!tpu.dma_semaphore, #tpu.memory_space<semaphore_mem>>)
    %add3A_104 = arith.constant 2 : i32
    %add3A_105 = arith.constant 3 : i32
    %add3A_106 = arith.addi %add3A_104, %add3A_105 : i32
    %rem3A_107 = arith.constant 84 : i32
    %rem3A_108 = arith.remsi %add3A_106, %rem3A_107 : i32
    %dma_start3A_109 = arith.constant 0 : i32
    %dma_start3A_110 = arith.constant 0 : i32
    %dma_start3A_111 = tpu.memref_slice %arg3[%add3A, %rem3A_108, %dma_start3A_109, %dma_start3A_110] : memref<32x84x2x120xi32, #tpu.memory_space<hbm>> -> memref<1x1x2x120xi32, #tpu.memory_space<hbm>>
    %dma_start3A_112 = tpu.memref_squeeze %dma_start3A_111 : memref<1x1x2x120xi32, #tpu.memory_space<hbm>> -> memref<2x120xi32, #tpu.memory_space<hbm>>
    %dma_start3A_113 = arith.constant 0 : i32
    %dma_start3A_114 = arith.constant 0 : i32
    %dma_start3A_115 = tpu.memref_slice %arg3[%add3A, %rem3A_108, %dma_start3A_113, %dma_start3A_114] : memref<32x84x2x120xi32, #tpu.memory_space<hbm>> -> memref<1x1x2x120xi32, #tpu.memory_space<hbm>>
    %dma_start3A_116 = tpu.memref_squeeze %dma_start3A_115 : memref<1x1x2x120xi32, #tpu.memory_space<hbm>> -> memref<2x120xi32, #tpu.memory_space<hbm>>
    tpu.enqueue_dma source(%dma_start3A_116 : memref<2x120xi32, #tpu.memory_space<hbm>>) target(%arg14 : memref<2x120xi32, #tpu.memory_space<vmem>>) target_semaphore(%arg27 : memref<!tpu.dma_semaphore, #tpu.memory_space<semaphore_mem>>)
    %dma_wait3A_117 = arith.constant 0 : i32
    %dma_wait3A_118 = arith.constant 0 : i32
    %dma_wait3A_119 = tpu.memref_slice %arg2[%dma_wait3A_117, %dma_wait3A_118] : memref<10000x128xf32, #tpu.memory_space<hbm>> -> memref<120x128xf32, #tpu.memory_space<hbm>>
    %dma_wait3A_120 = arith.constant 0 : i32
    %dma_wait3A_121 = arith.constant 0 : i32
    %dma_wait3A_122 = tpu.memref_slice %arg2[%dma_wait3A_120, %dma_wait3A_121] : memref<10000x128xf32, #tpu.memory_space<hbm>> -> memref<120x128xf32, #tpu.memory_space<hbm>>
    tpu.wait_dma2 semaphore(%arg16 : memref<!tpu.dma_semaphore, #tpu.memory_space<semaphore_mem>>) src(%dma_wait3A_122 : memref<120x128xf32, #tpu.memory_space<hbm>>) dst(%arg6 : memref<120x128xf32, #tpu.memory_space<vmem>>)
    %dma_start3A_123 = arith.constant 1 : i32
    %dma_start3A_124 = arith.constant 0 : i32
    %dma_start3A_125 = tpu.memref_slice %arg9[%dma_start3A_123, %dma_start3A_124] : memref<2x120xi32, #tpu.memory_space<vmem>> -> memref<1x120xi32, #tpu.memory_space<vmem>>
    %dma_start3A_126 = tpu.memref_squeeze %dma_start3A_125 : memref<1x120xi32, #tpu.memory_space<vmem>> -> memref<120xi32, #tpu.memory_space<vmem>>
    %dma_start3A_127 = arith.constant 0 : i32
    %dma_start3A_128 = arith.constant 0 : i32
    %dma_start3A_129 = tpu.memref_slice %arg15[%dma_start3A_127, %dma_start3A_128] : memref<10240x128xf32, #tpu.memory_space<vmem_shared>> -> memref<10240x128xf32, #tpu.memory_space<vmem_shared>>
    tpu.enqueue_indirect_dma source(%arg6 : memref<120x128xf32, #tpu.memory_space<vmem>>) target(%dma_start3A_129 : memref<10240x128xf32, #tpu.memory_space<vmem_shared>>) offsets(%dma_start3A_126 : memref<120xi32, #tpu.memory_space<vmem>>) semaphore(%arg19 : memref<!tpu.dma_semaphore, #tpu.memory_space<semaphore_mem>>) {add = true}
    %dma_wait3A_130 = arith.constant 0 : i32
    %dma_wait3A_131 = arith.constant 0 : i32
    %dma_wait3A_132 = arith.constant 0 : i32
    %dma_wait3A_133 = arith.constant 0 : i32
    %dma_wait3A_134 = tpu.memref_slice %arg3[%dma_wait3A_130, %dma_wait3A_131, %dma_wait3A_132, %dma_wait3A_133] : memref<32x84x2x120xi32, #tpu.memory_space<hbm>> -> memref<1x1x2x120xi32, #tpu.memory_space<hbm>>
    %dma_wait3A_135 = tpu.memref_squeeze %dma_wait3A_134 : memref<1x1x2x120xi32, #tpu.memory_space<hbm>> -> memref<2x120xi32, #tpu.memory_space<hbm>>
    %dma_wait3A_136 = arith.constant 0 : i32
    %dma_wait3A_137 = arith.constant 0 : i32
    %dma_wait3A_138 = tpu.memref_slice %arg3[%dma_wait3A_130, %dma_wait3A_131, %dma_wait3A_136, %dma_wait3A_137] : memref<32x84x2x120xi32, #tpu.memory_space<hbm>> -> memref<1x1x2x120xi32, #tpu.memory_space<hbm>>
    %dma_wait3A_139 = tpu.memref_squeeze %dma_wait3A_138 : memref<1x1x2x120xi32, #tpu.memory_space<hbm>> -> memref<2x120xi32, #tpu.memory_space<hbm>>
    tpu.wait_dma2 semaphore(%arg25 : memref<!tpu.dma_semaphore, #tpu.memory_space<semaphore_mem>>) src(%dma_wait3A_139 : memref<2x120xi32, #tpu.memory_space<hbm>>) dst(%arg12 : memref<2x120xi32, #tpu.memory_space<vmem>>)
    %dma_wait3A_140 = arith.constant 0 : i32
    %dma_wait3A_141 = arith.constant 0 : i32
    %dma_wait3A_142 = tpu.memref_slice %arg15[%dma_wait3A_140, %dma_wait3A_141] : memref<10240x128xf32, #tpu.memory_space<vmem_shared>> -> memref<120x128xf32, #tpu.memory_space<vmem_shared>>
    %dma_wait3A_143 = arith.constant 0 : i32
    %dma_wait3A_144 = arith.constant 0 : i32
    %dma_wait3A_145 = tpu.memref_slice %arg15[%dma_wait3A_143, %dma_wait3A_144] : memref<10240x128xf32, #tpu.memory_space<vmem_shared>> -> memref<120x128xf32, #tpu.memory_space<vmem_shared>>
    tpu.wait_dma2 semaphore(%arg19 : memref<!tpu.dma_semaphore, #tpu.memory_space<semaphore_mem>>) src(%arg6 : memref<120x128xf32, #tpu.memory_space<vmem>>) dst(%dma_wait3A_145 : memref<120x128xf32, #tpu.memory_space<vmem_shared>>)
    %dma_start3A_146 = arith.constant 0 : i32
    %dma_start3A_147 = arith.constant 0 : i32
    %dma_start3A_148 = tpu.memref_slice %arg12[%dma_start3A_146, %dma_start3A_147] : memref<2x120xi32, #tpu.memory_space<vmem>> -> memref<1x120xi32, #tpu.memory_space<vmem>>
    %dma_start3A_149 = tpu.memref_squeeze %dma_start3A_148 : memref<1x120xi32, #tpu.memory_space<vmem>> -> memref<120xi32, #tpu.memory_space<vmem>>
    %dma_start3A_150 = arith.constant 0 : i32
    %dma_start3A_151 = arith.constant 0 : i32
    %dma_start3A_152 = tpu.memref_slice %arg2[%dma_start3A_150, %dma_start3A_151] : memref<10000x128xf32, #tpu.memory_space<hbm>> -> memref<10000x128xf32, #tpu.memory_space<hbm>>
    tpu.enqueue_indirect_dma source(%dma_start3A_152 : memref<10000x128xf32, #tpu.memory_space<hbm>>) target(%arg6 : memref<120x128xf32, #tpu.memory_space<vmem>>) offsets(%dma_start3A_149 : memref<120xi32, #tpu.memory_space<vmem>>) semaphore(%arg16 : memref<!tpu.dma_semaphore, #tpu.memory_space<semaphore_mem>>)
    %add3A_153 = arith.constant 3 : i32
    %add3A_154 = arith.constant 3 : i32
    %add3A_155 = arith.addi %add3A_153, %add3A_154 : i32
    %rem3A_156 = arith.constant 84 : i32
    %rem3A_157 = arith.remsi %add3A_155, %rem3A_156 : i32
    %dma_start3A_158 = arith.constant 0 : i32
    %dma_start3A_159 = arith.constant 0 : i32
    %dma_start3A_160 = tpu.memref_slice %arg3[%add3A, %rem3A_157, %dma_start3A_158, %dma_start3A_159] : memref<32x84x2x120xi32, #tpu.memory_space<hbm>> -> memref<1x1x2x120xi32, #tpu.memory_space<hbm>>
    %dma_start3A_161 = tpu.memref_squeeze %dma_start3A_160 : memref<1x1x2x120xi32, #tpu.memory_space<hbm>> -> memref<2x120xi32, #tpu.memory_space<hbm>>
    %dma_start3A_162 = arith.constant 0 : i32
    %dma_start3A_163 = arith.constant 0 : i32
    %dma_start3A_164 = tpu.memref_slice %arg3[%add3A, %rem3A_157, %dma_start3A_162, %dma_start3A_163] : memref<32x84x2x120xi32, #tpu.memory_space<hbm>> -> memref<1x1x2x120xi32, #tpu.memory_space<hbm>>
    %dma_start3A_165 = tpu.memref_squeeze %dma_start3A_164 : memref<1x1x2x120xi32, #tpu.memory_space<hbm>> -> memref<2x120xi32, #tpu.memory_space<hbm>>
    tpu.enqueue_dma source(%dma_start3A_165 : memref<2x120xi32, #tpu.memory_space<hbm>>) target(%arg9 : memref<2x120xi32, #tpu.memory_space<vmem>>) target_semaphore(%arg22 : memref<!tpu.dma_semaphore, #tpu.memory_space<semaphore_mem>>)
    %dma_wait3A_166 = arith.constant 0 : i32
    %dma_wait3A_167 = arith.constant 0 : i32
    %dma_wait3A_168 = tpu.memref_slice %arg2[%dma_wait3A_166, %dma_wait3A_167] : memref<10000x128xf32, #tpu.memory_space<hbm>> -> memref<120x128xf32, #tpu.memory_space<hbm>>
    %dma_wait3A_169 = arith.constant 0 : i32
    %dma_wait3A_170 = arith.constant 0 : i32
    %dma_wait3A_171 = tpu.memref_slice %arg2[%dma_wait3A_169, %dma_wait3A_170] : memref<10000x128xf32, #tpu.memory_space<hbm>> -> memref<120x128xf32, #tpu.memory_space<hbm>>
    tpu.wait_dma2 semaphore(%arg17 : memref<!tpu.dma_semaphore, #tpu.memory_space<semaphore_mem>>) src(%dma_wait3A_171 : memref<120x128xf32, #tpu.memory_space<hbm>>) dst(%arg7 : memref<120x128xf32, #tpu.memory_space<vmem>>)
    %dma_start3A_172 = arith.constant 1 : i32
    %dma_start3A_173 = arith.constant 0 : i32
    %dma_start3A_174 = tpu.memref_slice %arg10[%dma_start3A_172, %dma_start3A_173] : memref<2x120xi32, #tpu.memory_space<vmem>> -> memref<1x120xi32, #tpu.memory_space<vmem>>
    %dma_start3A_175 = tpu.memref_squeeze %dma_start3A_174 : memref<1x120xi32, #tpu.memory_space<vmem>> -> memref<120xi32, #tpu.memory_space<vmem>>
    %dma_start3A_176 = arith.constant 0 : i32
    %dma_start3A_177 = arith.constant 0 : i32
    %dma_start3A_178 = tpu.memref_slice %arg15[%dma_start3A_176, %dma_start3A_177] : memref<10240x128xf32, #tpu.memory_space<vmem_shared>> -> memref<10240x128xf32, #tpu.memory_space<vmem_shared>>
    tpu.enqueue_indirect_dma source(%arg7 : memref<120x128xf32, #tpu.memory_space<vmem>>) target(%dma_start3A_178 : memref<10240x128xf32, #tpu.memory_space<vmem_shared>>) offsets(%dma_start3A_175 : memref<120xi32, #tpu.memory_space<vmem>>) semaphore(%arg20 : memref<!tpu.dma_semaphore, #tpu.memory_space<semaphore_mem>>) {add = true}
    %dma_wait3A_179 = arith.constant 0 : i32
    %dma_wait3A_180 = arith.constant 0 : i32
    %dma_wait3A_181 = arith.constant 0 : i32
    %dma_wait3A_182 = arith.constant 0 : i32
    %dma_wait3A_183 = tpu.memref_slice %arg3[%dma_wait3A_179, %dma_wait3A_180, %dma_wait3A_181, %dma_wait3A_182] : memref<32x84x2x120xi32, #tpu.memory_space<hbm>> -> memref<1x1x2x120xi32, #tpu.memory_space<hbm>>
    %dma_wait3A_184 = tpu.memref_squeeze %dma_wait3A_183 : memref<1x1x2x120xi32, #tpu.memory_space<hbm>> -> memref<2x120xi32, #tpu.memory_space<hbm>>
    %dma_wait3A_185 = arith.constant 0 : i32
    %dma_wait3A_186 = arith.constant 0 : i32
    %dma_wait3A_187 = tpu.memref_slice %arg3[%dma_wait3A_179, %dma_wait3A_180, %dma_wait3A_185, %dma_wait3A_186] : memref<32x84x2x120xi32, #tpu.memory_space<hbm>> -> memref<1x1x2x120xi32, #tpu.memory_space<hbm>>
    %dma_wait3A_188 = tpu.memref_squeeze %dma_wait3A_187 : memref<1x1x2x120xi32, #tpu.memory_space<hbm>> -> memref<2x120xi32, #tpu.memory_space<hbm>>
    tpu.wait_dma2 semaphore(%arg26 : memref<!tpu.dma_semaphore, #tpu.memory_space<semaphore_mem>>) src(%dma_wait3A_188 : memref<2x120xi32, #tpu.memory_space<hbm>>) dst(%arg13 : memref<2x120xi32, #tpu.memory_space<vmem>>)
    %dma_wait3A_189 = arith.constant 0 : i32
    %dma_wait3A_190 = arith.constant 0 : i32
    %dma_wait3A_191 = tpu.memref_slice %arg15[%dma_wait3A_189, %dma_wait3A_190] : memref<10240x128xf32, #tpu.memory_space<vmem_shared>> -> memref<120x128xf32, #tpu.memory_space<vmem_shared>>
    %dma_wait3A_192 = arith.constant 0 : i32
    %dma_wait3A_193 = arith.constant 0 : i32
    %dma_wait3A_194 = tpu.memref_slice %arg15[%dma_wait3A_192, %dma_wait3A_193] : memref<10240x128xf32, #tpu.memory_space<vmem_shared>> -> memref<120x128xf32, #tpu.memory_space<vmem_shared>>
    tpu.wait_dma2 semaphore(%arg20 : memref<!tpu.dma_semaphore, #tpu.memory_space<semaphore_mem>>) src(%arg7 : memref<120x128xf32, #tpu.memory_space<vmem>>) dst(%dma_wait3A_194 : memref<120x128xf32, #tpu.memory_space<vmem_shared>>)
    %dma_start3A_195 = arith.constant 0 : i32
    %dma_start3A_196 = arith.constant 0 : i32
    %dma_start3A_197 = tpu.memref_slice %arg13[%dma_start3A_195, %dma_start3A_196] : memref<2x120xi32, #tpu.memory_space<vmem>> -> memref<1x120xi32, #tpu.memory_space<vmem>>
    %dma_start3A_198 = tpu.memref_squeeze %dma_start3A_197 : memref<1x120xi32, #tpu.memory_space<vmem>> -> memref<120xi32, #tpu.memory_space<vmem>>
    %dma_start3A_199 = arith.constant 0 : i32
    %dma_start3A_200 = arith.constant 0 : i32
    %dma_start3A_201 = tpu.memref_slice %arg2[%dma_start3A_199, %dma_start3A_200] : memref<10000x128xf32, #tpu.memory_space<hbm>> -> memref<10000x128xf32, #tpu.memory_space<hbm>>
    tpu.enqueue_indirect_dma source(%dma_start3A_201 : memref<10000x128xf32, #tpu.memory_space<hbm>>) target(%arg7 : memref<120x128xf32, #tpu.memory_space<vmem>>) offsets(%dma_start3A_198 : memref<120xi32, #tpu.memory_space<vmem>>) semaphore(%arg17 : memref<!tpu.dma_semaphore, #tpu.memory_space<semaphore_mem>>)
    %add3A_202 = arith.constant 4 : i32
    %add3A_203 = arith.constant 3 : i32
    %add3A_204 = arith.addi %add3A_202, %add3A_203 : i32
    %rem3A_205 = arith.constant 84 : i32
    %rem3A_206 = arith.remsi %add3A_204, %rem3A_205 : i32
    %dma_start3A_207 = arith.constant 0 : i32
    %dma_start3A_208 = arith.constant 0 : i32
    %dma_start3A_209 = tpu.memref_slice %arg3[%add3A, %rem3A_206, %dma_start3A_207, %dma_start3A_208] : memref<32x84x2x120xi32, #tpu.memory_space<hbm>> -> memref<1x1x2x120xi32, #tpu.memory_space<hbm>>
    %dma_start3A_210 = tpu.memref_squeeze %dma_start3A_209 : memref<1x1x2x120xi32, #tpu.memory_space<hbm>> -> memref<2x120xi32, #tpu.memory_space<hbm>>
    %dma_start3A_211 = arith.constant 0 : i32
    %dma_start3A_212 = arith.constant 0 : i32
    %dma_start3A_213 = tpu.memref_slice %arg3[%add3A, %rem3A_206, %dma_start3A_211, %dma_start3A_212] : memref<32x84x2x120xi32, #tpu.memory_space<hbm>> -> memref<1x1x2x120xi32, #tpu.memory_space<hbm>>
    %dma_start3A_214 = tpu.memref_squeeze %dma_start3A_213 : memref<1x1x2x120xi32, #tpu.memory_space<hbm>> -> memref<2x120xi32, #tpu.memory_space<hbm>>
    tpu.enqueue_dma source(%dma_start3A_214 : memref<2x120xi32, #tpu.memory_space<hbm>>) target(%arg10 : memref<2x120xi32, #tpu.memory_space<vmem>>) target_semaphore(%arg23 : memref<!tpu.dma_semaphore, #tpu.memory_space<semaphore_mem>>)
    %dma_wait3A_215 = arith.constant 0 : i32
    %dma_wait3A_216 = arith.constant 0 : i32
    %dma_wait3A_217 = tpu.memref_slice %arg2[%dma_wait3A_215, %dma_wait3A_216] : memref<10000x128xf32, #tpu.memory_space<hbm>> -> memref<120x128xf32, #tpu.memory_space<hbm>>
    %dma_wait3A_218 = arith.constant 0 : i32
    %dma_wait3A_219 = arith.constant 0 : i32
    %dma_wait3A_220 = tpu.memref_slice %arg2[%dma_wait3A_218, %dma_wait3A_219] : memref<10000x128xf32, #tpu.memory_space<hbm>> -> memref<120x128xf32, #tpu.memory_space<hbm>>
    tpu.wait_dma2 semaphore(%arg18 : memref<!tpu.dma_semaphore, #tpu.memory_space<semaphore_mem>>) src(%dma_wait3A_220 : memref<120x128xf32, #tpu.memory_space<hbm>>) dst(%arg8 : memref<120x128xf32, #tpu.memory_space<vmem>>)
    %dma_start3A_221 = arith.constant 1 : i32
    %dma_start3A_222 = arith.constant 0 : i32
    %dma_start3A_223 = tpu.memref_slice %arg11[%dma_start3A_221, %dma_start3A_222] : memref<2x120xi32, #tpu.memory_space<vmem>> -> memref<1x120xi32, #tpu.memory_space<vmem>>
    %dma_start3A_224 = tpu.memref_squeeze %dma_start3A_223 : memref<1x120xi32, #tpu.memory_space<vmem>> -> memref<120xi32, #tpu.memory_space<vmem>>
    %dma_start3A_225 = arith.constant 0 : i32
    %dma_start3A_226 = arith.constant 0 : i32
    %dma_start3A_227 = tpu.memref_slice %arg15[%dma_start3A_225, %dma_start3A_226] : memref<10240x128xf32, #tpu.memory_space<vmem_shared>> -> memref<10240x128xf32, #tpu.memory_space<vmem_shared>>
    tpu.enqueue_indirect_dma source(%arg8 : memref<120x128xf32, #tpu.memory_space<vmem>>) target(%dma_start3A_227 : memref<10240x128xf32, #tpu.memory_space<vmem_shared>>) offsets(%dma_start3A_224 : memref<120xi32, #tpu.memory_space<vmem>>) semaphore(%arg21 : memref<!tpu.dma_semaphore, #tpu.memory_space<semaphore_mem>>) {add = true}
    %dma_wait3A_228 = arith.constant 0 : i32
    %dma_wait3A_229 = arith.constant 0 : i32
    %dma_wait3A_230 = arith.constant 0 : i32
    %dma_wait3A_231 = arith.constant 0 : i32
    %dma_wait3A_232 = tpu.memref_slice %arg3[%dma_wait3A_228, %dma_wait3A_229, %dma_wait3A_230, %dma_wait3A_231] : memref<32x84x2x120xi32, #tpu.memory_space<hbm>> -> memref<1x1x2x120xi32, #tpu.memory_space<hbm>>
    %dma_wait3A_233 = tpu.memref_squeeze %dma_wait3A_232 : memref<1x1x2x120xi32, #tpu.memory_space<hbm>> -> memref<2x120xi32, #tpu.memory_space<hbm>>
    %dma_wait3A_234 = arith.constant 0 : i32
    %dma_wait3A_235 = arith.constant 0 : i32
    %dma_wait3A_236 = tpu.memref_slice %arg3[%dma_wait3A_228, %dma_wait3A_229, %dma_wait3A_234, %dma_wait3A_235] : memref<32x84x2x120xi32, #tpu.memory_space<hbm>> -> memref<1x1x2x120xi32, #tpu.memory_space<hbm>>
    %dma_wait3A_237 = tpu.memref_squeeze %dma_wait3A_236 : memref<1x1x2x120xi32, #tpu.memory_space<hbm>> -> memref<2x120xi32, #tpu.memory_space<hbm>>
    tpu.wait_dma2 semaphore(%arg27 : memref<!tpu.dma_semaphore, #tpu.memory_space<semaphore_mem>>) src(%dma_wait3A_237 : memref<2x120xi32, #tpu.memory_space<hbm>>) dst(%arg14 : memref<2x120xi32, #tpu.memory_space<vmem>>)
    %dma_wait3A_238 = arith.constant 0 : i32
    %dma_wait3A_239 = arith.constant 0 : i32
    %dma_wait3A_240 = tpu.memref_slice %arg15[%dma_wait3A_238, %dma_wait3A_239] : memref<10240x128xf32, #tpu.memory_space<vmem_shared>> -> memref<120x128xf32, #tpu.memory_space<vmem_shared>>
    %dma_wait3A_241 = arith.constant 0 : i32
    %dma_wait3A_242 = arith.constant 0 : i32
    %dma_wait3A_243 = tpu.memref_slice %arg15[%dma_wait3A_241, %dma_wait3A_242] : memref<10240x128xf32, #tpu.memory_space<vmem_shared>> -> memref<120x128xf32, #tpu.memory_space<vmem_shared>>
    tpu.wait_dma2 semaphore(%arg21 : memref<!tpu.dma_semaphore, #tpu.memory_space<semaphore_mem>>) src(%arg8 : memref<120x128xf32, #tpu.memory_space<vmem>>) dst(%dma_wait3A_243 : memref<120x128xf32, #tpu.memory_space<vmem_shared>>)
    %dma_start3A_244 = arith.constant 0 : i32
    %dma_start3A_245 = arith.constant 0 : i32
    %dma_start3A_246 = tpu.memref_slice %arg14[%dma_start3A_244, %dma_start3A_245] : memref<2x120xi32, #tpu.memory_space<vmem>> -> memref<1x120xi32, #tpu.memory_space<vmem>>
    %dma_start3A_247 = tpu.memref_squeeze %dma_start3A_246 : memref<1x120xi32, #tpu.memory_space<vmem>> -> memref<120xi32, #tpu.memory_space<vmem>>
    %dma_start3A_248 = arith.constant 0 : i32
    %dma_start3A_249 = arith.constant 0 : i32
    %dma_start3A_250 = tpu.memref_slice %arg2[%dma_start3A_248, %dma_start3A_249] : memref<10000x128xf32, #tpu.memory_space<hbm>> -> memref<10000x128xf32, #tpu.memory_space<hbm>>
    tpu.enqueue_indirect_dma source(%dma_start3A_250 : memref<10000x128xf32, #tpu.memory_space<hbm>>) target(%arg8 : memref<120x128xf32, #tpu.memory_space<vmem>>) offsets(%dma_start3A_247 : memref<120xi32, #tpu.memory_space<vmem>>) semaphore(%arg18 : memref<!tpu.dma_semaphore, #tpu.memory_space<semaphore_mem>>)
    %add3A_251 = arith.constant 5 : i32
    %add3A_252 = arith.constant 3 : i32
    %add3A_253 = arith.addi %add3A_251, %add3A_252 : i32
    %rem3A_254 = arith.constant 84 : i32
    %rem3A_255 = arith.remsi %add3A_253, %rem3A_254 : i32
    %dma_start3A_256 = arith.constant 0 : i32
    %dma_start3A_257 = arith.constant 0 : i32
    %dma_start3A_258 = tpu.memref_slice %arg3[%add3A, %rem3A_255, %dma_start3A_256, %dma_start3A_257] : memref<32x84x2x120xi32, #tpu.memory_space<hbm>> -> memref<1x1x2x120xi32, #tpu.memory_space<hbm>>
    %dma_start3A_259 = tpu.memref_squeeze %dma_start3A_258 : memref<1x1x2x120xi32, #tpu.memory_space<hbm>> -> memref<2x120xi32, #tpu.memory_space<hbm>>
    %dma_start3A_260 = arith.constant 0 : i32
    %dma_start3A_261 = arith.constant 0 : i32
    %dma_start3A_262 = tpu.memref_slice %arg3[%add3A, %rem3A_255, %dma_start3A_260, %dma_start3A_261] : memref<32x84x2x120xi32, #tpu.memory_space<hbm>> -> memref<1x1x2x120xi32, #tpu.memory_space<hbm>>
    %dma_start3A_263 = tpu.memref_squeeze %dma_start3A_262 : memref<1x1x2x120xi32, #tpu.memory_space<hbm>> -> memref<2x120xi32, #tpu.memory_space<hbm>>
    tpu.enqueue_dma source(%dma_start3A_263 : memref<2x120xi32, #tpu.memory_space<hbm>>) target(%arg11 : memref<2x120xi32, #tpu.memory_space<vmem>>) target_semaphore(%arg24 : memref<!tpu.dma_semaphore, #tpu.memory_space<semaphore_mem>>)
    %dma_wait3A_264 = arith.constant 0 : i32
    %dma_wait3A_265 = arith.constant 0 : i32
    %dma_wait3A_266 = tpu.memref_slice %arg2[%dma_wait3A_264, %dma_wait3A_265] : memref<10000x128xf32, #tpu.memory_space<hbm>> -> memref<120x128xf32, #tpu.memory_space<hbm>>
    %dma_wait3A_267 = arith.constant 0 : i32
    %dma_wait3A_268 = arith.constant 0 : i32
    %dma_wait3A_269 = tpu.memref_slice %arg2[%dma_wait3A_267, %dma_wait3A_268] : memref<10000x128xf32, #tpu.memory_space<hbm>> -> memref<120x128xf32, #tpu.memory_space<hbm>>
    tpu.wait_dma2 semaphore(%arg16 : memref<!tpu.dma_semaphore, #tpu.memory_space<semaphore_mem>>) src(%dma_wait3A_269 : memref<120x128xf32, #tpu.memory_space<hbm>>) dst(%arg6 : memref<120x128xf32, #tpu.memory_space<vmem>>)
    %dma_start3A_270 = arith.constant 1 : i32
    %dma_start3A_271 = arith.constant 0 : i32
    %dma_start3A_272 = tpu.memref_slice %arg12[%dma_start3A_270, %dma_start3A_271] : memref<2x120xi32, #tpu.memory_space<vmem>> -> memref<1x120xi32, #tpu.memory_space<vmem>>
    %dma_start3A_273 = tpu.memref_squeeze %dma_start3A_272 : memref<1x120xi32, #tpu.memory_space<vmem>> -> memref<120xi32, #tpu.memory_space<vmem>>
    %dma_start3A_274 = arith.constant 0 : i32
    %dma_start3A_275 = arith.constant 0 : i32
    %dma_start3A_276 = tpu.memref_slice %arg15[%dma_start3A_274, %dma_start3A_275] : memref<10240x128xf32, #tpu.memory_space<vmem_shared>> -> memref<10240x128xf32, #tpu.memory_space<vmem_shared>>
    tpu.enqueue_indirect_dma source(%arg6 : memref<120x128xf32, #tpu.memory_space<vmem>>) target(%dma_start3A_276 : memref<10240x128xf32, #tpu.memory_space<vmem_shared>>) offsets(%dma_start3A_273 : memref<120xi32, #tpu.memory_space<vmem>>) semaphore(%arg19 : memref<!tpu.dma_semaphore, #tpu.memory_space<semaphore_mem>>) {add = true}
    %scan3A = arith.constant 0 : i32
    %scan3A_277 = arith.constant 1 : i32
    %scan3A_278 = arith.constant 13 : i32
    %scan3A_279 = arith.addi %scan3A_277, %scan3A_278 : i32
    %scan3A_280 = arith.constant 1 : i32
    scf.for %scan3A_357 = %scan3A_277 to %scan3A_279 step %scan3A_280  : i32 {
      %mul3A_358 = arith.constant 6 : i32
      %mul3A_359 = arith.muli %scan3A_357, %mul3A_358 : i32
      %add3A_360 = arith.constant 0 : i32
      %add3A_361 = arith.addi %mul3A_359, %add3A_360 : i32
      %dma_wait3A_362 = arith.constant 0 : i32
      %dma_wait3A_363 = arith.constant 0 : i32
      %dma_wait3A_364 = arith.constant 0 : i32
      %dma_wait3A_365 = arith.constant 0 : i32
      %dma_wait3A_366 = tpu.memref_slice %arg3[%dma_wait3A_362, %dma_wait3A_363, %dma_wait3A_364, %dma_wait3A_365] : memref<32x84x2x120xi32, #tpu.memory_space<hbm>> -> memref<1x1x2x120xi32, #tpu.memory_space<hbm>>
      %dma_wait3A_367 = tpu.memref_squeeze %dma_wait3A_366 : memref<1x1x2x120xi32, #tpu.memory_space<hbm>> -> memref<2x120xi32, #tpu.memory_space<hbm>>
      %dma_wait3A_368 = arith.constant 0 : i32
      %dma_wait3A_369 = arith.constant 0 : i32
      %dma_wait3A_370 = tpu.memref_slice %arg3[%dma_wait3A_362, %dma_wait3A_363, %dma_wait3A_368, %dma_wait3A_369] : memref<32x84x2x120xi32, #tpu.memory_space<hbm>> -> memref<1x1x2x120xi32, #tpu.memory_space<hbm>>
      %dma_wait3A_371 = tpu.memref_squeeze %dma_wait3A_370 : memref<1x1x2x120xi32, #tpu.memory_space<hbm>> -> memref<2x120xi32, #tpu.memory_space<hbm>>
      tpu.wait_dma2 semaphore(%arg22 : memref<!tpu.dma_semaphore, #tpu.memory_space<semaphore_mem>>) src(%dma_wait3A_371 : memref<2x120xi32, #tpu.memory_space<hbm>>) dst(%arg9 : memref<2x120xi32, #tpu.memory_space<vmem>>)
      %dma_wait3A_372 = arith.constant 0 : i32
      %dma_wait3A_373 = arith.constant 0 : i32
      %dma_wait3A_374 = tpu.memref_slice %arg15[%dma_wait3A_372, %dma_wait3A_373] : memref<10240x128xf32, #tpu.memory_space<vmem_shared>> -> memref<120x128xf32, #tpu.memory_space<vmem_shared>>
      %dma_wait3A_375 = arith.constant 0 : i32
      %dma_wait3A_376 = arith.constant 0 : i32
      %dma_wait3A_377 = tpu.memref_slice %arg15[%dma_wait3A_375, %dma_wait3A_376] : memref<10240x128xf32, #tpu.memory_space<vmem_shared>> -> memref<120x128xf32, #tpu.memory_space<vmem_shared>>
      tpu.wait_dma2 semaphore(%arg19 : memref<!tpu.dma_semaphore, #tpu.memory_space<semaphore_mem>>) src(%arg6 : memref<120x128xf32, #tpu.memory_space<vmem>>) dst(%dma_wait3A_377 : memref<120x128xf32, #tpu.memory_space<vmem_shared>>)
      %dma_start3A_378 = arith.constant 0 : i32
      %dma_start3A_379 = arith.constant 0 : i32
      %dma_start3A_380 = tpu.memref_slice %arg9[%dma_start3A_378, %dma_start3A_379] : memref<2x120xi32, #tpu.memory_space<vmem>> -> memref<1x120xi32, #tpu.memory_space<vmem>>
      %dma_start3A_381 = tpu.memref_squeeze %dma_start3A_380 : memref<1x120xi32, #tpu.memory_space<vmem>> -> memref<120xi32, #tpu.memory_space<vmem>>
      %dma_start3A_382 = arith.constant 0 : i32
      %dma_start3A_383 = arith.constant 0 : i32
      %dma_start3A_384 = tpu.memref_slice %arg2[%dma_start3A_382, %dma_start3A_383] : memref<10000x128xf32, #tpu.memory_space<hbm>> -> memref<10000x128xf32, #tpu.memory_space<hbm>>
      tpu.enqueue_indirect_dma source(%dma_start3A_384 : memref<10000x128xf32, #tpu.memory_space<hbm>>) target(%arg6 : memref<120x128xf32, #tpu.memory_space<vmem>>) offsets(%dma_start3A_381 : memref<120xi32, #tpu.memory_space<vmem>>) semaphore(%arg16 : memref<!tpu.dma_semaphore, #tpu.memory_space<semaphore_mem>>)
      %add3A_385 = arith.constant 3 : i32
      %add3A_386 = arith.addi %add3A_361, %add3A_385 : i32
      %rem3A_387 = arith.constant 84 : i32
      %rem3A_388 = arith.remsi %add3A_386, %rem3A_387 : i32
      %dma_start3A_389 = arith.constant 0 : i32
      %dma_start3A_390 = arith.constant 0 : i32
      %dma_start3A_391 = tpu.memref_slice %arg3[%add3A, %rem3A_388, %dma_start3A_389, %dma_start3A_390] : memref<32x84x2x120xi32, #tpu.memory_space<hbm>> -> memref<1x1x2x120xi32, #tpu.memory_space<hbm>>
      %dma_start3A_392 = tpu.memref_squeeze %dma_start3A_391 : memref<1x1x2x120xi32, #tpu.memory_space<hbm>> -> memref<2x120xi32, #tpu.memory_space<hbm>>
      %dma_start3A_393 = arith.constant 0 : i32
      %dma_start3A_394 = arith.constant 0 : i32
      %dma_start3A_395 = tpu.memref_slice %arg3[%add3A, %rem3A_388, %dma_start3A_393, %dma_start3A_394] : memref<32x84x2x120xi32, #tpu.memory_space<hbm>> -> memref<1x1x2x120xi32, #tpu.memory_space<hbm>>
      %dma_start3A_396 = tpu.memref_squeeze %dma_start3A_395 : memref<1x1x2x120xi32, #tpu.memory_space<hbm>> -> memref<2x120xi32, #tpu.memory_space<hbm>>
      tpu.enqueue_dma source(%dma_start3A_396 : memref<2x120xi32, #tpu.memory_space<hbm>>) target(%arg12 : memref<2x120xi32, #tpu.memory_space<vmem>>) target_semaphore(%arg25 : memref<!tpu.dma_semaphore, #tpu.memory_space<semaphore_mem>>)
      %dma_wait3A_397 = arith.constant 0 : i32
      %dma_wait3A_398 = arith.constant 0 : i32
      %dma_wait3A_399 = tpu.memref_slice %arg2[%dma_wait3A_397, %dma_wait3A_398] : memref<10000x128xf32, #tpu.memory_space<hbm>> -> memref<120x128xf32, #tpu.memory_space<hbm>>
      %dma_wait3A_400 = arith.constant 0 : i32
      %dma_wait3A_401 = arith.constant 0 : i32
      %dma_wait3A_402 = tpu.memref_slice %arg2[%dma_wait3A_400, %dma_wait3A_401] : memref<10000x128xf32, #tpu.memory_space<hbm>> -> memref<120x128xf32, #tpu.memory_space<hbm>>
      tpu.wait_dma2 semaphore(%arg17 : memref<!tpu.dma_semaphore, #tpu.memory_space<semaphore_mem>>) src(%dma_wait3A_402 : memref<120x128xf32, #tpu.memory_space<hbm>>) dst(%arg7 : memref<120x128xf32, #tpu.memory_space<vmem>>)
      %dma_start3A_403 = arith.constant 1 : i32
      %dma_start3A_404 = arith.constant 0 : i32
      %dma_start3A_405 = tpu.memref_slice %arg13[%dma_start3A_403, %dma_start3A_404] : memref<2x120xi32, #tpu.memory_space<vmem>> -> memref<1x120xi32, #tpu.memory_space<vmem>>
      %dma_start3A_406 = tpu.memref_squeeze %dma_start3A_405 : memref<1x120xi32, #tpu.memory_space<vmem>> -> memref<120xi32, #tpu.memory_space<vmem>>
      %dma_start3A_407 = arith.constant 0 : i32
      %dma_start3A_408 = arith.constant 0 : i32
      %dma_start3A_409 = tpu.memref_slice %arg15[%dma_start3A_407, %dma_start3A_408] : memref<10240x128xf32, #tpu.memory_space<vmem_shared>> -> memref<10240x128xf32, #tpu.memory_space<vmem_shared>>
      tpu.enqueue_indirect_dma source(%arg7 : memref<120x128xf32, #tpu.memory_space<vmem>>) target(%dma_start3A_409 : memref<10240x128xf32, #tpu.memory_space<vmem_shared>>) offsets(%dma_start3A_406 : memref<120xi32, #tpu.memory_space<vmem>>) semaphore(%arg20 : memref<!tpu.dma_semaphore, #tpu.memory_space<semaphore_mem>>) {add = true}
      %mul3A_410 = arith.constant 6 : i32
      %mul3A_411 = arith.muli %scan3A_357, %mul3A_410 : i32
      %add3A_412 = arith.constant 1 : i32
      %add3A_413 = arith.addi %mul3A_411, %add3A_412 : i32
      %dma_wait3A_414 = arith.constant 0 : i32
      %dma_wait3A_415 = arith.constant 0 : i32
      %dma_wait3A_416 = arith.constant 0 : i32
      %dma_wait3A_417 = arith.constant 0 : i32
      %dma_wait3A_418 = tpu.memref_slice %arg3[%dma_wait3A_414, %dma_wait3A_415, %dma_wait3A_416, %dma_wait3A_417] : memref<32x84x2x120xi32, #tpu.memory_space<hbm>> -> memref<1x1x2x120xi32, #tpu.memory_space<hbm>>
      %dma_wait3A_419 = tpu.memref_squeeze %dma_wait3A_418 : memref<1x1x2x120xi32, #tpu.memory_space<hbm>> -> memref<2x120xi32, #tpu.memory_space<hbm>>
      %dma_wait3A_420 = arith.constant 0 : i32
      %dma_wait3A_421 = arith.constant 0 : i32
      %dma_wait3A_422 = tpu.memref_slice %arg3[%dma_wait3A_414, %dma_wait3A_415, %dma_wait3A_420, %dma_wait3A_421] : memref<32x84x2x120xi32, #tpu.memory_space<hbm>> -> memref<1x1x2x120xi32, #tpu.memory_space<hbm>>
      %dma_wait3A_423 = tpu.memref_squeeze %dma_wait3A_422 : memref<1x1x2x120xi32, #tpu.memory_space<hbm>> -> memref<2x120xi32, #tpu.memory_space<hbm>>
      tpu.wait_dma2 semaphore(%arg23 : memref<!tpu.dma_semaphore, #tpu.memory_space<semaphore_mem>>) src(%dma_wait3A_423 : memref<2x120xi32, #tpu.memory_space<hbm>>) dst(%arg10 : memref<2x120xi32, #tpu.memory_space<vmem>>)
      %dma_wait3A_424 = arith.constant 0 : i32
      %dma_wait3A_425 = arith.constant 0 : i32
      %dma_wait3A_426 = tpu.memref_slice %arg15[%dma_wait3A_424, %dma_wait3A_425] : memref<10240x128xf32, #tpu.memory_space<vmem_shared>> -> memref<120x128xf32, #tpu.memory_space<vmem_shared>>
      %dma_wait3A_427 = arith.constant 0 : i32
      %dma_wait3A_428 = arith.constant 0 : i32
      %dma_wait3A_429 = tpu.memref_slice %arg15[%dma_wait3A_427, %dma_wait3A_428] : memref<10240x128xf32, #tpu.memory_space<vmem_shared>> -> memref<120x128xf32, #tpu.memory_space<vmem_shared>>
      tpu.wait_dma2 semaphore(%arg20 : memref<!tpu.dma_semaphore, #tpu.memory_space<semaphore_mem>>) src(%arg7 : memref<120x128xf32, #tpu.memory_space<vmem>>) dst(%dma_wait3A_429 : memref<120x128xf32, #tpu.memory_space<vmem_shared>>)
      %dma_start3A_430 = arith.constant 0 : i32
      %dma_start3A_431 = arith.constant 0 : i32
      %dma_start3A_432 = tpu.memref_slice %arg10[%dma_start3A_430, %dma_start3A_431] : memref<2x120xi32, #tpu.memory_space<vmem>> -> memref<1x120xi32, #tpu.memory_space<vmem>>
      %dma_start3A_433 = tpu.memref_squeeze %dma_start3A_432 : memref<1x120xi32, #tpu.memory_space<vmem>> -> memref<120xi32, #tpu.memory_space<vmem>>
      %dma_start3A_434 = arith.constant 0 : i32
      %dma_start3A_435 = arith.constant 0 : i32
      %dma_start3A_436 = tpu.memref_slice %arg2[%dma_start3A_434, %dma_start3A_435] : memref<10000x128xf32, #tpu.memory_space<hbm>> -> memref<10000x128xf32, #tpu.memory_space<hbm>>
      tpu.enqueue_indirect_dma source(%dma_start3A_436 : memref<10000x128xf32, #tpu.memory_space<hbm>>) target(%arg7 : memref<120x128xf32, #tpu.memory_space<vmem>>) offsets(%dma_start3A_433 : memref<120xi32, #tpu.memory_space<vmem>>) semaphore(%arg17 : memref<!tpu.dma_semaphore, #tpu.memory_space<semaphore_mem>>)
      %add3A_437 = arith.constant 3 : i32
      %add3A_438 = arith.addi %add3A_413, %add3A_437 : i32
      %rem3A_439 = arith.constant 84 : i32
      %rem3A_440 = arith.remsi %add3A_438, %rem3A_439 : i32
      %dma_start3A_441 = arith.constant 0 : i32
      %dma_start3A_442 = arith.constant 0 : i32
      %dma_start3A_443 = tpu.memref_slice %arg3[%add3A, %rem3A_440, %dma_start3A_441, %dma_start3A_442] : memref<32x84x2x120xi32, #tpu.memory_space<hbm>> -> memref<1x1x2x120xi32, #tpu.memory_space<hbm>>
      %dma_start3A_444 = tpu.memref_squeeze %dma_start3A_443 : memref<1x1x2x120xi32, #tpu.memory_space<hbm>> -> memref<2x120xi32, #tpu.memory_space<hbm>>
      %dma_start3A_445 = arith.constant 0 : i32
      %dma_start3A_446 = arith.constant 0 : i32
      %dma_start3A_447 = tpu.memref_slice %arg3[%add3A, %rem3A_440, %dma_start3A_445, %dma_start3A_446] : memref<32x84x2x120xi32, #tpu.memory_space<hbm>> -> memref<1x1x2x120xi32, #tpu.memory_space<hbm>>
      %dma_start3A_448 = tpu.memref_squeeze %dma_start3A_447 : memref<1x1x2x120xi32, #tpu.memory_space<hbm>> -> memref<2x120xi32, #tpu.memory_space<hbm>>
      tpu.enqueue_dma source(%dma_start3A_448 : memref<2x120xi32, #tpu.memory_space<hbm>>) target(%arg13 : memref<2x120xi32, #tpu.memory_space<vmem>>) target_semaphore(%arg26 : memref<!tpu.dma_semaphore, #tpu.memory_space<semaphore_mem>>)
      %dma_wait3A_449 = arith.constant 0 : i32
      %dma_wait3A_450 = arith.constant 0 : i32
      %dma_wait3A_451 = tpu.memref_slice %arg2[%dma_wait3A_449, %dma_wait3A_450] : memref<10000x128xf32, #tpu.memory_space<hbm>> -> memref<120x128xf32, #tpu.memory_space<hbm>>
      %dma_wait3A_452 = arith.constant 0 : i32
      %dma_wait3A_453 = arith.constant 0 : i32
      %dma_wait3A_454 = tpu.memref_slice %arg2[%dma_wait3A_452, %dma_wait3A_453] : memref<10000x128xf32, #tpu.memory_space<hbm>> -> memref<120x128xf32, #tpu.memory_space<hbm>>
      tpu.wait_dma2 semaphore(%arg18 : memref<!tpu.dma_semaphore, #tpu.memory_space<semaphore_mem>>) src(%dma_wait3A_454 : memref<120x128xf32, #tpu.memory_space<hbm>>) dst(%arg8 : memref<120x128xf32, #tpu.memory_space<vmem>>)
      %dma_start3A_455 = arith.constant 1 : i32
      %dma_start3A_456 = arith.constant 0 : i32
      %dma_start3A_457 = tpu.memref_slice %arg14[%dma_start3A_455, %dma_start3A_456] : memref<2x120xi32, #tpu.memory_space<vmem>> -> memref<1x120xi32, #tpu.memory_space<vmem>>
      %dma_start3A_458 = tpu.memref_squeeze %dma_start3A_457 : memref<1x120xi32, #tpu.memory_space<vmem>> -> memref<120xi32, #tpu.memory_space<vmem>>
      %dma_start3A_459 = arith.constant 0 : i32
      %dma_start3A_460 = arith.constant 0 : i32
      %dma_start3A_461 = tpu.memref_slice %arg15[%dma_start3A_459, %dma_start3A_460] : memref<10240x128xf32, #tpu.memory_space<vmem_shared>> -> memref<10240x128xf32, #tpu.memory_space<vmem_shared>>
      tpu.enqueue_indirect_dma source(%arg8 : memref<120x128xf32, #tpu.memory_space<vmem>>) target(%dma_start3A_461 : memref<10240x128xf32, #tpu.memory_space<vmem_shared>>) offsets(%dma_start3A_458 : memref<120xi32, #tpu.memory_space<vmem>>) semaphore(%arg21 : memref<!tpu.dma_semaphore, #tpu.memory_space<semaphore_mem>>) {add = true}
      %mul3A_462 = arith.constant 6 : i32
      %mul3A_463 = arith.muli %scan3A_357, %mul3A_462 : i32
      %add3A_464 = arith.constant 2 : i32
      %add3A_465 = arith.addi %mul3A_463, %add3A_464 : i32
      %dma_wait3A_466 = arith.constant 0 : i32
      %dma_wait3A_467 = arith.constant 0 : i32
      %dma_wait3A_468 = arith.constant 0 : i32
      %dma_wait3A_469 = arith.constant 0 : i32
      %dma_wait3A_470 = tpu.memref_slice %arg3[%dma_wait3A_466, %dma_wait3A_467, %dma_wait3A_468, %dma_wait3A_469] : memref<32x84x2x120xi32, #tpu.memory_space<hbm>> -> memref<1x1x2x120xi32, #tpu.memory_space<hbm>>
      %dma_wait3A_471 = tpu.memref_squeeze %dma_wait3A_470 : memref<1x1x2x120xi32, #tpu.memory_space<hbm>> -> memref<2x120xi32, #tpu.memory_space<hbm>>
      %dma_wait3A_472 = arith.constant 0 : i32
      %dma_wait3A_473 = arith.constant 0 : i32
      %dma_wait3A_474 = tpu.memref_slice %arg3[%dma_wait3A_466, %dma_wait3A_467, %dma_wait3A_472, %dma_wait3A_473] : memref<32x84x2x120xi32, #tpu.memory_space<hbm>> -> memref<1x1x2x120xi32, #tpu.memory_space<hbm>>
      %dma_wait3A_475 = tpu.memref_squeeze %dma_wait3A_474 : memref<1x1x2x120xi32, #tpu.memory_space<hbm>> -> memref<2x120xi32, #tpu.memory_space<hbm>>
      tpu.wait_dma2 semaphore(%arg24 : memref<!tpu.dma_semaphore, #tpu.memory_space<semaphore_mem>>) src(%dma_wait3A_475 : memref<2x120xi32, #tpu.memory_space<hbm>>) dst(%arg11 : memref<2x120xi32, #tpu.memory_space<vmem>>)
      %dma_wait3A_476 = arith.constant 0 : i32
      %dma_wait3A_477 = arith.constant 0 : i32
      %dma_wait3A_478 = tpu.memref_slice %arg15[%dma_wait3A_476, %dma_wait3A_477] : memref<10240x128xf32, #tpu.memory_space<vmem_shared>> -> memref<120x128xf32, #tpu.memory_space<vmem_shared>>
      %dma_wait3A_479 = arith.constant 0 : i32
      %dma_wait3A_480 = arith.constant 0 : i32
      %dma_wait3A_481 = tpu.memref_slice %arg15[%dma_wait3A_479, %dma_wait3A_480] : memref<10240x128xf32, #tpu.memory_space<vmem_shared>> -> memref<120x128xf32, #tpu.memory_space<vmem_shared>>
      tpu.wait_dma2 semaphore(%arg21 : memref<!tpu.dma_semaphore, #tpu.memory_space<semaphore_mem>>) src(%arg8 : memref<120x128xf32, #tpu.memory_space<vmem>>) dst(%dma_wait3A_481 : memref<120x128xf32, #tpu.memory_space<vmem_shared>>)
      %dma_start3A_482 = arith.constant 0 : i32
      %dma_start3A_483 = arith.constant 0 : i32
      %dma_start3A_484 = tpu.memref_slice %arg11[%dma_start3A_482, %dma_start3A_483] : memref<2x120xi32, #tpu.memory_space<vmem>> -> memref<1x120xi32, #tpu.memory_space<vmem>>
      %dma_start3A_485 = tpu.memref_squeeze %dma_start3A_484 : memref<1x120xi32, #tpu.memory_space<vmem>> -> memref<120xi32, #tpu.memory_space<vmem>>
      %dma_start3A_486 = arith.constant 0 : i32
      %dma_start3A_487 = arith.constant 0 : i32
      %dma_start3A_488 = tpu.memref_slice %arg2[%dma_start3A_486, %dma_start3A_487] : memref<10000x128xf32, #tpu.memory_space<hbm>> -> memref<10000x128xf32, #tpu.memory_space<hbm>>
      tpu.enqueue_indirect_dma source(%dma_start3A_488 : memref<10000x128xf32, #tpu.memory_space<hbm>>) target(%arg8 : memref<120x128xf32, #tpu.memory_space<vmem>>) offsets(%dma_start3A_485 : memref<120xi32, #tpu.memory_space<vmem>>) semaphore(%arg18 : memref<!tpu.dma_semaphore, #tpu.memory_space<semaphore_mem>>)
      %add3A_489 = arith.constant 3 : i32
      %add3A_490 = arith.addi %add3A_465, %add3A_489 : i32
      %rem3A_491 = arith.constant 84 : i32
      %rem3A_492 = arith.remsi %add3A_490, %rem3A_491 : i32
      %dma_start3A_493 = arith.constant 0 : i32
      %dma_start3A_494 = arith.constant 0 : i32
      %dma_start3A_495 = tpu.memref_slice %arg3[%add3A, %rem3A_492, %dma_start3A_493, %dma_start3A_494] : memref<32x84x2x120xi32, #tpu.memory_space<hbm>> -> memref<1x1x2x120xi32, #tpu.memory_space<hbm>>
      %dma_start3A_496 = tpu.memref_squeeze %dma_start3A_495 : memref<1x1x2x120xi32, #tpu.memory_space<hbm>> -> memref<2x120xi32, #tpu.memory_space<hbm>>
      %dma_start3A_497 = arith.constant 0 : i32
      %dma_start3A_498 = arith.constant 0 : i32
      %dma_start3A_499 = tpu.memref_slice %arg3[%add3A, %rem3A_492, %dma_start3A_497, %dma_start3A_498] : memref<32x84x2x120xi32, #tpu.memory_space<hbm>> -> memref<1x1x2x120xi32, #tpu.memory_space<hbm>>
      %dma_start3A_500 = tpu.memref_squeeze %dma_start3A_499 : memref<1x1x2x120xi32, #tpu.memory_space<hbm>> -> memref<2x120xi32, #tpu.memory_space<hbm>>
      tpu.enqueue_dma source(%dma_start3A_500 : memref<2x120xi32, #tpu.memory_space<hbm>>) target(%arg14 : memref<2x120xi32, #tpu.memory_space<vmem>>) target_semaphore(%arg27 : memref<!tpu.dma_semaphore, #tpu.memory_space<semaphore_mem>>)
      %dma_wait3A_501 = arith.constant 0 : i32
      %dma_wait3A_502 = arith.constant 0 : i32
      %dma_wait3A_503 = tpu.memref_slice %arg2[%dma_wait3A_501, %dma_wait3A_502] : memref<10000x128xf32, #tpu.memory_space<hbm>> -> memref<120x128xf32, #tpu.memory_space<hbm>>
      %dma_wait3A_504 = arith.constant 0 : i32
      %dma_wait3A_505 = arith.constant 0 : i32
      %dma_wait3A_506 = tpu.memref_slice %arg2[%dma_wait3A_504, %dma_wait3A_505] : memref<10000x128xf32, #tpu.memory_space<hbm>> -> memref<120x128xf32, #tpu.memory_space<hbm>>
      tpu.wait_dma2 semaphore(%arg16 : memref<!tpu.dma_semaphore, #tpu.memory_space<semaphore_mem>>) src(%dma_wait3A_506 : memref<120x128xf32, #tpu.memory_space<hbm>>) dst(%arg6 : memref<120x128xf32, #tpu.memory_space<vmem>>)
      %dma_start3A_507 = arith.constant 1 : i32
      %dma_start3A_508 = arith.constant 0 : i32
      %dma_start3A_509 = tpu.memref_slice %arg9[%dma_start3A_507, %dma_start3A_508] : memref<2x120xi32, #tpu.memory_space<vmem>> -> memref<1x120xi32, #tpu.memory_space<vmem>>
      %dma_start3A_510 = tpu.memref_squeeze %dma_start3A_509 : memref<1x120xi32, #tpu.memory_space<vmem>> -> memref<120xi32, #tpu.memory_space<vmem>>
      %dma_start3A_511 = arith.constant 0 : i32
      %dma_start3A_512 = arith.constant 0 : i32
      %dma_start3A_513 = tpu.memref_slice %arg15[%dma_start3A_511, %dma_start3A_512] : memref<10240x128xf32, #tpu.memory_space<vmem_shared>> -> memref<10240x128xf32, #tpu.memory_space<vmem_shared>>
      tpu.enqueue_indirect_dma source(%arg6 : memref<120x128xf32, #tpu.memory_space<vmem>>) target(%dma_start3A_513 : memref<10240x128xf32, #tpu.memory_space<vmem_shared>>) offsets(%dma_start3A_510 : memref<120xi32, #tpu.memory_space<vmem>>) semaphore(%arg19 : memref<!tpu.dma_semaphore, #tpu.memory_space<semaphore_mem>>) {add = true}
      %mul3A_514 = arith.constant 6 : i32
      %mul3A_515 = arith.muli %scan3A_357, %mul3A_514 : i32
      %add3A_516 = arith.constant 3 : i32
      %add3A_517 = arith.addi %mul3A_515, %add3A_516 : i32
      %dma_wait3A_518 = arith.constant 0 : i32
      %dma_wait3A_519 = arith.constant 0 : i32
      %dma_wait3A_520 = arith.constant 0 : i32
      %dma_wait3A_521 = arith.constant 0 : i32
      %dma_wait3A_522 = tpu.memref_slice %arg3[%dma_wait3A_518, %dma_wait3A_519, %dma_wait3A_520, %dma_wait3A_521] : memref<32x84x2x120xi32, #tpu.memory_space<hbm>> -> memref<1x1x2x120xi32, #tpu.memory_space<hbm>>
      %dma_wait3A_523 = tpu.memref_squeeze %dma_wait3A_522 : memref<1x1x2x120xi32, #tpu.memory_space<hbm>> -> memref<2x120xi32, #tpu.memory_space<hbm>>
      %dma_wait3A_524 = arith.constant 0 : i32
      %dma_wait3A_525 = arith.constant 0 : i32
      %dma_wait3A_526 = tpu.memref_slice %arg3[%dma_wait3A_518, %dma_wait3A_519, %dma_wait3A_524, %dma_wait3A_525] : memref<32x84x2x120xi32, #tpu.memory_space<hbm>> -> memref<1x1x2x120xi32, #tpu.memory_space<hbm>>
      %dma_wait3A_527 = tpu.memref_squeeze %dma_wait3A_526 : memref<1x1x2x120xi32, #tpu.memory_space<hbm>> -> memref<2x120xi32, #tpu.memory_space<hbm>>
      tpu.wait_dma2 semaphore(%arg25 : memref<!tpu.dma_semaphore, #tpu.memory_space<semaphore_mem>>) src(%dma_wait3A_527 : memref<2x120xi32, #tpu.memory_space<hbm>>) dst(%arg12 : memref<2x120xi32, #tpu.memory_space<vmem>>)
      %dma_wait3A_528 = arith.constant 0 : i32
      %dma_wait3A_529 = arith.constant 0 : i32
      %dma_wait3A_530 = tpu.memref_slice %arg15[%dma_wait3A_528, %dma_wait3A_529] : memref<10240x128xf32, #tpu.memory_space<vmem_shared>> -> memref<120x128xf32, #tpu.memory_space<vmem_shared>>
      %dma_wait3A_531 = arith.constant 0 : i32
      %dma_wait3A_532 = arith.constant 0 : i32
      %dma_wait3A_533 = tpu.memref_slice %arg15[%dma_wait3A_531, %dma_wait3A_532] : memref<10240x128xf32, #tpu.memory_space<vmem_shared>> -> memref<120x128xf32, #tpu.memory_space<vmem_shared>>
      tpu.wait_dma2 semaphore(%arg19 : memref<!tpu.dma_semaphore, #tpu.memory_space<semaphore_mem>>) src(%arg6 : memref<120x128xf32, #tpu.memory_space<vmem>>) dst(%dma_wait3A_533 : memref<120x128xf32, #tpu.memory_space<vmem_shared>>)
      %dma_start3A_534 = arith.constant 0 : i32
      %dma_start3A_535 = arith.constant 0 : i32
      %dma_start3A_536 = tpu.memref_slice %arg12[%dma_start3A_534, %dma_start3A_535] : memref<2x120xi32, #tpu.memory_space<vmem>> -> memref<1x120xi32, #tpu.memory_space<vmem>>
      %dma_start3A_537 = tpu.memref_squeeze %dma_start3A_536 : memref<1x120xi32, #tpu.memory_space<vmem>> -> memref<120xi32, #tpu.memory_space<vmem>>
      %dma_start3A_538 = arith.constant 0 : i32
      %dma_start3A_539 = arith.constant 0 : i32
      %dma_start3A_540 = tpu.memref_slice %arg2[%dma_start3A_538, %dma_start3A_539] : memref<10000x128xf32, #tpu.memory_space<hbm>> -> memref<10000x128xf32, #tpu.memory_space<hbm>>
      tpu.enqueue_indirect_dma source(%dma_start3A_540 : memref<10000x128xf32, #tpu.memory_space<hbm>>) target(%arg6 : memref<120x128xf32, #tpu.memory_space<vmem>>) offsets(%dma_start3A_537 : memref<120xi32, #tpu.memory_space<vmem>>) semaphore(%arg16 : memref<!tpu.dma_semaphore, #tpu.memory_space<semaphore_mem>>)
      %add3A_541 = arith.constant 3 : i32
      %add3A_542 = arith.addi %add3A_517, %add3A_541 : i32
      %rem3A_543 = arith.constant 84 : i32
      %rem3A_544 = arith.remsi %add3A_542, %rem3A_543 : i32
      %dma_start3A_545 = arith.constant 0 : i32
      %dma_start3A_546 = arith.constant 0 : i32
      %dma_start3A_547 = tpu.memref_slice %arg3[%add3A, %rem3A_544, %dma_start3A_545, %dma_start3A_546] : memref<32x84x2x120xi32, #tpu.memory_space<hbm>> -> memref<1x1x2x120xi32, #tpu.memory_space<hbm>>
      %dma_start3A_548 = tpu.memref_squeeze %dma_start3A_547 : memref<1x1x2x120xi32, #tpu.memory_space<hbm>> -> memref<2x120xi32, #tpu.memory_space<hbm>>
      %dma_start3A_549 = arith.constant 0 : i32
      %dma_start3A_550 = arith.constant 0 : i32
      %dma_start3A_551 = tpu.memref_slice %arg3[%add3A, %rem3A_544, %dma_start3A_549, %dma_start3A_550] : memref<32x84x2x120xi32, #tpu.memory_space<hbm>> -> memref<1x1x2x120xi32, #tpu.memory_space<hbm>>
      %dma_start3A_552 = tpu.memref_squeeze %dma_start3A_551 : memref<1x1x2x120xi32, #tpu.memory_space<hbm>> -> memref<2x120xi32, #tpu.memory_space<hbm>>
      tpu.enqueue_dma source(%dma_start3A_552 : memref<2x120xi32, #tpu.memory_space<hbm>>) target(%arg9 : memref<2x120xi32, #tpu.memory_space<vmem>>) target_semaphore(%arg22 : memref<!tpu.dma_semaphore, #tpu.memory_space<semaphore_mem>>)
      %dma_wait3A_553 = arith.constant 0 : i32
      %dma_wait3A_554 = arith.constant 0 : i32
      %dma_wait3A_555 = tpu.memref_slice %arg2[%dma_wait3A_553, %dma_wait3A_554] : memref<10000x128xf32, #tpu.memory_space<hbm>> -> memref<120x128xf32, #tpu.memory_space<hbm>>
      %dma_wait3A_556 = arith.constant 0 : i32
      %dma_wait3A_557 = arith.constant 0 : i32
      %dma_wait3A_558 = tpu.memref_slice %arg2[%dma_wait3A_556, %dma_wait3A_557] : memref<10000x128xf32, #tpu.memory_space<hbm>> -> memref<120x128xf32, #tpu.memory_space<hbm>>
      tpu.wait_dma2 semaphore(%arg17 : memref<!tpu.dma_semaphore, #tpu.memory_space<semaphore_mem>>) src(%dma_wait3A_558 : memref<120x128xf32, #tpu.memory_space<hbm>>) dst(%arg7 : memref<120x128xf32, #tpu.memory_space<vmem>>)
      %dma_start3A_559 = arith.constant 1 : i32
      %dma_start3A_560 = arith.constant 0 : i32
      %dma_start3A_561 = tpu.memref_slice %arg10[%dma_start3A_559, %dma_start3A_560] : memref<2x120xi32, #tpu.memory_space<vmem>> -> memref<1x120xi32, #tpu.memory_space<vmem>>
      %dma_start3A_562 = tpu.memref_squeeze %dma_start3A_561 : memref<1x120xi32, #tpu.memory_space<vmem>> -> memref<120xi32, #tpu.memory_space<vmem>>
      %dma_start3A_563 = arith.constant 0 : i32
      %dma_start3A_564 = arith.constant 0 : i32
      %dma_start3A_565 = tpu.memref_slice %arg15[%dma_start3A_563, %dma_start3A_564] : memref<10240x128xf32, #tpu.memory_space<vmem_shared>> -> memref<10240x128xf32, #tpu.memory_space<vmem_shared>>
      tpu.enqueue_indirect_dma source(%arg7 : memref<120x128xf32, #tpu.memory_space<vmem>>) target(%dma_start3A_565 : memref<10240x128xf32, #tpu.memory_space<vmem_shared>>) offsets(%dma_start3A_562 : memref<120xi32, #tpu.memory_space<vmem>>) semaphore(%arg20 : memref<!tpu.dma_semaphore, #tpu.memory_space<semaphore_mem>>) {add = true}
      %mul3A_566 = arith.constant 6 : i32
      %mul3A_567 = arith.muli %scan3A_357, %mul3A_566 : i32
      %add3A_568 = arith.constant 4 : i32
      %add3A_569 = arith.addi %mul3A_567, %add3A_568 : i32
      %dma_wait3A_570 = arith.constant 0 : i32
      %dma_wait3A_571 = arith.constant 0 : i32
      %dma_wait3A_572 = arith.constant 0 : i32
      %dma_wait3A_573 = arith.constant 0 : i32
      %dma_wait3A_574 = tpu.memref_slice %arg3[%dma_wait3A_570, %dma_wait3A_571, %dma_wait3A_572, %dma_wait3A_573] : memref<32x84x2x120xi32, #tpu.memory_space<hbm>> -> memref<1x1x2x120xi32, #tpu.memory_space<hbm>>
      %dma_wait3A_575 = tpu.memref_squeeze %dma_wait3A_574 : memref<1x1x2x120xi32, #tpu.memory_space<hbm>> -> memref<2x120xi32, #tpu.memory_space<hbm>>
      %dma_wait3A_576 = arith.constant 0 : i32
      %dma_wait3A_577 = arith.constant 0 : i32
      %dma_wait3A_578 = tpu.memref_slice %arg3[%dma_wait3A_570, %dma_wait3A_571, %dma_wait3A_576, %dma_wait3A_577] : memref<32x84x2x120xi32, #tpu.memory_space<hbm>> -> memref<1x1x2x120xi32, #tpu.memory_space<hbm>>
      %dma_wait3A_579 = tpu.memref_squeeze %dma_wait3A_578 : memref<1x1x2x120xi32, #tpu.memory_space<hbm>> -> memref<2x120xi32, #tpu.memory_space<hbm>>
      tpu.wait_dma2 semaphore(%arg26 : memref<!tpu.dma_semaphore, #tpu.memory_space<semaphore_mem>>) src(%dma_wait3A_579 : memref<2x120xi32, #tpu.memory_space<hbm>>) dst(%arg13 : memref<2x120xi32, #tpu.memory_space<vmem>>)
      %dma_wait3A_580 = arith.constant 0 : i32
      %dma_wait3A_581 = arith.constant 0 : i32
      %dma_wait3A_582 = tpu.memref_slice %arg15[%dma_wait3A_580, %dma_wait3A_581] : memref<10240x128xf32, #tpu.memory_space<vmem_shared>> -> memref<120x128xf32, #tpu.memory_space<vmem_shared>>
      %dma_wait3A_583 = arith.constant 0 : i32
      %dma_wait3A_584 = arith.constant 0 : i32
      %dma_wait3A_585 = tpu.memref_slice %arg15[%dma_wait3A_583, %dma_wait3A_584] : memref<10240x128xf32, #tpu.memory_space<vmem_shared>> -> memref<120x128xf32, #tpu.memory_space<vmem_shared>>
      tpu.wait_dma2 semaphore(%arg20 : memref<!tpu.dma_semaphore, #tpu.memory_space<semaphore_mem>>) src(%arg7 : memref<120x128xf32, #tpu.memory_space<vmem>>) dst(%dma_wait3A_585 : memref<120x128xf32, #tpu.memory_space<vmem_shared>>)
      %dma_start3A_586 = arith.constant 0 : i32
      %dma_start3A_587 = arith.constant 0 : i32
      %dma_start3A_588 = tpu.memref_slice %arg13[%dma_start3A_586, %dma_start3A_587] : memref<2x120xi32, #tpu.memory_space<vmem>> -> memref<1x120xi32, #tpu.memory_space<vmem>>
      %dma_start3A_589 = tpu.memref_squeeze %dma_start3A_588 : memref<1x120xi32, #tpu.memory_space<vmem>> -> memref<120xi32, #tpu.memory_space<vmem>>
      %dma_start3A_590 = arith.constant 0 : i32
      %dma_start3A_591 = arith.constant 0 : i32
      %dma_start3A_592 = tpu.memref_slice %arg2[%dma_start3A_590, %dma_start3A_591] : memref<10000x128xf32, #tpu.memory_space<hbm>> -> memref<10000x128xf32, #tpu.memory_space<hbm>>
      tpu.enqueue_indirect_dma source(%dma_start3A_592 : memref<10000x128xf32, #tpu.memory_space<hbm>>) target(%arg7 : memref<120x128xf32, #tpu.memory_space<vmem>>) offsets(%dma_start3A_589 : memref<120xi32, #tpu.memory_space<vmem>>) semaphore(%arg17 : memref<!tpu.dma_semaphore, #tpu.memory_space<semaphore_mem>>)
      %add3A_593 = arith.constant 3 : i32
      %add3A_594 = arith.addi %add3A_569, %add3A_593 : i32
      %rem3A_595 = arith.constant 84 : i32
      %rem3A_596 = arith.remsi %add3A_594, %rem3A_595 : i32
      %dma_start3A_597 = arith.constant 0 : i32
      %dma_start3A_598 = arith.constant 0 : i32
      %dma_start3A_599 = tpu.memref_slice %arg3[%add3A, %rem3A_596, %dma_start3A_597, %dma_start3A_598] : memref<32x84x2x120xi32, #tpu.memory_space<hbm>> -> memref<1x1x2x120xi32, #tpu.memory_space<hbm>>
      %dma_start3A_600 = tpu.memref_squeeze %dma_start3A_599 : memref<1x1x2x120xi32, #tpu.memory_space<hbm>> -> memref<2x120xi32, #tpu.memory_space<hbm>>
      %dma_start3A_601 = arith.constant 0 : i32
      %dma_start3A_602 = arith.constant 0 : i32
      %dma_start3A_603 = tpu.memref_slice %arg3[%add3A, %rem3A_596, %dma_start3A_601, %dma_start3A_602] : memref<32x84x2x120xi32, #tpu.memory_space<hbm>> -> memref<1x1x2x120xi32, #tpu.memory_space<hbm>>
      %dma_start3A_604 = tpu.memref_squeeze %dma_start3A_603 : memref<1x1x2x120xi32, #tpu.memory_space<hbm>> -> memref<2x120xi32, #tpu.memory_space<hbm>>
      tpu.enqueue_dma source(%dma_start3A_604 : memref<2x120xi32, #tpu.memory_space<hbm>>) target(%arg10 : memref<2x120xi32, #tpu.memory_space<vmem>>) target_semaphore(%arg23 : memref<!tpu.dma_semaphore, #tpu.memory_space<semaphore_mem>>)
      %dma_wait3A_605 = arith.constant 0 : i32
      %dma_wait3A_606 = arith.constant 0 : i32
      %dma_wait3A_607 = tpu.memref_slice %arg2[%dma_wait3A_605, %dma_wait3A_606] : memref<10000x128xf32, #tpu.memory_space<hbm>> -> memref<120x128xf32, #tpu.memory_space<hbm>>
      %dma_wait3A_608 = arith.constant 0 : i32
      %dma_wait3A_609 = arith.constant 0 : i32
      %dma_wait3A_610 = tpu.memref_slice %arg2[%dma_wait3A_608, %dma_wait3A_609] : memref<10000x128xf32, #tpu.memory_space<hbm>> -> memref<120x128xf32, #tpu.memory_space<hbm>>
      tpu.wait_dma2 semaphore(%arg18 : memref<!tpu.dma_semaphore, #tpu.memory_space<semaphore_mem>>) src(%dma_wait3A_610 : memref<120x128xf32, #tpu.memory_space<hbm>>) dst(%arg8 : memref<120x128xf32, #tpu.memory_space<vmem>>)
      %dma_start3A_611 = arith.constant 1 : i32
      %dma_start3A_612 = arith.constant 0 : i32
      %dma_start3A_613 = tpu.memref_slice %arg11[%dma_start3A_611, %dma_start3A_612] : memref<2x120xi32, #tpu.memory_space<vmem>> -> memref<1x120xi32, #tpu.memory_space<vmem>>
      %dma_start3A_614 = tpu.memref_squeeze %dma_start3A_613 : memref<1x120xi32, #tpu.memory_space<vmem>> -> memref<120xi32, #tpu.memory_space<vmem>>
      %dma_start3A_615 = arith.constant 0 : i32
      %dma_start3A_616 = arith.constant 0 : i32
      %dma_start3A_617 = tpu.memref_slice %arg15[%dma_start3A_615, %dma_start3A_616] : memref<10240x128xf32, #tpu.memory_space<vmem_shared>> -> memref<10240x128xf32, #tpu.memory_space<vmem_shared>>
      tpu.enqueue_indirect_dma source(%arg8 : memref<120x128xf32, #tpu.memory_space<vmem>>) target(%dma_start3A_617 : memref<10240x128xf32, #tpu.memory_space<vmem_shared>>) offsets(%dma_start3A_614 : memref<120xi32, #tpu.memory_space<vmem>>) semaphore(%arg21 : memref<!tpu.dma_semaphore, #tpu.memory_space<semaphore_mem>>) {add = true}
      %mul3A_618 = arith.constant 6 : i32
      %mul3A_619 = arith.muli %scan3A_357, %mul3A_618 : i32
      %add3A_620 = arith.constant 5 : i32
      %add3A_621 = arith.addi %mul3A_619, %add3A_620 : i32
      %dma_wait3A_622 = arith.constant 0 : i32
      %dma_wait3A_623 = arith.constant 0 : i32
      %dma_wait3A_624 = arith.constant 0 : i32
      %dma_wait3A_625 = arith.constant 0 : i32
      %dma_wait3A_626 = tpu.memref_slice %arg3[%dma_wait3A_622, %dma_wait3A_623, %dma_wait3A_624, %dma_wait3A_625] : memref<32x84x2x120xi32, #tpu.memory_space<hbm>> -> memref<1x1x2x120xi32, #tpu.memory_space<hbm>>
      %dma_wait3A_627 = tpu.memref_squeeze %dma_wait3A_626 : memref<1x1x2x120xi32, #tpu.memory_space<hbm>> -> memref<2x120xi32, #tpu.memory_space<hbm>>
      %dma_wait3A_628 = arith.constant 0 : i32
      %dma_wait3A_629 = arith.constant 0 : i32
      %dma_wait3A_630 = tpu.memref_slice %arg3[%dma_wait3A_622, %dma_wait3A_623, %dma_wait3A_628, %dma_wait3A_629] : memref<32x84x2x120xi32, #tpu.memory_space<hbm>> -> memref<1x1x2x120xi32, #tpu.memory_space<hbm>>
      %dma_wait3A_631 = tpu.memref_squeeze %dma_wait3A_630 : memref<1x1x2x120xi32, #tpu.memory_space<hbm>> -> memref<2x120xi32, #tpu.memory_space<hbm>>
      tpu.wait_dma2 semaphore(%arg27 : memref<!tpu.dma_semaphore, #tpu.memory_space<semaphore_mem>>) src(%dma_wait3A_631 : memref<2x120xi32, #tpu.memory_space<hbm>>) dst(%arg14 : memref<2x120xi32, #tpu.memory_space<vmem>>)
      %dma_wait3A_632 = arith.constant 0 : i32
      %dma_wait3A_633 = arith.constant 0 : i32
      %dma_wait3A_634 = tpu.memref_slice %arg15[%dma_wait3A_632, %dma_wait3A_633] : memref<10240x128xf32, #tpu.memory_space<vmem_shared>> -> memref<120x128xf32, #tpu.memory_space<vmem_shared>>
      %dma_wait3A_635 = arith.constant 0 : i32
      %dma_wait3A_636 = arith.constant 0 : i32
      %dma_wait3A_637 = tpu.memref_slice %arg15[%dma_wait3A_635, %dma_wait3A_636] : memref<10240x128xf32, #tpu.memory_space<vmem_shared>> -> memref<120x128xf32, #tpu.memory_space<vmem_shared>>
      tpu.wait_dma2 semaphore(%arg21 : memref<!tpu.dma_semaphore, #tpu.memory_space<semaphore_mem>>) src(%arg8 : memref<120x128xf32, #tpu.memory_space<vmem>>) dst(%dma_wait3A_637 : memref<120x128xf32, #tpu.memory_space<vmem_shared>>)
      %dma_start3A_638 = arith.constant 0 : i32
      %dma_start3A_639 = arith.constant 0 : i32
      %dma_start3A_640 = tpu.memref_slice %arg14[%dma_start3A_638, %dma_start3A_639] : memref<2x120xi32, #tpu.memory_space<vmem>> -> memref<1x120xi32, #tpu.memory_space<vmem>>
      %dma_start3A_641 = tpu.memref_squeeze %dma_start3A_640 : memref<1x120xi32, #tpu.memory_space<vmem>> -> memref<120xi32, #tpu.memory_space<vmem>>
      %dma_start3A_642 = arith.constant 0 : i32
      %dma_start3A_643 = arith.constant 0 : i32
      %dma_start3A_644 = tpu.memref_slice %arg2[%dma_start3A_642, %dma_start3A_643] : memref<10000x128xf32, #tpu.memory_space<hbm>> -> memref<10000x128xf32, #tpu.memory_space<hbm>>
      tpu.enqueue_indirect_dma source(%dma_start3A_644 : memref<10000x128xf32, #tpu.memory_space<hbm>>) target(%arg8 : memref<120x128xf32, #tpu.memory_space<vmem>>) offsets(%dma_start3A_641 : memref<120xi32, #tpu.memory_space<vmem>>) semaphore(%arg18 : memref<!tpu.dma_semaphore, #tpu.memory_space<semaphore_mem>>)
      %add3A_645 = arith.constant 3 : i32
      %add3A_646 = arith.addi %add3A_621, %add3A_645 : i32
      %rem3A_647 = arith.constant 84 : i32
      %rem3A_648 = arith.remsi %add3A_646, %rem3A_647 : i32
      %dma_start3A_649 = arith.constant 0 : i32
      %dma_start3A_650 = arith.constant 0 : i32
      %dma_start3A_651 = tpu.memref_slice %arg3[%add3A, %rem3A_648, %dma_start3A_649, %dma_start3A_650] : memref<32x84x2x120xi32, #tpu.memory_space<hbm>> -> memref<1x1x2x120xi32, #tpu.memory_space<hbm>>
      %dma_start3A_652 = tpu.memref_squeeze %dma_start3A_651 : memref<1x1x2x120xi32, #tpu.memory_space<hbm>> -> memref<2x120xi32, #tpu.memory_space<hbm>>
      %dma_start3A_653 = arith.constant 0 : i32
      %dma_start3A_654 = arith.constant 0 : i32
      %dma_start3A_655 = tpu.memref_slice %arg3[%add3A, %rem3A_648, %dma_start3A_653, %dma_start3A_654] : memref<32x84x2x120xi32, #tpu.memory_space<hbm>> -> memref<1x1x2x120xi32, #tpu.memory_space<hbm>>
      %dma_start3A_656 = tpu.memref_squeeze %dma_start3A_655 : memref<1x1x2x120xi32, #tpu.memory_space<hbm>> -> memref<2x120xi32, #tpu.memory_space<hbm>>
      tpu.enqueue_dma source(%dma_start3A_656 : memref<2x120xi32, #tpu.memory_space<hbm>>) target(%arg11 : memref<2x120xi32, #tpu.memory_space<vmem>>) target_semaphore(%arg24 : memref<!tpu.dma_semaphore, #tpu.memory_space<semaphore_mem>>)
      %dma_wait3A_657 = arith.constant 0 : i32
      %dma_wait3A_658 = arith.constant 0 : i32
      %dma_wait3A_659 = tpu.memref_slice %arg2[%dma_wait3A_657, %dma_wait3A_658] : memref<10000x128xf32, #tpu.memory_space<hbm>> -> memref<120x128xf32, #tpu.memory_space<hbm>>
      %dma_wait3A_660 = arith.constant 0 : i32
      %dma_wait3A_661 = arith.constant 0 : i32
      %dma_wait3A_662 = tpu.memref_slice %arg2[%dma_wait3A_660, %dma_wait3A_661] : memref<10000x128xf32, #tpu.memory_space<hbm>> -> memref<120x128xf32, #tpu.memory_space<hbm>>
      tpu.wait_dma2 semaphore(%arg16 : memref<!tpu.dma_semaphore, #tpu.memory_space<semaphore_mem>>) src(%dma_wait3A_662 : memref<120x128xf32, #tpu.memory_space<hbm>>) dst(%arg6 : memref<120x128xf32, #tpu.memory_space<vmem>>)
      %dma_start3A_663 = arith.constant 1 : i32
      %dma_start3A_664 = arith.constant 0 : i32
      %dma_start3A_665 = tpu.memref_slice %arg12[%dma_start3A_663, %dma_start3A_664] : memref<2x120xi32, #tpu.memory_space<vmem>> -> memref<1x120xi32, #tpu.memory_space<vmem>>
      %dma_start3A_666 = tpu.memref_squeeze %dma_start3A_665 : memref<1x120xi32, #tpu.memory_space<vmem>> -> memref<120xi32, #tpu.memory_space<vmem>>
      %dma_start3A_667 = arith.constant 0 : i32
      %dma_start3A_668 = arith.constant 0 : i32
      %dma_start3A_669 = tpu.memref_slice %arg15[%dma_start3A_667, %dma_start3A_668] : memref<10240x128xf32, #tpu.memory_space<vmem_shared>> -> memref<10240x128xf32, #tpu.memory_space<vmem_shared>>
      tpu.enqueue_indirect_dma source(%arg6 : memref<120x128xf32, #tpu.memory_space<vmem>>) target(%dma_start3A_669 : memref<10240x128xf32, #tpu.memory_space<vmem_shared>>) offsets(%dma_start3A_666 : memref<120xi32, #tpu.memory_space<vmem>>) semaphore(%arg19 : memref<!tpu.dma_semaphore, #tpu.memory_space<semaphore_mem>>) {add = true}
    }
    %scan3A_281 = arith.constant 13 : i32
    %dma_wait3A_282 = arith.constant 0 : i32
    %dma_wait3A_283 = arith.constant 0 : i32
    %dma_wait3A_284 = tpu.memref_slice %arg2[%dma_wait3A_282, %dma_wait3A_283] : memref<10000x128xf32, #tpu.memory_space<hbm>> -> memref<120x128xf32, #tpu.memory_space<hbm>>
    %dma_wait3A_285 = arith.constant 0 : i32
    %dma_wait3A_286 = arith.constant 0 : i32
    %dma_wait3A_287 = tpu.memref_slice %arg2[%dma_wait3A_285, %dma_wait3A_286] : memref<10000x128xf32, #tpu.memory_space<hbm>> -> memref<120x128xf32, #tpu.memory_space<hbm>>
    tpu.wait_dma2 semaphore(%arg17 : memref<!tpu.dma_semaphore, #tpu.memory_space<semaphore_mem>>) src(%dma_wait3A_287 : memref<120x128xf32, #tpu.memory_space<hbm>>) dst(%arg7 : memref<120x128xf32, #tpu.memory_space<vmem>>)
    %dma_start3A_288 = arith.constant 1 : i32
    %dma_start3A_289 = arith.constant 0 : i32
    %dma_start3A_290 = tpu.memref_slice %arg13[%dma_start3A_288, %dma_start3A_289] : memref<2x120xi32, #tpu.memory_space<vmem>> -> memref<1x120xi32, #tpu.memory_space<vmem>>
    %dma_start3A_291 = tpu.memref_squeeze %dma_start3A_290 : memref<1x120xi32, #tpu.memory_space<vmem>> -> memref<120xi32, #tpu.memory_space<vmem>>
    %dma_start3A_292 = arith.constant 0 : i32
    %dma_start3A_293 = arith.constant 0 : i32
    %dma_start3A_294 = tpu.memref_slice %arg15[%dma_start3A_292, %dma_start3A_293] : memref<10240x128xf32, #tpu.memory_space<vmem_shared>> -> memref<10240x128xf32, #tpu.memory_space<vmem_shared>>
    tpu.enqueue_indirect_dma source(%arg7 : memref<120x128xf32, #tpu.memory_space<vmem>>) target(%dma_start3A_294 : memref<10240x128xf32, #tpu.memory_space<vmem_shared>>) offsets(%dma_start3A_291 : memref<120xi32, #tpu.memory_space<vmem>>) semaphore(%arg20 : memref<!tpu.dma_semaphore, #tpu.memory_space<semaphore_mem>>) {add = true}
    %dma_wait3A_295 = arith.constant 0 : i32
    %dma_wait3A_296 = arith.constant 0 : i32
    %dma_wait3A_297 = tpu.memref_slice %arg2[%dma_wait3A_295, %dma_wait3A_296] : memref<10000x128xf32, #tpu.memory_space<hbm>> -> memref<120x128xf32, #tpu.memory_space<hbm>>
    %dma_wait3A_298 = arith.constant 0 : i32
    %dma_wait3A_299 = arith.constant 0 : i32
    %dma_wait3A_300 = tpu.memref_slice %arg2[%dma_wait3A_298, %dma_wait3A_299] : memref<10000x128xf32, #tpu.memory_space<hbm>> -> memref<120x128xf32, #tpu.memory_space<hbm>>
    tpu.wait_dma2 semaphore(%arg18 : memref<!tpu.dma_semaphore, #tpu.memory_space<semaphore_mem>>) src(%dma_wait3A_300 : memref<120x128xf32, #tpu.memory_space<hbm>>) dst(%arg8 : memref<120x128xf32, #tpu.memory_space<vmem>>)
    %dma_start3A_301 = arith.constant 1 : i32
    %dma_start3A_302 = arith.constant 0 : i32
    %dma_start3A_303 = tpu.memref_slice %arg14[%dma_start3A_301, %dma_start3A_302] : memref<2x120xi32, #tpu.memory_space<vmem>> -> memref<1x120xi32, #tpu.memory_space<vmem>>
    %dma_start3A_304 = tpu.memref_squeeze %dma_start3A_303 : memref<1x120xi32, #tpu.memory_space<vmem>> -> memref<120xi32, #tpu.memory_space<vmem>>
    %dma_start3A_305 = arith.constant 0 : i32
    %dma_start3A_306 = arith.constant 0 : i32
    %dma_start3A_307 = tpu.memref_slice %arg15[%dma_start3A_305, %dma_start3A_306] : memref<10240x128xf32, #tpu.memory_space<vmem_shared>> -> memref<10240x128xf32, #tpu.memory_space<vmem_shared>>
    tpu.enqueue_indirect_dma source(%arg8 : memref<120x128xf32, #tpu.memory_space<vmem>>) target(%dma_start3A_307 : memref<10240x128xf32, #tpu.memory_space<vmem_shared>>) offsets(%dma_start3A_304 : memref<120xi32, #tpu.memory_space<vmem>>) semaphore(%arg21 : memref<!tpu.dma_semaphore, #tpu.memory_space<semaphore_mem>>) {add = true}
    %dma_wait3A_308 = arith.constant 0 : i32
    %dma_wait3A_309 = arith.constant 0 : i32
    %dma_wait3A_310 = tpu.memref_slice %arg15[%dma_wait3A_308, %dma_wait3A_309] : memref<10240x128xf32, #tpu.memory_space<vmem_shared>> -> memref<120x128xf32, #tpu.memory_space<vmem_shared>>
    %dma_wait3A_311 = arith.constant 0 : i32
    %dma_wait3A_312 = arith.constant 0 : i32
    %dma_wait3A_313 = tpu.memref_slice %arg15[%dma_wait3A_311, %dma_wait3A_312] : memref<10240x128xf32, #tpu.memory_space<vmem_shared>> -> memref<120x128xf32, #tpu.memory_space<vmem_shared>>
    tpu.wait_dma2 semaphore(%arg19 : memref<!tpu.dma_semaphore, #tpu.memory_space<semaphore_mem>>) src(%arg6 : memref<120x128xf32, #tpu.memory_space<vmem>>) dst(%dma_wait3A_313 : memref<120x128xf32, #tpu.memory_space<vmem_shared>>)
    %dma_wait3A_314 = arith.constant 0 : i32
    %dma_wait3A_315 = arith.constant 0 : i32
    %dma_wait3A_316 = tpu.memref_slice %arg15[%dma_wait3A_314, %dma_wait3A_315] : memref<10240x128xf32, #tpu.memory_space<vmem_shared>> -> memref<120x128xf32, #tpu.memory_space<vmem_shared>>
    %dma_wait3A_317 = arith.constant 0 : i32
    %dma_wait3A_318 = arith.constant 0 : i32
    %dma_wait3A_319 = tpu.memref_slice %arg15[%dma_wait3A_317, %dma_wait3A_318] : memref<10240x128xf32, #tpu.memory_space<vmem_shared>> -> memref<120x128xf32, #tpu.memory_space<vmem_shared>>
    tpu.wait_dma2 semaphore(%arg20 : memref<!tpu.dma_semaphore, #tpu.memory_space<semaphore_mem>>) src(%arg7 : memref<120x128xf32, #tpu.memory_space<vmem>>) dst(%dma_wait3A_319 : memref<120x128xf32, #tpu.memory_space<vmem_shared>>)
    %dma_wait3A_320 = arith.constant 0 : i32
    %dma_wait3A_321 = arith.constant 0 : i32
    %dma_wait3A_322 = tpu.memref_slice %arg15[%dma_wait3A_320, %dma_wait3A_321] : memref<10240x128xf32, #tpu.memory_space<vmem_shared>> -> memref<120x128xf32, #tpu.memory_space<vmem_shared>>
    %dma_wait3A_323 = arith.constant 0 : i32
    %dma_wait3A_324 = arith.constant 0 : i32
    %dma_wait3A_325 = tpu.memref_slice %arg15[%dma_wait3A_323, %dma_wait3A_324] : memref<10240x128xf32, #tpu.memory_space<vmem_shared>> -> memref<120x128xf32, #tpu.memory_space<vmem_shared>>
    tpu.wait_dma2 semaphore(%arg21 : memref<!tpu.dma_semaphore, #tpu.memory_space<semaphore_mem>>) src(%arg8 : memref<120x128xf32, #tpu.memory_space<vmem>>) dst(%dma_wait3A_325 : memref<120x128xf32, #tpu.memory_space<vmem_shared>>)
    %dma_wait3A_326 = arith.constant 0 : i32
    %dma_wait3A_327 = arith.constant 0 : i32
    %dma_wait3A_328 = arith.constant 0 : i32
    %dma_wait3A_329 = arith.constant 0 : i32
    %dma_wait3A_330 = tpu.memref_slice %arg3[%dma_wait3A_326, %dma_wait3A_327, %dma_wait3A_328, %dma_wait3A_329] : memref<32x84x2x120xi32, #tpu.memory_space<hbm>> -> memref<1x1x2x120xi32, #tpu.memory_space<hbm>>
    %dma_wait3A_331 = tpu.memref_squeeze %dma_wait3A_330 : memref<1x1x2x120xi32, #tpu.memory_space<hbm>> -> memref<2x120xi32, #tpu.memory_space<hbm>>
    %dma_wait3A_332 = arith.constant 0 : i32
    %dma_wait3A_333 = arith.constant 0 : i32
    %dma_wait3A_334 = tpu.memref_slice %arg3[%dma_wait3A_326, %dma_wait3A_327, %dma_wait3A_332, %dma_wait3A_333] : memref<32x84x2x120xi32, #tpu.memory_space<hbm>> -> memref<1x1x2x120xi32, #tpu.memory_space<hbm>>
    %dma_wait3A_335 = tpu.memref_squeeze %dma_wait3A_334 : memref<1x1x2x120xi32, #tpu.memory_space<hbm>> -> memref<2x120xi32, #tpu.memory_space<hbm>>
    tpu.wait_dma2 semaphore(%arg22 : memref<!tpu.dma_semaphore, #tpu.memory_space<semaphore_mem>>) src(%dma_wait3A_335 : memref<2x120xi32, #tpu.memory_space<hbm>>) dst(%arg9 : memref<2x120xi32, #tpu.memory_space<vmem>>)
    %dma_wait3A_336 = arith.constant 0 : i32
    %dma_wait3A_337 = arith.constant 0 : i32
    %dma_wait3A_338 = arith.constant 0 : i32
    %dma_wait3A_339 = arith.constant 0 : i32
    %dma_wait3A_340 = tpu.memref_slice %arg3[%dma_wait3A_336, %dma_wait3A_337, %dma_wait3A_338, %dma_wait3A_339] : memref<32x84x2x120xi32, #tpu.memory_space<hbm>> -> memref<1x1x2x120xi32, #tpu.memory_space<hbm>>
    %dma_wait3A_341 = tpu.memref_squeeze %dma_wait3A_340 : memref<1x1x2x120xi32, #tpu.memory_space<hbm>> -> memref<2x120xi32, #tpu.memory_space<hbm>>
    %dma_wait3A_342 = arith.constant 0 : i32
    %dma_wait3A_343 = arith.constant 0 : i32
    %dma_wait3A_344 = tpu.memref_slice %arg3[%dma_wait3A_336, %dma_wait3A_337, %dma_wait3A_342, %dma_wait3A_343] : memref<32x84x2x120xi32, #tpu.memory_space<hbm>> -> memref<1x1x2x120xi32, #tpu.memory_space<hbm>>
    %dma_wait3A_345 = tpu.memref_squeeze %dma_wait3A_344 : memref<1x1x2x120xi32, #tpu.memory_space<hbm>> -> memref<2x120xi32, #tpu.memory_space<hbm>>
    tpu.wait_dma2 semaphore(%arg23 : memref<!tpu.dma_semaphore, #tpu.memory_space<semaphore_mem>>) src(%dma_wait3A_345 : memref<2x120xi32, #tpu.memory_space<hbm>>) dst(%arg10 : memref<2x120xi32, #tpu.memory_space<vmem>>)
    %dma_wait3A_346 = arith.constant 0 : i32
    %dma_wait3A_347 = arith.constant 0 : i32
    %dma_wait3A_348 = arith.constant 0 : i32
    %dma_wait3A_349 = arith.constant 0 : i32
    %dma_wait3A_350 = tpu.memref_slice %arg3[%dma_wait3A_346, %dma_wait3A_347, %dma_wait3A_348, %dma_wait3A_349] : memref<32x84x2x120xi32, #tpu.memory_space<hbm>> -> memref<1x1x2x120xi32, #tpu.memory_space<hbm>>
    %dma_wait3A_351 = tpu.memref_squeeze %dma_wait3A_350 : memref<1x1x2x120xi32, #tpu.memory_space<hbm>> -> memref<2x120xi32, #tpu.memory_space<hbm>>
    %dma_wait3A_352 = arith.constant 0 : i32
    %dma_wait3A_353 = arith.constant 0 : i32
    %dma_wait3A_354 = tpu.memref_slice %arg3[%dma_wait3A_346, %dma_wait3A_347, %dma_wait3A_352, %dma_wait3A_353] : memref<32x84x2x120xi32, #tpu.memory_space<hbm>> -> memref<1x1x2x120xi32, #tpu.memory_space<hbm>>
    %dma_wait3A_355 = tpu.memref_squeeze %dma_wait3A_354 : memref<1x1x2x120xi32, #tpu.memory_space<hbm>> -> memref<2x120xi32, #tpu.memory_space<hbm>>
    tpu.wait_dma2 semaphore(%arg24 : memref<!tpu.dma_semaphore, #tpu.memory_space<semaphore_mem>>) src(%dma_wait3A_355 : memref<2x120xi32, #tpu.memory_space<hbm>>) dst(%arg11 : memref<2x120xi32, #tpu.memory_space<vmem>>)
    %barrier3A_356 = arith.constant 0 : index
    tpu.barrier barrier_id(%barrier3A_356)
    "tpu.region"() ({
      %run_scoped3A = tpu.sem_alloc : memref<!tpu.dma_semaphore, #tpu.memory_space<semaphore_mem>>
      %dma_start3A_357 = arith.constant 0 : i32
      %dma_start3A_358 = tpu.memref_slice %arg5[%arg0, %mul3A_2, %dma_start3A_357] : memref<2x10240x128xf32, #tpu.memory_space<hbm>> -> memref<1x640x128xf32, #tpu.memory_space<hbm>>
      %dma_start3A_359 = tpu.memref_squeeze %dma_start3A_358 : memref<1x640x128xf32, #tpu.memory_space<hbm>> -> memref<640x128xf32, #tpu.memory_space<hbm>>
      %dma_start3A_360 = arith.constant 0 : i32
      %dma_start3A_361 = tpu.memref_slice %arg15[%mul3A_2, %dma_start3A_360] : memref<10240x128xf32, #tpu.memory_space<vmem_shared>> -> memref<640x128xf32, #tpu.memory_space<vmem_shared>>
      tpu.enqueue_dma source(%dma_start3A_361 : memref<640x128xf32, #tpu.memory_space<vmem_shared>>) target(%dma_start3A_359 : memref<640x128xf32, #tpu.memory_space<hbm>>) target_semaphore(%run_scoped3A : memref<!tpu.dma_semaphore, #tpu.memory_space<semaphore_mem>>)
      %dma_wait3A_362 = arith.constant 0 : i32
      %dma_wait3A_363 = tpu.memref_slice %arg5[%arg0, %mul3A_2, %dma_wait3A_362] : memref<2x10240x128xf32, #tpu.memory_space<hbm>> -> memref<1x640x128xf32, #tpu.memory_space<hbm>>
      %dma_wait3A_364 = tpu.memref_squeeze %dma_wait3A_363 : memref<1x640x128xf32, #tpu.memory_space<hbm>> -> memref<640x128xf32, #tpu.memory_space<hbm>>
      %dma_wait3A_365 = arith.constant 0 : i32
      %dma_wait3A_366 = tpu.memref_slice %arg15[%mul3A_2, %dma_wait3A_365] : memref<10240x128xf32, #tpu.memory_space<vmem_shared>> -> memref<640x128xf32, #tpu.memory_space<vmem_shared>>
      tpu.wait_dma2 semaphore(%run_scoped3A : memref<!tpu.dma_semaphore, #tpu.memory_space<semaphore_mem>>) src(%dma_wait3A_366 : memref<640x128xf32, #tpu.memory_space<vmem_shared>>) dst(%dma_wait3A_364 : memref<640x128xf32, #tpu.memory_space<hbm>>)
      tpu.yield
    }) : () -> ()
    return
  }
}

#map = affine_map<(d0, d1) -> (0, 0)>
#map1 = affine_map<(d0, d1) -> (0, 0, 0, 0)>
#map2 = affine_map<(d0, d1) -> (0, 0, 0)>
module attributes {stable_mosaic.version = 14 : i64} {
  func.func @k(%arg0: i32, %arg1: i32, %arg2: memref<10000x128xf32, #tpu.memory_space<hbm>>, %arg3: memref<32x84x2x120xi32, #tpu.memory_space<hbm>>, %arg4: memref<640x128xf32, #tpu.memory_space<hbm>>, %arg5: memref<2x10240x128xf32, #tpu.memory_space<hbm>>, %arg6: memref<120x128xf32, #tpu.memory_space<vmem>>, %arg7: memref<120x128xf32, #tpu.memory_space<vmem>>, %arg8: memref<120x128xf32, #tpu.memory_space<vmem>>, %arg9: memref<2x120xi32, #tpu.memory_space<vmem>>, %arg10: memref<2x120xi32, #tpu.memory_space<vmem>>, %arg11: memref<2x120xi32, #tpu.memory_space<vmem>>, %arg12: memref<2x120xi32, #tpu.memory_space<vmem>>, %arg13: memref<2x120xi32, #tpu.memory_space<vmem>>, %arg14: memref<2x120xi32, #tpu.memory_space<vmem>>, %arg15: memref<10240x128xf32, #tpu.memory_space<vmem_shared>>, %arg16: memref<!tpu.dma_semaphore, #tpu.memory_space<semaphore_mem>>, %arg17: memref<!tpu.dma_semaphore, #tpu.memory_space<semaphore_mem>>, %arg18: memref<!tpu.dma_semaphore, #tpu.memory_space<semaphore_mem>>, %arg19: memref<!tpu.dma_semaphore, #tpu.memory_space<semaphore_mem>>, %arg20: memref<!tpu.dma_semaphore, #tpu.memory_space<semaphore_mem>>, %arg21: memref<!tpu.dma_semaphore, #tpu.memory_space<semaphore_mem>>, %arg22: memref<!tpu.dma_semaphore, #tpu.memory_space<semaphore_mem>>, %arg23: memref<!tpu.dma_semaphore, #tpu.memory_space<semaphore_mem>>, %arg24: memref<!tpu.dma_semaphore, #tpu.memory_space<semaphore_mem>>, %arg25: memref<!tpu.dma_semaphore, #tpu.memory_space<semaphore_mem>>, %arg26: memref<!tpu.dma_semaphore, #tpu.memory_space<semaphore_mem>>, %arg27: memref<!tpu.dma_semaphore, #tpu.memory_space<semaphore_mem>>) attributes {dimension_semantics = [#tpu.dimension_semantics<core_parallel>, #tpu.dimension_semantics<subcore_parallel>], iteration_bounds = array<i64: 2, 16>, scalar_prefetch = 0 : i64, scratch_operands = 22 : i64, tpu.core_type = #tpu.core_type<sc_vector_subcore>, window_params = [{transform_indices = #map}, {transform_indices = #map1}, {transform_indices = #map}, {transform_indices = #map2}]} {
    %mul3A = arith.constant 2 : i32
    %mul3A_0 = arith.muli %arg1, %mul3A : i32
    %add3A = arith.addi %mul3A_0, %arg0 : i32
    %mul3A_1 = arith.constant 640 : i32
    %mul3A_2 = arith.muli %arg1, %mul3A_1 : i32
    "tpu.region"() ({
      %run_scoped3A = tpu.sem_alloc : memref<!tpu.dma_semaphore, #tpu.memory_space<semaphore_mem>>
      %dma_start3A_357 = arith.constant 0 : i32
      %dma_start3A_358 = tpu.memref_slice %arg15[%mul3A_2, %dma_start3A_357] : memref<10240x128xf32, #tpu.memory_space<vmem_shared>> -> memref<640x128xf32, #tpu.memory_space<vmem_shared>>
      tpu.enqueue_dma source(%arg4 : memref<640x128xf32, #tpu.memory_space<hbm>>) target(%dma_start3A_358 : memref<640x128xf32, #tpu.memory_space<vmem_shared>>) target_semaphore(%run_scoped3A : memref<!tpu.dma_semaphore, #tpu.memory_space<semaphore_mem>>)
      %dma_wait3A_359 = arith.constant 0 : i32
      %dma_wait3A_360 = tpu.memref_slice %arg15[%mul3A_2, %dma_wait3A_359] : memref<10240x128xf32, #tpu.memory_space<vmem_shared>> -> memref<640x128xf32, #tpu.memory_space<vmem_shared>>
      tpu.wait_dma2 semaphore(%run_scoped3A : memref<!tpu.dma_semaphore, #tpu.memory_space<semaphore_mem>>) src(%arg4 : memref<640x128xf32, #tpu.memory_space<hbm>>) dst(%dma_wait3A_360 : memref<640x128xf32, #tpu.memory_space<vmem_shared>>)
      tpu.yield
    }) : () -> ()
    %dma_start3A = arith.constant 0 : i32
    %dma_start3A_3 = arith.constant 0 : i32
    %dma_start3A_4 = arith.constant 0 : i32
    %dma_start3A_5 = tpu.memref_slice %arg3[%add3A, %dma_start3A, %dma_start3A_3, %dma_start3A_4] : memref<32x84x2x120xi32, #tpu.memory_space<hbm>> -> memref<1x1x2x120xi32, #tpu.memory_space<hbm>>
    %dma_start3A_6 = tpu.memref_squeeze %dma_start3A_5 : memref<1x1x2x120xi32, #tpu.memory_space<hbm>> -> memref<2x120xi32, #tpu.memory_space<hbm>>
    %dma_start3A_7 = arith.constant 0 : i32
    %dma_start3A_8 = arith.constant 0 : i32
    %dma_start3A_9 = tpu.memref_slice %arg3[%add3A, %dma_start3A, %dma_start3A_7, %dma_start3A_8] : memref<32x84x2x120xi32, #tpu.memory_space<hbm>> -> memref<1x1x2x120xi32, #tpu.memory_space<hbm>>
    %dma_start3A_10 = tpu.memref_squeeze %dma_start3A_9 : memref<1x1x2x120xi32, #tpu.memory_space<hbm>> -> memref<2x120xi32, #tpu.memory_space<hbm>>
    tpu.enqueue_dma source(%dma_start3A_10 : memref<2x120xi32, #tpu.memory_space<hbm>>) target(%arg9 : memref<2x120xi32, #tpu.memory_space<vmem>>) target_semaphore(%arg22 : memref<!tpu.dma_semaphore, #tpu.memory_space<semaphore_mem>>)
    %dma_start3A_11 = arith.constant 1 : i32
    %dma_start3A_12 = arith.constant 0 : i32
    %dma_start3A_13 = arith.constant 0 : i32
    %dma_start3A_14 = tpu.memref_slice %arg3[%add3A, %dma_start3A_11, %dma_start3A_12, %dma_start3A_13] : memref<32x84x2x120xi32, #tpu.memory_space<hbm>> -> memref<1x1x2x120xi32, #tpu.memory_space<hbm>>
    %dma_start3A_15 = tpu.memref_squeeze %dma_start3A_14 : memref<1x1x2x120xi32, #tpu.memory_space<hbm>> -> memref<2x120xi32, #tpu.memory_space<hbm>>
    %dma_start3A_16 = arith.constant 0 : i32
    %dma_start3A_17 = arith.constant 0 : i32
    %dma_start3A_18 = tpu.memref_slice %arg3[%add3A, %dma_start3A_11, %dma_start3A_16, %dma_start3A_17] : memref<32x84x2x120xi32, #tpu.memory_space<hbm>> -> memref<1x1x2x120xi32, #tpu.memory_space<hbm>>
    %dma_start3A_19 = tpu.memref_squeeze %dma_start3A_18 : memref<1x1x2x120xi32, #tpu.memory_space<hbm>> -> memref<2x120xi32, #tpu.memory_space<hbm>>
    tpu.enqueue_dma source(%dma_start3A_19 : memref<2x120xi32, #tpu.memory_space<hbm>>) target(%arg10 : memref<2x120xi32, #tpu.memory_space<vmem>>) target_semaphore(%arg23 : memref<!tpu.dma_semaphore, #tpu.memory_space<semaphore_mem>>)
    %dma_start3A_20 = arith.constant 2 : i32
    %dma_start3A_21 = arith.constant 0 : i32
    %dma_start3A_22 = arith.constant 0 : i32
    %dma_start3A_23 = tpu.memref_slice %arg3[%add3A, %dma_start3A_20, %dma_start3A_21, %dma_start3A_22] : memref<32x84x2x120xi32, #tpu.memory_space<hbm>> -> memref<1x1x2x120xi32, #tpu.memory_space<hbm>>
    %dma_start3A_24 = tpu.memref_squeeze %dma_start3A_23 : memref<1x1x2x120xi32, #tpu.memory_space<hbm>> -> memref<2x120xi32, #tpu.memory_space<hbm>>
    %dma_start3A_25 = arith.constant 0 : i32
    %dma_start3A_26 = arith.constant 0 : i32
    %dma_start3A_27 = tpu.memref_slice %arg3[%add3A, %dma_start3A_20, %dma_start3A_25, %dma_start3A_26] : memref<32x84x2x120xi32, #tpu.memory_space<hbm>> -> memref<1x1x2x120xi32, #tpu.memory_space<hbm>>
    %dma_start3A_28 = tpu.memref_squeeze %dma_start3A_27 : memref<1x1x2x120xi32, #tpu.memory_space<hbm>> -> memref<2x120xi32, #tpu.memory_space<hbm>>
    tpu.enqueue_dma source(%dma_start3A_28 : memref<2x120xi32, #tpu.memory_space<hbm>>) target(%arg11 : memref<2x120xi32, #tpu.memory_space<vmem>>) target_semaphore(%arg24 : memref<!tpu.dma_semaphore, #tpu.memory_space<semaphore_mem>>)
    %barrier3A = arith.constant 0 : index
    tpu.barrier barrier_id(%barrier3A)
    %dma_wait3A = arith.constant 0 : i32
    %dma_wait3A_29 = arith.constant 0 : i32
    %dma_wait3A_30 = arith.constant 0 : i32
    %dma_wait3A_31 = arith.constant 0 : i32
    %dma_wait3A_32 = tpu.memref_slice %arg3[%dma_wait3A, %dma_wait3A_29, %dma_wait3A_30, %dma_wait3A_31] : memref<32x84x2x120xi32, #tpu.memory_space<hbm>> -> memref<1x1x2x120xi32, #tpu.memory_space<hbm>>
    %dma_wait3A_33 = tpu.memref_squeeze %dma_wait3A_32 : memref<1x1x2x120xi32, #tpu.memory_space<hbm>> -> memref<2x120xi32, #tpu.memory_space<hbm>>
    %dma_wait3A_34 = arith.constant 0 : i32
    %dma_wait3A_35 = arith.constant 0 : i32
    %dma_wait3A_36 = tpu.memref_slice %arg3[%dma_wait3A, %dma_wait3A_29, %dma_wait3A_34, %dma_wait3A_35] : memref<32x84x2x120xi32, #tpu.memory_space<hbm>> -> memref<1x1x2x120xi32, #tpu.memory_space<hbm>>
    %dma_wait3A_37 = tpu.memref_squeeze %dma_wait3A_36 : memref<1x1x2x120xi32, #tpu.memory_space<hbm>> -> memref<2x120xi32, #tpu.memory_space<hbm>>
    tpu.wait_dma2 semaphore(%arg22 : memref<!tpu.dma_semaphore, #tpu.memory_space<semaphore_mem>>) src(%dma_wait3A_37 : memref<2x120xi32, #tpu.memory_space<hbm>>) dst(%arg9 : memref<2x120xi32, #tpu.memory_space<vmem>>)
    %dma_start3A_38 = arith.constant 0 : i32
    %dma_start3A_39 = arith.constant 0 : i32
    %dma_start3A_40 = tpu.memref_slice %arg9[%dma_start3A_38, %dma_start3A_39] : memref<2x120xi32, #tpu.memory_space<vmem>> -> memref<1x120xi32, #tpu.memory_space<vmem>>
    %dma_start3A_41 = tpu.memref_squeeze %dma_start3A_40 : memref<1x120xi32, #tpu.memory_space<vmem>> -> memref<120xi32, #tpu.memory_space<vmem>>
    %dma_start3A_42 = arith.constant 0 : i32
    %dma_start3A_43 = arith.constant 0 : i32
    %dma_start3A_44 = tpu.memref_slice %arg2[%dma_start3A_42, %dma_start3A_43] : memref<10000x128xf32, #tpu.memory_space<hbm>> -> memref<10000x128xf32, #tpu.memory_space<hbm>>
    tpu.enqueue_indirect_dma source(%dma_start3A_44 : memref<10000x128xf32, #tpu.memory_space<hbm>>) target(%arg6 : memref<120x128xf32, #tpu.memory_space<vmem>>) offsets(%dma_start3A_41 : memref<120xi32, #tpu.memory_space<vmem>>) semaphore(%arg16 : memref<!tpu.dma_semaphore, #tpu.memory_space<semaphore_mem>>)
    %add3A_45 = arith.constant 0 : i32
    %add3A_46 = arith.constant 3 : i32
    %add3A_47 = arith.addi %add3A_45, %add3A_46 : i32
    %rem3A = arith.constant 84 : i32
    %rem3A_48 = arith.remsi %add3A_47, %rem3A : i32
    %dma_start3A_49 = arith.constant 0 : i32
    %dma_start3A_50 = arith.constant 0 : i32
    %dma_start3A_51 = tpu.memref_slice %arg3[%add3A, %rem3A_48, %dma_start3A_49, %dma_start3A_50] : memref<32x84x2x120xi32, #tpu.memory_space<hbm>> -> memref<1x1x2x120xi32, #tpu.memory_space<hbm>>
    %dma_start3A_52 = tpu.memref_squeeze %dma_start3A_51 : memref<1x1x2x120xi32, #tpu.memory_space<hbm>> -> memref<2x120xi32, #tpu.memory_space<hbm>>
    %dma_start3A_53 = arith.constant 0 : i32
    %dma_start3A_54 = arith.constant 0 : i32
    %dma_start3A_55 = tpu.memref_slice %arg3[%add3A, %rem3A_48, %dma_start3A_53, %dma_start3A_54] : memref<32x84x2x120xi32, #tpu.memory_space<hbm>> -> memref<1x1x2x120xi32, #tpu.memory_space<hbm>>
    %dma_start3A_56 = tpu.memref_squeeze %dma_start3A_55 : memref<1x1x2x120xi32, #tpu.memory_space<hbm>> -> memref<2x120xi32, #tpu.memory_space<hbm>>
    tpu.enqueue_dma source(%dma_start3A_56 : memref<2x120xi32, #tpu.memory_space<hbm>>) target(%arg12 : memref<2x120xi32, #tpu.memory_space<vmem>>) target_semaphore(%arg25 : memref<!tpu.dma_semaphore, #tpu.memory_space<semaphore_mem>>)
    %dma_wait3A_57 = arith.constant 0 : i32
    %dma_wait3A_58 = arith.constant 0 : i32
    %dma_wait3A_59 = arith.constant 0 : i32
    %dma_wait3A_60 = arith.constant 0 : i32
    %dma_wait3A_61 = tpu.memref_slice %arg3[%dma_wait3A_57, %dma_wait3A_58, %dma_wait3A_59, %dma_wait3A_60] : memref<32x84x2x120xi32, #tpu.memory_space<hbm>> -> memref<1x1x2x120xi32, #tpu.memory_space<hbm>>
    %dma_wait3A_62 = tpu.memref_squeeze %dma_wait3A_61 : memref<1x1x2x120xi32, #tpu.memory_space<hbm>> -> memref<2x120xi32, #tpu.memory_space<hbm>>
    %dma_wait3A_63 = arith.constant 0 : i32
    %dma_wait3A_64 = arith.constant 0 : i32
    %dma_wait3A_65 = tpu.memref_slice %arg3[%dma_wait3A_57, %dma_wait3A_58, %dma_wait3A_63, %dma_wait3A_64] : memref<32x84x2x120xi32, #tpu.memory_space<hbm>> -> memref<1x1x2x120xi32, #tpu.memory_space<hbm>>
    %dma_wait3A_66 = tpu.memref_squeeze %dma_wait3A_65 : memref<1x1x2x120xi32, #tpu.memory_space<hbm>> -> memref<2x120xi32, #tpu.memory_space<hbm>>
    tpu.wait_dma2 semaphore(%arg23 : memref<!tpu.dma_semaphore, #tpu.memory_space<semaphore_mem>>) src(%dma_wait3A_66 : memref<2x120xi32, #tpu.memory_space<hbm>>) dst(%arg10 : memref<2x120xi32, #tpu.memory_space<vmem>>)
    %dma_start3A_67 = arith.constant 0 : i32
    %dma_start3A_68 = arith.constant 0 : i32
    %dma_start3A_69 = tpu.memref_slice %arg10[%dma_start3A_67, %dma_start3A_68] : memref<2x120xi32, #tpu.memory_space<vmem>> -> memref<1x120xi32, #tpu.memory_space<vmem>>
    %dma_start3A_70 = tpu.memref_squeeze %dma_start3A_69 : memref<1x120xi32, #tpu.memory_space<vmem>> -> memref<120xi32, #tpu.memory_space<vmem>>
    %dma_start3A_71 = arith.constant 0 : i32
    %dma_start3A_72 = arith.constant 0 : i32
    %dma_start3A_73 = tpu.memref_slice %arg2[%dma_start3A_71, %dma_start3A_72] : memref<10000x128xf32, #tpu.memory_space<hbm>> -> memref<10000x128xf32, #tpu.memory_space<hbm>>
    tpu.enqueue_indirect_dma source(%dma_start3A_73 : memref<10000x128xf32, #tpu.memory_space<hbm>>) target(%arg7 : memref<120x128xf32, #tpu.memory_space<vmem>>) offsets(%dma_start3A_70 : memref<120xi32, #tpu.memory_space<vmem>>) semaphore(%arg17 : memref<!tpu.dma_semaphore, #tpu.memory_space<semaphore_mem>>)
    %add3A_74 = arith.constant 1 : i32
    %add3A_75 = arith.constant 3 : i32
    %add3A_76 = arith.addi %add3A_74, %add3A_75 : i32
    %rem3A_77 = arith.constant 84 : i32
    %rem3A_78 = arith.remsi %add3A_76, %rem3A_77 : i32
    %dma_start3A_79 = arith.constant 0 : i32
    %dma_start3A_80 = arith.constant 0 : i32
    %dma_start3A_81 = tpu.memref_slice %arg3[%add3A, %rem3A_78, %dma_start3A_79, %dma_start3A_80] : memref<32x84x2x120xi32, #tpu.memory_space<hbm>> -> memref<1x1x2x120xi32, #tpu.memory_space<hbm>>
    %dma_start3A_82 = tpu.memref_squeeze %dma_start3A_81 : memref<1x1x2x120xi32, #tpu.memory_space<hbm>> -> memref<2x120xi32, #tpu.memory_space<hbm>>
    %dma_start3A_83 = arith.constant 0 : i32
    %dma_start3A_84 = arith.constant 0 : i32
    %dma_start3A_85 = tpu.memref_slice %arg3[%add3A, %rem3A_78, %dma_start3A_83, %dma_start3A_84] : memref<32x84x2x120xi32, #tpu.memory_space<hbm>> -> memref<1x1x2x120xi32, #tpu.memory_space<hbm>>
    %dma_start3A_86 = tpu.memref_squeeze %dma_start3A_85 : memref<1x1x2x120xi32, #tpu.memory_space<hbm>> -> memref<2x120xi32, #tpu.memory_space<hbm>>
    tpu.enqueue_dma source(%dma_start3A_86 : memref<2x120xi32, #tpu.memory_space<hbm>>) target(%arg13 : memref<2x120xi32, #tpu.memory_space<vmem>>) target_semaphore(%arg26 : memref<!tpu.dma_semaphore, #tpu.memory_space<semaphore_mem>>)
    %dma_wait3A_87 = arith.constant 0 : i32
    %dma_wait3A_88 = arith.constant 0 : i32
    %dma_wait3A_89 = arith.constant 0 : i32
    %dma_wait3A_90 = arith.constant 0 : i32
    %dma_wait3A_91 = tpu.memref_slice %arg3[%dma_wait3A_87, %dma_wait3A_88, %dma_wait3A_89, %dma_wait3A_90] : memref<32x84x2x120xi32, #tpu.memory_space<hbm>> -> memref<1x1x2x120xi32, #tpu.memory_space<hbm>>
    %dma_wait3A_92 = tpu.memref_squeeze %dma_wait3A_91 : memref<1x1x2x120xi32, #tpu.memory_space<hbm>> -> memref<2x120xi32, #tpu.memory_space<hbm>>
    %dma_wait3A_93 = arith.constant 0 : i32
    %dma_wait3A_94 = arith.constant 0 : i32
    %dma_wait3A_95 = tpu.memref_slice %arg3[%dma_wait3A_87, %dma_wait3A_88, %dma_wait3A_93, %dma_wait3A_94] : memref<32x84x2x120xi32, #tpu.memory_space<hbm>> -> memref<1x1x2x120xi32, #tpu.memory_space<hbm>>
    %dma_wait3A_96 = tpu.memref_squeeze %dma_wait3A_95 : memref<1x1x2x120xi32, #tpu.memory_space<hbm>> -> memref<2x120xi32, #tpu.memory_space<hbm>>
    tpu.wait_dma2 semaphore(%arg24 : memref<!tpu.dma_semaphore, #tpu.memory_space<semaphore_mem>>) src(%dma_wait3A_96 : memref<2x120xi32, #tpu.memory_space<hbm>>) dst(%arg11 : memref<2x120xi32, #tpu.memory_space<vmem>>)
    %dma_start3A_97 = arith.constant 0 : i32
    %dma_start3A_98 = arith.constant 0 : i32
    %dma_start3A_99 = tpu.memref_slice %arg11[%dma_start3A_97, %dma_start3A_98] : memref<2x120xi32, #tpu.memory_space<vmem>> -> memref<1x120xi32, #tpu.memory_space<vmem>>
    %dma_start3A_100 = tpu.memref_squeeze %dma_start3A_99 : memref<1x120xi32, #tpu.memory_space<vmem>> -> memref<120xi32, #tpu.memory_space<vmem>>
    %dma_start3A_101 = arith.constant 0 : i32
    %dma_start3A_102 = arith.constant 0 : i32
    %dma_start3A_103 = tpu.memref_slice %arg2[%dma_start3A_101, %dma_start3A_102] : memref<10000x128xf32, #tpu.memory_space<hbm>> -> memref<10000x128xf32, #tpu.memory_space<hbm>>
    tpu.enqueue_indirect_dma source(%dma_start3A_103 : memref<10000x128xf32, #tpu.memory_space<hbm>>) target(%arg8 : memref<120x128xf32, #tpu.memory_space<vmem>>) offsets(%dma_start3A_100 : memref<120xi32, #tpu.memory_space<vmem>>) semaphore(%arg18 : memref<!tpu.dma_semaphore, #tpu.memory_space<semaphore_mem>>)
    %add3A_104 = arith.constant 2 : i32
    %add3A_105 = arith.constant 3 : i32
    %add3A_106 = arith.addi %add3A_104, %add3A_105 : i32
    %rem3A_107 = arith.constant 84 : i32
    %rem3A_108 = arith.remsi %add3A_106, %rem3A_107 : i32
    %dma_start3A_109 = arith.constant 0 : i32
    %dma_start3A_110 = arith.constant 0 : i32
    %dma_start3A_111 = tpu.memref_slice %arg3[%add3A, %rem3A_108, %dma_start3A_109, %dma_start3A_110] : memref<32x84x2x120xi32, #tpu.memory_space<hbm>> -> memref<1x1x2x120xi32, #tpu.memory_space<hbm>>
    %dma_start3A_112 = tpu.memref_squeeze %dma_start3A_111 : memref<1x1x2x120xi32, #tpu.memory_space<hbm>> -> memref<2x120xi32, #tpu.memory_space<hbm>>
    %dma_start3A_113 = arith.constant 0 : i32
    %dma_start3A_114 = arith.constant 0 : i32
    %dma_start3A_115 = tpu.memref_slice %arg3[%add3A, %rem3A_108, %dma_start3A_113, %dma_start3A_114] : memref<32x84x2x120xi32, #tpu.memory_space<hbm>> -> memref<1x1x2x120xi32, #tpu.memory_space<hbm>>
    %dma_start3A_116 = tpu.memref_squeeze %dma_start3A_115 : memref<1x1x2x120xi32, #tpu.memory_space<hbm>> -> memref<2x120xi32, #tpu.memory_space<hbm>>
    tpu.enqueue_dma source(%dma_start3A_116 : memref<2x120xi32, #tpu.memory_space<hbm>>) target(%arg14 : memref<2x120xi32, #tpu.memory_space<vmem>>) target_semaphore(%arg27 : memref<!tpu.dma_semaphore, #tpu.memory_space<semaphore_mem>>)
    %dma_wait3A_117 = arith.constant 0 : i32
    %dma_wait3A_118 = arith.constant 0 : i32
    %dma_wait3A_119 = tpu.memref_slice %arg2[%dma_wait3A_117, %dma_wait3A_118] : memref<10000x128xf32, #tpu.memory_space<hbm>> -> memref<120x128xf32, #tpu.memory_space<hbm>>
    %dma_wait3A_120 = arith.constant 0 : i32
    %dma_wait3A_121 = arith.constant 0 : i32
    %dma_wait3A_122 = tpu.memref_slice %arg2[%dma_wait3A_120, %dma_wait3A_121] : memref<10000x128xf32, #tpu.memory_space<hbm>> -> memref<120x128xf32, #tpu.memory_space<hbm>>
    tpu.wait_dma2 semaphore(%arg16 : memref<!tpu.dma_semaphore, #tpu.memory_space<semaphore_mem>>) src(%dma_wait3A_122 : memref<120x128xf32, #tpu.memory_space<hbm>>) dst(%arg6 : memref<120x128xf32, #tpu.memory_space<vmem>>)
    %dma_start3A_123 = arith.constant 1 : i32
    %dma_start3A_124 = arith.constant 0 : i32
    %dma_start3A_125 = tpu.memref_slice %arg9[%dma_start3A_123, %dma_start3A_124] : memref<2x120xi32, #tpu.memory_space<vmem>> -> memref<1x120xi32, #tpu.memory_space<vmem>>
    %dma_start3A_126 = tpu.memref_squeeze %dma_start3A_125 : memref<1x120xi32, #tpu.memory_space<vmem>> -> memref<120xi32, #tpu.memory_space<vmem>>
    %dma_start3A_127 = arith.constant 0 : i32
    %dma_start3A_128 = arith.constant 0 : i32
    %dma_start3A_129 = tpu.memref_slice %arg15[%dma_start3A_127, %dma_start3A_128] : memref<10240x128xf32, #tpu.memory_space<vmem_shared>> -> memref<10240x128xf32, #tpu.memory_space<vmem_shared>>
    tpu.enqueue_indirect_dma source(%arg6 : memref<120x128xf32, #tpu.memory_space<vmem>>) target(%dma_start3A_129 : memref<10240x128xf32, #tpu.memory_space<vmem_shared>>) offsets(%dma_start3A_126 : memref<120xi32, #tpu.memory_space<vmem>>) semaphore(%arg19 : memref<!tpu.dma_semaphore, #tpu.memory_space<semaphore_mem>>) {add = true}
    %dma_wait3A_130 = arith.constant 0 : i32
    %dma_wait3A_131 = arith.constant 0 : i32
    %dma_wait3A_132 = arith.constant 0 : i32
    %dma_wait3A_133 = arith.constant 0 : i32
    %dma_wait3A_134 = tpu.memref_slice %arg3[%dma_wait3A_130, %dma_wait3A_131, %dma_wait3A_132, %dma_wait3A_133] : memref<32x84x2x120xi32, #tpu.memory_space<hbm>> -> memref<1x1x2x120xi32, #tpu.memory_space<hbm>>
    %dma_wait3A_135 = tpu.memref_squeeze %dma_wait3A_134 : memref<1x1x2x120xi32, #tpu.memory_space<hbm>> -> memref<2x120xi32, #tpu.memory_space<hbm>>
    %dma_wait3A_136 = arith.constant 0 : i32
    %dma_wait3A_137 = arith.constant 0 : i32
    %dma_wait3A_138 = tpu.memref_slice %arg3[%dma_wait3A_130, %dma_wait3A_131, %dma_wait3A_136, %dma_wait3A_137] : memref<32x84x2x120xi32, #tpu.memory_space<hbm>> -> memref<1x1x2x120xi32, #tpu.memory_space<hbm>>
    %dma_wait3A_139 = tpu.memref_squeeze %dma_wait3A_138 : memref<1x1x2x120xi32, #tpu.memory_space<hbm>> -> memref<2x120xi32, #tpu.memory_space<hbm>>
    tpu.wait_dma2 semaphore(%arg25 : memref<!tpu.dma_semaphore, #tpu.memory_space<semaphore_mem>>) src(%dma_wait3A_139 : memref<2x120xi32, #tpu.memory_space<hbm>>) dst(%arg12 : memref<2x120xi32, #tpu.memory_space<vmem>>)
    %dma_wait3A_140 = arith.constant 0 : i32
    %dma_wait3A_141 = arith.constant 0 : i32
    %dma_wait3A_142 = tpu.memref_slice %arg15[%dma_wait3A_140, %dma_wait3A_141] : memref<10240x128xf32, #tpu.memory_space<vmem_shared>> -> memref<120x128xf32, #tpu.memory_space<vmem_shared>>
    %dma_wait3A_143 = arith.constant 0 : i32
    %dma_wait3A_144 = arith.constant 0 : i32
    %dma_wait3A_145 = tpu.memref_slice %arg15[%dma_wait3A_143, %dma_wait3A_144] : memref<10240x128xf32, #tpu.memory_space<vmem_shared>> -> memref<120x128xf32, #tpu.memory_space<vmem_shared>>
    tpu.wait_dma2 semaphore(%arg19 : memref<!tpu.dma_semaphore, #tpu.memory_space<semaphore_mem>>) src(%arg6 : memref<120x128xf32, #tpu.memory_space<vmem>>) dst(%dma_wait3A_145 : memref<120x128xf32, #tpu.memory_space<vmem_shared>>)
    %dma_start3A_146 = arith.constant 0 : i32
    %dma_start3A_147 = arith.constant 0 : i32
    %dma_start3A_148 = tpu.memref_slice %arg12[%dma_start3A_146, %dma_start3A_147] : memref<2x120xi32, #tpu.memory_space<vmem>> -> memref<1x120xi32, #tpu.memory_space<vmem>>
    %dma_start3A_149 = tpu.memref_squeeze %dma_start3A_148 : memref<1x120xi32, #tpu.memory_space<vmem>> -> memref<120xi32, #tpu.memory_space<vmem>>
    %dma_start3A_150 = arith.constant 0 : i32
    %dma_start3A_151 = arith.constant 0 : i32
    %dma_start3A_152 = tpu.memref_slice %arg2[%dma_start3A_150, %dma_start3A_151] : memref<10000x128xf32, #tpu.memory_space<hbm>> -> memref<10000x128xf32, #tpu.memory_space<hbm>>
    tpu.enqueue_indirect_dma source(%dma_start3A_152 : memref<10000x128xf32, #tpu.memory_space<hbm>>) target(%arg6 : memref<120x128xf32, #tpu.memory_space<vmem>>) offsets(%dma_start3A_149 : memref<120xi32, #tpu.memory_space<vmem>>) semaphore(%arg16 : memref<!tpu.dma_semaphore, #tpu.memory_space<semaphore_mem>>)
    %add3A_153 = arith.constant 3 : i32
    %add3A_154 = arith.constant 3 : i32
    %add3A_155 = arith.addi %add3A_153, %add3A_154 : i32
    %rem3A_156 = arith.constant 84 : i32
    %rem3A_157 = arith.remsi %add3A_155, %rem3A_156 : i32
    %dma_start3A_158 = arith.constant 0 : i32
    %dma_start3A_159 = arith.constant 0 : i32
    %dma_start3A_160 = tpu.memref_slice %arg3[%add3A, %rem3A_157, %dma_start3A_158, %dma_start3A_159] : memref<32x84x2x120xi32, #tpu.memory_space<hbm>> -> memref<1x1x2x120xi32, #tpu.memory_space<hbm>>
    %dma_start3A_161 = tpu.memref_squeeze %dma_start3A_160 : memref<1x1x2x120xi32, #tpu.memory_space<hbm>> -> memref<2x120xi32, #tpu.memory_space<hbm>>
    %dma_start3A_162 = arith.constant 0 : i32
    %dma_start3A_163 = arith.constant 0 : i32
    %dma_start3A_164 = tpu.memref_slice %arg3[%add3A, %rem3A_157, %dma_start3A_162, %dma_start3A_163] : memref<32x84x2x120xi32, #tpu.memory_space<hbm>> -> memref<1x1x2x120xi32, #tpu.memory_space<hbm>>
    %dma_start3A_165 = tpu.memref_squeeze %dma_start3A_164 : memref<1x1x2x120xi32, #tpu.memory_space<hbm>> -> memref<2x120xi32, #tpu.memory_space<hbm>>
    tpu.enqueue_dma source(%dma_start3A_165 : memref<2x120xi32, #tpu.memory_space<hbm>>) target(%arg9 : memref<2x120xi32, #tpu.memory_space<vmem>>) target_semaphore(%arg22 : memref<!tpu.dma_semaphore, #tpu.memory_space<semaphore_mem>>)
    %dma_wait3A_166 = arith.constant 0 : i32
    %dma_wait3A_167 = arith.constant 0 : i32
    %dma_wait3A_168 = tpu.memref_slice %arg2[%dma_wait3A_166, %dma_wait3A_167] : memref<10000x128xf32, #tpu.memory_space<hbm>> -> memref<120x128xf32, #tpu.memory_space<hbm>>
    %dma_wait3A_169 = arith.constant 0 : i32
    %dma_wait3A_170 = arith.constant 0 : i32
    %dma_wait3A_171 = tpu.memref_slice %arg2[%dma_wait3A_169, %dma_wait3A_170] : memref<10000x128xf32, #tpu.memory_space<hbm>> -> memref<120x128xf32, #tpu.memory_space<hbm>>
    tpu.wait_dma2 semaphore(%arg17 : memref<!tpu.dma_semaphore, #tpu.memory_space<semaphore_mem>>) src(%dma_wait3A_171 : memref<120x128xf32, #tpu.memory_space<hbm>>) dst(%arg7 : memref<120x128xf32, #tpu.memory_space<vmem>>)
    %dma_start3A_172 = arith.constant 1 : i32
    %dma_start3A_173 = arith.constant 0 : i32
    %dma_start3A_174 = tpu.memref_slice %arg10[%dma_start3A_172, %dma_start3A_173] : memref<2x120xi32, #tpu.memory_space<vmem>> -> memref<1x120xi32, #tpu.memory_space<vmem>>
    %dma_start3A_175 = tpu.memref_squeeze %dma_start3A_174 : memref<1x120xi32, #tpu.memory_space<vmem>> -> memref<120xi32, #tpu.memory_space<vmem>>
    %dma_start3A_176 = arith.constant 0 : i32
    %dma_start3A_177 = arith.constant 0 : i32
    %dma_start3A_178 = tpu.memref_slice %arg15[%dma_start3A_176, %dma_start3A_177] : memref<10240x128xf32, #tpu.memory_space<vmem_shared>> -> memref<10240x128xf32, #tpu.memory_space<vmem_shared>>
    tpu.enqueue_indirect_dma source(%arg7 : memref<120x128xf32, #tpu.memory_space<vmem>>) target(%dma_start3A_178 : memref<10240x128xf32, #tpu.memory_space<vmem_shared>>) offsets(%dma_start3A_175 : memref<120xi32, #tpu.memory_space<vmem>>) semaphore(%arg20 : memref<!tpu.dma_semaphore, #tpu.memory_space<semaphore_mem>>) {add = true}
    %dma_wait3A_179 = arith.constant 0 : i32
    %dma_wait3A_180 = arith.constant 0 : i32
    %dma_wait3A_181 = arith.constant 0 : i32
    %dma_wait3A_182 = arith.constant 0 : i32
    %dma_wait3A_183 = tpu.memref_slice %arg3[%dma_wait3A_179, %dma_wait3A_180, %dma_wait3A_181, %dma_wait3A_182] : memref<32x84x2x120xi32, #tpu.memory_space<hbm>> -> memref<1x1x2x120xi32, #tpu.memory_space<hbm>>
    %dma_wait3A_184 = tpu.memref_squeeze %dma_wait3A_183 : memref<1x1x2x120xi32, #tpu.memory_space<hbm>> -> memref<2x120xi32, #tpu.memory_space<hbm>>
    %dma_wait3A_185 = arith.constant 0 : i32
    %dma_wait3A_186 = arith.constant 0 : i32
    %dma_wait3A_187 = tpu.memref_slice %arg3[%dma_wait3A_179, %dma_wait3A_180, %dma_wait3A_185, %dma_wait3A_186] : memref<32x84x2x120xi32, #tpu.memory_space<hbm>> -> memref<1x1x2x120xi32, #tpu.memory_space<hbm>>
    %dma_wait3A_188 = tpu.memref_squeeze %dma_wait3A_187 : memref<1x1x2x120xi32, #tpu.memory_space<hbm>> -> memref<2x120xi32, #tpu.memory_space<hbm>>
    tpu.wait_dma2 semaphore(%arg26 : memref<!tpu.dma_semaphore, #tpu.memory_space<semaphore_mem>>) src(%dma_wait3A_188 : memref<2x120xi32, #tpu.memory_space<hbm>>) dst(%arg13 : memref<2x120xi32, #tpu.memory_space<vmem>>)
    %dma_wait3A_189 = arith.constant 0 : i32
    %dma_wait3A_190 = arith.constant 0 : i32
    %dma_wait3A_191 = tpu.memref_slice %arg15[%dma_wait3A_189, %dma_wait3A_190] : memref<10240x128xf32, #tpu.memory_space<vmem_shared>> -> memref<120x128xf32, #tpu.memory_space<vmem_shared>>
    %dma_wait3A_192 = arith.constant 0 : i32
    %dma_wait3A_193 = arith.constant 0 : i32
    %dma_wait3A_194 = tpu.memref_slice %arg15[%dma_wait3A_192, %dma_wait3A_193] : memref<10240x128xf32, #tpu.memory_space<vmem_shared>> -> memref<120x128xf32, #tpu.memory_space<vmem_shared>>
    tpu.wait_dma2 semaphore(%arg20 : memref<!tpu.dma_semaphore, #tpu.memory_space<semaphore_mem>>) src(%arg7 : memref<120x128xf32, #tpu.memory_space<vmem>>) dst(%dma_wait3A_194 : memref<120x128xf32, #tpu.memory_space<vmem_shared>>)
    %dma_start3A_195 = arith.constant 0 : i32
    %dma_start3A_196 = arith.constant 0 : i32
    %dma_start3A_197 = tpu.memref_slice %arg13[%dma_start3A_195, %dma_start3A_196] : memref<2x120xi32, #tpu.memory_space<vmem>> -> memref<1x120xi32, #tpu.memory_space<vmem>>
    %dma_start3A_198 = tpu.memref_squeeze %dma_start3A_197 : memref<1x120xi32, #tpu.memory_space<vmem>> -> memref<120xi32, #tpu.memory_space<vmem>>
    %dma_start3A_199 = arith.constant 0 : i32
    %dma_start3A_200 = arith.constant 0 : i32
    %dma_start3A_201 = tpu.memref_slice %arg2[%dma_start3A_199, %dma_start3A_200] : memref<10000x128xf32, #tpu.memory_space<hbm>> -> memref<10000x128xf32, #tpu.memory_space<hbm>>
    tpu.enqueue_indirect_dma source(%dma_start3A_201 : memref<10000x128xf32, #tpu.memory_space<hbm>>) target(%arg7 : memref<120x128xf32, #tpu.memory_space<vmem>>) offsets(%dma_start3A_198 : memref<120xi32, #tpu.memory_space<vmem>>) semaphore(%arg17 : memref<!tpu.dma_semaphore, #tpu.memory_space<semaphore_mem>>)
    %add3A_202 = arith.constant 4 : i32
    %add3A_203 = arith.constant 3 : i32
    %add3A_204 = arith.addi %add3A_202, %add3A_203 : i32
    %rem3A_205 = arith.constant 84 : i32
    %rem3A_206 = arith.remsi %add3A_204, %rem3A_205 : i32
    %dma_start3A_207 = arith.constant 0 : i32
    %dma_start3A_208 = arith.constant 0 : i32
    %dma_start3A_209 = tpu.memref_slice %arg3[%add3A, %rem3A_206, %dma_start3A_207, %dma_start3A_208] : memref<32x84x2x120xi32, #tpu.memory_space<hbm>> -> memref<1x1x2x120xi32, #tpu.memory_space<hbm>>
    %dma_start3A_210 = tpu.memref_squeeze %dma_start3A_209 : memref<1x1x2x120xi32, #tpu.memory_space<hbm>> -> memref<2x120xi32, #tpu.memory_space<hbm>>
    %dma_start3A_211 = arith.constant 0 : i32
    %dma_start3A_212 = arith.constant 0 : i32
    %dma_start3A_213 = tpu.memref_slice %arg3[%add3A, %rem3A_206, %dma_start3A_211, %dma_start3A_212] : memref<32x84x2x120xi32, #tpu.memory_space<hbm>> -> memref<1x1x2x120xi32, #tpu.memory_space<hbm>>
    %dma_start3A_214 = tpu.memref_squeeze %dma_start3A_213 : memref<1x1x2x120xi32, #tpu.memory_space<hbm>> -> memref<2x120xi32, #tpu.memory_space<hbm>>
    tpu.enqueue_dma source(%dma_start3A_214 : memref<2x120xi32, #tpu.memory_space<hbm>>) target(%arg10 : memref<2x120xi32, #tpu.memory_space<vmem>>) target_semaphore(%arg23 : memref<!tpu.dma_semaphore, #tpu.memory_space<semaphore_mem>>)
    %dma_wait3A_215 = arith.constant 0 : i32
    %dma_wait3A_216 = arith.constant 0 : i32
    %dma_wait3A_217 = tpu.memref_slice %arg2[%dma_wait3A_215, %dma_wait3A_216] : memref<10000x128xf32, #tpu.memory_space<hbm>> -> memref<120x128xf32, #tpu.memory_space<hbm>>
    %dma_wait3A_218 = arith.constant 0 : i32
    %dma_wait3A_219 = arith.constant 0 : i32
    %dma_wait3A_220 = tpu.memref_slice %arg2[%dma_wait3A_218, %dma_wait3A_219] : memref<10000x128xf32, #tpu.memory_space<hbm>> -> memref<120x128xf32, #tpu.memory_space<hbm>>
    tpu.wait_dma2 semaphore(%arg18 : memref<!tpu.dma_semaphore, #tpu.memory_space<semaphore_mem>>) src(%dma_wait3A_220 : memref<120x128xf32, #tpu.memory_space<hbm>>) dst(%arg8 : memref<120x128xf32, #tpu.memory_space<vmem>>)
    %dma_start3A_221 = arith.constant 1 : i32
    %dma_start3A_222 = arith.constant 0 : i32
    %dma_start3A_223 = tpu.memref_slice %arg11[%dma_start3A_221, %dma_start3A_222] : memref<2x120xi32, #tpu.memory_space<vmem>> -> memref<1x120xi32, #tpu.memory_space<vmem>>
    %dma_start3A_224 = tpu.memref_squeeze %dma_start3A_223 : memref<1x120xi32, #tpu.memory_space<vmem>> -> memref<120xi32, #tpu.memory_space<vmem>>
    %dma_start3A_225 = arith.constant 0 : i32
    %dma_start3A_226 = arith.constant 0 : i32
    %dma_start3A_227 = tpu.memref_slice %arg15[%dma_start3A_225, %dma_start3A_226] : memref<10240x128xf32, #tpu.memory_space<vmem_shared>> -> memref<10240x128xf32, #tpu.memory_space<vmem_shared>>
    tpu.enqueue_indirect_dma source(%arg8 : memref<120x128xf32, #tpu.memory_space<vmem>>) target(%dma_start3A_227 : memref<10240x128xf32, #tpu.memory_space<vmem_shared>>) offsets(%dma_start3A_224 : memref<120xi32, #tpu.memory_space<vmem>>) semaphore(%arg21 : memref<!tpu.dma_semaphore, #tpu.memory_space<semaphore_mem>>) {add = true}
    %dma_wait3A_228 = arith.constant 0 : i32
    %dma_wait3A_229 = arith.constant 0 : i32
    %dma_wait3A_230 = arith.constant 0 : i32
    %dma_wait3A_231 = arith.constant 0 : i32
    %dma_wait3A_232 = tpu.memref_slice %arg3[%dma_wait3A_228, %dma_wait3A_229, %dma_wait3A_230, %dma_wait3A_231] : memref<32x84x2x120xi32, #tpu.memory_space<hbm>> -> memref<1x1x2x120xi32, #tpu.memory_space<hbm>>
    %dma_wait3A_233 = tpu.memref_squeeze %dma_wait3A_232 : memref<1x1x2x120xi32, #tpu.memory_space<hbm>> -> memref<2x120xi32, #tpu.memory_space<hbm>>
    %dma_wait3A_234 = arith.constant 0 : i32
    %dma_wait3A_235 = arith.constant 0 : i32
    %dma_wait3A_236 = tpu.memref_slice %arg3[%dma_wait3A_228, %dma_wait3A_229, %dma_wait3A_234, %dma_wait3A_235] : memref<32x84x2x120xi32, #tpu.memory_space<hbm>> -> memref<1x1x2x120xi32, #tpu.memory_space<hbm>>
    %dma_wait3A_237 = tpu.memref_squeeze %dma_wait3A_236 : memref<1x1x2x120xi32, #tpu.memory_space<hbm>> -> memref<2x120xi32, #tpu.memory_space<hbm>>
    tpu.wait_dma2 semaphore(%arg27 : memref<!tpu.dma_semaphore, #tpu.memory_space<semaphore_mem>>) src(%dma_wait3A_237 : memref<2x120xi32, #tpu.memory_space<hbm>>) dst(%arg14 : memref<2x120xi32, #tpu.memory_space<vmem>>)
    %dma_wait3A_238 = arith.constant 0 : i32
    %dma_wait3A_239 = arith.constant 0 : i32
    %dma_wait3A_240 = tpu.memref_slice %arg15[%dma_wait3A_238, %dma_wait3A_239] : memref<10240x128xf32, #tpu.memory_space<vmem_shared>> -> memref<120x128xf32, #tpu.memory_space<vmem_shared>>
    %dma_wait3A_241 = arith.constant 0 : i32
    %dma_wait3A_242 = arith.constant 0 : i32
    %dma_wait3A_243 = tpu.memref_slice %arg15[%dma_wait3A_241, %dma_wait3A_242] : memref<10240x128xf32, #tpu.memory_space<vmem_shared>> -> memref<120x128xf32, #tpu.memory_space<vmem_shared>>
    tpu.wait_dma2 semaphore(%arg21 : memref<!tpu.dma_semaphore, #tpu.memory_space<semaphore_mem>>) src(%arg8 : memref<120x128xf32, #tpu.memory_space<vmem>>) dst(%dma_wait3A_243 : memref<120x128xf32, #tpu.memory_space<vmem_shared>>)
    %dma_start3A_244 = arith.constant 0 : i32
    %dma_start3A_245 = arith.constant 0 : i32
    %dma_start3A_246 = tpu.memref_slice %arg14[%dma_start3A_244, %dma_start3A_245] : memref<2x120xi32, #tpu.memory_space<vmem>> -> memref<1x120xi32, #tpu.memory_space<vmem>>
    %dma_start3A_247 = tpu.memref_squeeze %dma_start3A_246 : memref<1x120xi32, #tpu.memory_space<vmem>> -> memref<120xi32, #tpu.memory_space<vmem>>
    %dma_start3A_248 = arith.constant 0 : i32
    %dma_start3A_249 = arith.constant 0 : i32
    %dma_start3A_250 = tpu.memref_slice %arg2[%dma_start3A_248, %dma_start3A_249] : memref<10000x128xf32, #tpu.memory_space<hbm>> -> memref<10000x128xf32, #tpu.memory_space<hbm>>
    tpu.enqueue_indirect_dma source(%dma_start3A_250 : memref<10000x128xf32, #tpu.memory_space<hbm>>) target(%arg8 : memref<120x128xf32, #tpu.memory_space<vmem>>) offsets(%dma_start3A_247 : memref<120xi32, #tpu.memory_space<vmem>>) semaphore(%arg18 : memref<!tpu.dma_semaphore, #tpu.memory_space<semaphore_mem>>)
    %add3A_251 = arith.constant 5 : i32
    %add3A_252 = arith.constant 3 : i32
    %add3A_253 = arith.addi %add3A_251, %add3A_252 : i32
    %rem3A_254 = arith.constant 84 : i32
    %rem3A_255 = arith.remsi %add3A_253, %rem3A_254 : i32
    %dma_start3A_256 = arith.constant 0 : i32
    %dma_start3A_257 = arith.constant 0 : i32
    %dma_start3A_258 = tpu.memref_slice %arg3[%add3A, %rem3A_255, %dma_start3A_256, %dma_start3A_257] : memref<32x84x2x120xi32, #tpu.memory_space<hbm>> -> memref<1x1x2x120xi32, #tpu.memory_space<hbm>>
    %dma_start3A_259 = tpu.memref_squeeze %dma_start3A_258 : memref<1x1x2x120xi32, #tpu.memory_space<hbm>> -> memref<2x120xi32, #tpu.memory_space<hbm>>
    %dma_start3A_260 = arith.constant 0 : i32
    %dma_start3A_261 = arith.constant 0 : i32
    %dma_start3A_262 = tpu.memref_slice %arg3[%add3A, %rem3A_255, %dma_start3A_260, %dma_start3A_261] : memref<32x84x2x120xi32, #tpu.memory_space<hbm>> -> memref<1x1x2x120xi32, #tpu.memory_space<hbm>>
    %dma_start3A_263 = tpu.memref_squeeze %dma_start3A_262 : memref<1x1x2x120xi32, #tpu.memory_space<hbm>> -> memref<2x120xi32, #tpu.memory_space<hbm>>
    tpu.enqueue_dma source(%dma_start3A_263 : memref<2x120xi32, #tpu.memory_space<hbm>>) target(%arg11 : memref<2x120xi32, #tpu.memory_space<vmem>>) target_semaphore(%arg24 : memref<!tpu.dma_semaphore, #tpu.memory_space<semaphore_mem>>)
    %dma_wait3A_264 = arith.constant 0 : i32
    %dma_wait3A_265 = arith.constant 0 : i32
    %dma_wait3A_266 = tpu.memref_slice %arg2[%dma_wait3A_264, %dma_wait3A_265] : memref<10000x128xf32, #tpu.memory_space<hbm>> -> memref<120x128xf32, #tpu.memory_space<hbm>>
    %dma_wait3A_267 = arith.constant 0 : i32
    %dma_wait3A_268 = arith.constant 0 : i32
    %dma_wait3A_269 = tpu.memref_slice %arg2[%dma_wait3A_267, %dma_wait3A_268] : memref<10000x128xf32, #tpu.memory_space<hbm>> -> memref<120x128xf32, #tpu.memory_space<hbm>>
    tpu.wait_dma2 semaphore(%arg16 : memref<!tpu.dma_semaphore, #tpu.memory_space<semaphore_mem>>) src(%dma_wait3A_269 : memref<120x128xf32, #tpu.memory_space<hbm>>) dst(%arg6 : memref<120x128xf32, #tpu.memory_space<vmem>>)
    %dma_start3A_270 = arith.constant 1 : i32
    %dma_start3A_271 = arith.constant 0 : i32
    %dma_start3A_272 = tpu.memref_slice %arg12[%dma_start3A_270, %dma_start3A_271] : memref<2x120xi32, #tpu.memory_space<vmem>> -> memref<1x120xi32, #tpu.memory_space<vmem>>
    %dma_start3A_273 = tpu.memref_squeeze %dma_start3A_272 : memref<1x120xi32, #tpu.memory_space<vmem>> -> memref<120xi32, #tpu.memory_space<vmem>>
    %dma_start3A_274 = arith.constant 0 : i32
    %dma_start3A_275 = arith.constant 0 : i32
    %dma_start3A_276 = tpu.memref_slice %arg15[%dma_start3A_274, %dma_start3A_275] : memref<10240x128xf32, #tpu.memory_space<vmem_shared>> -> memref<10240x128xf32, #tpu.memory_space<vmem_shared>>
    tpu.enqueue_indirect_dma source(%arg6 : memref<120x128xf32, #tpu.memory_space<vmem>>) target(%dma_start3A_276 : memref<10240x128xf32, #tpu.memory_space<vmem_shared>>) offsets(%dma_start3A_273 : memref<120xi32, #tpu.memory_space<vmem>>) semaphore(%arg19 : memref<!tpu.dma_semaphore, #tpu.memory_space<semaphore_mem>>) {add = true}
    %scan3A = arith.constant 0 : i32
    %scan3A_277 = arith.constant 1 : i32
    %scan3A_278 = arith.constant 13 : i32
    %scan3A_279 = arith.addi %scan3A_277, %scan3A_278 : i32
    %scan3A_280 = arith.constant 1 : i32
    scf.for %scan3A_357 = %scan3A_277 to %scan3A_279 step %scan3A_280  : i32 {
      %mul3A_358 = arith.constant 6 : i32
      %mul3A_359 = arith.muli %scan3A_357, %mul3A_358 : i32
      %add3A_360 = arith.constant 0 : i32
      %add3A_361 = arith.addi %mul3A_359, %add3A_360 : i32
      %dma_wait3A_362 = arith.constant 0 : i32
      %dma_wait3A_363 = arith.constant 0 : i32
      %dma_wait3A_364 = arith.constant 0 : i32
      %dma_wait3A_365 = arith.constant 0 : i32
      %dma_wait3A_366 = tpu.memref_slice %arg3[%dma_wait3A_362, %dma_wait3A_363, %dma_wait3A_364, %dma_wait3A_365] : memref<32x84x2x120xi32, #tpu.memory_space<hbm>> -> memref<1x1x2x120xi32, #tpu.memory_space<hbm>>
      %dma_wait3A_367 = tpu.memref_squeeze %dma_wait3A_366 : memref<1x1x2x120xi32, #tpu.memory_space<hbm>> -> memref<2x120xi32, #tpu.memory_space<hbm>>
      %dma_wait3A_368 = arith.constant 0 : i32
      %dma_wait3A_369 = arith.constant 0 : i32
      %dma_wait3A_370 = tpu.memref_slice %arg3[%dma_wait3A_362, %dma_wait3A_363, %dma_wait3A_368, %dma_wait3A_369] : memref<32x84x2x120xi32, #tpu.memory_space<hbm>> -> memref<1x1x2x120xi32, #tpu.memory_space<hbm>>
      %dma_wait3A_371 = tpu.memref_squeeze %dma_wait3A_370 : memref<1x1x2x120xi32, #tpu.memory_space<hbm>> -> memref<2x120xi32, #tpu.memory_space<hbm>>
      tpu.wait_dma2 semaphore(%arg22 : memref<!tpu.dma_semaphore, #tpu.memory_space<semaphore_mem>>) src(%dma_wait3A_371 : memref<2x120xi32, #tpu.memory_space<hbm>>) dst(%arg9 : memref<2x120xi32, #tpu.memory_space<vmem>>)
      %dma_wait3A_372 = arith.constant 0 : i32
      %dma_wait3A_373 = arith.constant 0 : i32
      %dma_wait3A_374 = tpu.memref_slice %arg15[%dma_wait3A_372, %dma_wait3A_373] : memref<10240x128xf32, #tpu.memory_space<vmem_shared>> -> memref<120x128xf32, #tpu.memory_space<vmem_shared>>
      %dma_wait3A_375 = arith.constant 0 : i32
      %dma_wait3A_376 = arith.constant 0 : i32
      %dma_wait3A_377 = tpu.memref_slice %arg15[%dma_wait3A_375, %dma_wait3A_376] : memref<10240x128xf32, #tpu.memory_space<vmem_shared>> -> memref<120x128xf32, #tpu.memory_space<vmem_shared>>
      tpu.wait_dma2 semaphore(%arg19 : memref<!tpu.dma_semaphore, #tpu.memory_space<semaphore_mem>>) src(%arg6 : memref<120x128xf32, #tpu.memory_space<vmem>>) dst(%dma_wait3A_377 : memref<120x128xf32, #tpu.memory_space<vmem_shared>>)
      %dma_start3A_378 = arith.constant 0 : i32
      %dma_start3A_379 = arith.constant 0 : i32
      %dma_start3A_380 = tpu.memref_slice %arg9[%dma_start3A_378, %dma_start3A_379] : memref<2x120xi32, #tpu.memory_space<vmem>> -> memref<1x120xi32, #tpu.memory_space<vmem>>
      %dma_start3A_381 = tpu.memref_squeeze %dma_start3A_380 : memref<1x120xi32, #tpu.memory_space<vmem>> -> memref<120xi32, #tpu.memory_space<vmem>>
      %dma_start3A_382 = arith.constant 0 : i32
      %dma_start3A_383 = arith.constant 0 : i32
      %dma_start3A_384 = tpu.memref_slice %arg2[%dma_start3A_382, %dma_start3A_383] : memref<10000x128xf32, #tpu.memory_space<hbm>> -> memref<10000x128xf32, #tpu.memory_space<hbm>>
      tpu.enqueue_indirect_dma source(%dma_start3A_384 : memref<10000x128xf32, #tpu.memory_space<hbm>>) target(%arg6 : memref<120x128xf32, #tpu.memory_space<vmem>>) offsets(%dma_start3A_381 : memref<120xi32, #tpu.memory_space<vmem>>) semaphore(%arg16 : memref<!tpu.dma_semaphore, #tpu.memory_space<semaphore_mem>>)
      %add3A_385 = arith.constant 3 : i32
      %add3A_386 = arith.addi %add3A_361, %add3A_385 : i32
      %rem3A_387 = arith.constant 84 : i32
      %rem3A_388 = arith.remsi %add3A_386, %rem3A_387 : i32
      %dma_start3A_389 = arith.constant 0 : i32
      %dma_start3A_390 = arith.constant 0 : i32
      %dma_start3A_391 = tpu.memref_slice %arg3[%add3A, %rem3A_388, %dma_start3A_389, %dma_start3A_390] : memref<32x84x2x120xi32, #tpu.memory_space<hbm>> -> memref<1x1x2x120xi32, #tpu.memory_space<hbm>>
      %dma_start3A_392 = tpu.memref_squeeze %dma_start3A_391 : memref<1x1x2x120xi32, #tpu.memory_space<hbm>> -> memref<2x120xi32, #tpu.memory_space<hbm>>
      %dma_start3A_393 = arith.constant 0 : i32
      %dma_start3A_394 = arith.constant 0 : i32
      %dma_start3A_395 = tpu.memref_slice %arg3[%add3A, %rem3A_388, %dma_start3A_393, %dma_start3A_394] : memref<32x84x2x120xi32, #tpu.memory_space<hbm>> -> memref<1x1x2x120xi32, #tpu.memory_space<hbm>>
      %dma_start3A_396 = tpu.memref_squeeze %dma_start3A_395 : memref<1x1x2x120xi32, #tpu.memory_space<hbm>> -> memref<2x120xi32, #tpu.memory_space<hbm>>
      tpu.enqueue_dma source(%dma_start3A_396 : memref<2x120xi32, #tpu.memory_space<hbm>>) target(%arg12 : memref<2x120xi32, #tpu.memory_space<vmem>>) target_semaphore(%arg25 : memref<!tpu.dma_semaphore, #tpu.memory_space<semaphore_mem>>)
      %dma_wait3A_397 = arith.constant 0 : i32
      %dma_wait3A_398 = arith.constant 0 : i32
      %dma_wait3A_399 = tpu.memref_slice %arg2[%dma_wait3A_397, %dma_wait3A_398] : memref<10000x128xf32, #tpu.memory_space<hbm>> -> memref<120x128xf32, #tpu.memory_space<hbm>>
      %dma_wait3A_400 = arith.constant 0 : i32
      %dma_wait3A_401 = arith.constant 0 : i32
      %dma_wait3A_402 = tpu.memref_slice %arg2[%dma_wait3A_400, %dma_wait3A_401] : memref<10000x128xf32, #tpu.memory_space<hbm>> -> memref<120x128xf32, #tpu.memory_space<hbm>>
      tpu.wait_dma2 semaphore(%arg17 : memref<!tpu.dma_semaphore, #tpu.memory_space<semaphore_mem>>) src(%dma_wait3A_402 : memref<120x128xf32, #tpu.memory_space<hbm>>) dst(%arg7 : memref<120x128xf32, #tpu.memory_space<vmem>>)
      %dma_start3A_403 = arith.constant 1 : i32
      %dma_start3A_404 = arith.constant 0 : i32
      %dma_start3A_405 = tpu.memref_slice %arg13[%dma_start3A_403, %dma_start3A_404] : memref<2x120xi32, #tpu.memory_space<vmem>> -> memref<1x120xi32, #tpu.memory_space<vmem>>
      %dma_start3A_406 = tpu.memref_squeeze %dma_start3A_405 : memref<1x120xi32, #tpu.memory_space<vmem>> -> memref<120xi32, #tpu.memory_space<vmem>>
      %dma_start3A_407 = arith.constant 0 : i32
      %dma_start3A_408 = arith.constant 0 : i32
      %dma_start3A_409 = tpu.memref_slice %arg15[%dma_start3A_407, %dma_start3A_408] : memref<10240x128xf32, #tpu.memory_space<vmem_shared>> -> memref<10240x128xf32, #tpu.memory_space<vmem_shared>>
      tpu.enqueue_indirect_dma source(%arg7 : memref<120x128xf32, #tpu.memory_space<vmem>>) target(%dma_start3A_409 : memref<10240x128xf32, #tpu.memory_space<vmem_shared>>) offsets(%dma_start3A_406 : memref<120xi32, #tpu.memory_space<vmem>>) semaphore(%arg20 : memref<!tpu.dma_semaphore, #tpu.memory_space<semaphore_mem>>) {add = true}
      %mul3A_410 = arith.constant 6 : i32
      %mul3A_411 = arith.muli %scan3A_357, %mul3A_410 : i32
      %add3A_412 = arith.constant 1 : i32
      %add3A_413 = arith.addi %mul3A_411, %add3A_412 : i32
      %dma_wait3A_414 = arith.constant 0 : i32
      %dma_wait3A_415 = arith.constant 0 : i32
      %dma_wait3A_416 = arith.constant 0 : i32
      %dma_wait3A_417 = arith.constant 0 : i32
      %dma_wait3A_418 = tpu.memref_slice %arg3[%dma_wait3A_414, %dma_wait3A_415, %dma_wait3A_416, %dma_wait3A_417] : memref<32x84x2x120xi32, #tpu.memory_space<hbm>> -> memref<1x1x2x120xi32, #tpu.memory_space<hbm>>
      %dma_wait3A_419 = tpu.memref_squeeze %dma_wait3A_418 : memref<1x1x2x120xi32, #tpu.memory_space<hbm>> -> memref<2x120xi32, #tpu.memory_space<hbm>>
      %dma_wait3A_420 = arith.constant 0 : i32
      %dma_wait3A_421 = arith.constant 0 : i32
      %dma_wait3A_422 = tpu.memref_slice %arg3[%dma_wait3A_414, %dma_wait3A_415, %dma_wait3A_420, %dma_wait3A_421] : memref<32x84x2x120xi32, #tpu.memory_space<hbm>> -> memref<1x1x2x120xi32, #tpu.memory_space<hbm>>
      %dma_wait3A_423 = tpu.memref_squeeze %dma_wait3A_422 : memref<1x1x2x120xi32, #tpu.memory_space<hbm>> -> memref<2x120xi32, #tpu.memory_space<hbm>>
      tpu.wait_dma2 semaphore(%arg23 : memref<!tpu.dma_semaphore, #tpu.memory_space<semaphore_mem>>) src(%dma_wait3A_423 : memref<2x120xi32, #tpu.memory_space<hbm>>) dst(%arg10 : memref<2x120xi32, #tpu.memory_space<vmem>>)
      %dma_wait3A_424 = arith.constant 0 : i32
      %dma_wait3A_425 = arith.constant 0 : i32
      %dma_wait3A_426 = tpu.memref_slice %arg15[%dma_wait3A_424, %dma_wait3A_425] : memref<10240x128xf32, #tpu.memory_space<vmem_shared>> -> memref<120x128xf32, #tpu.memory_space<vmem_shared>>
      %dma_wait3A_427 = arith.constant 0 : i32
      %dma_wait3A_428 = arith.constant 0 : i32
      %dma_wait3A_429 = tpu.memref_slice %arg15[%dma_wait3A_427, %dma_wait3A_428] : memref<10240x128xf32, #tpu.memory_space<vmem_shared>> -> memref<120x128xf32, #tpu.memory_space<vmem_shared>>
      tpu.wait_dma2 semaphore(%arg20 : memref<!tpu.dma_semaphore, #tpu.memory_space<semaphore_mem>>) src(%arg7 : memref<120x128xf32, #tpu.memory_space<vmem>>) dst(%dma_wait3A_429 : memref<120x128xf32, #tpu.memory_space<vmem_shared>>)
      %dma_start3A_430 = arith.constant 0 : i32
      %dma_start3A_431 = arith.constant 0 : i32
      %dma_start3A_432 = tpu.memref_slice %arg10[%dma_start3A_430, %dma_start3A_431] : memref<2x120xi32, #tpu.memory_space<vmem>> -> memref<1x120xi32, #tpu.memory_space<vmem>>
      %dma_start3A_433 = tpu.memref_squeeze %dma_start3A_432 : memref<1x120xi32, #tpu.memory_space<vmem>> -> memref<120xi32, #tpu.memory_space<vmem>>
      %dma_start3A_434 = arith.constant 0 : i32
      %dma_start3A_435 = arith.constant 0 : i32
      %dma_start3A_436 = tpu.memref_slice %arg2[%dma_start3A_434, %dma_start3A_435] : memref<10000x128xf32, #tpu.memory_space<hbm>> -> memref<10000x128xf32, #tpu.memory_space<hbm>>
      tpu.enqueue_indirect_dma source(%dma_start3A_436 : memref<10000x128xf32, #tpu.memory_space<hbm>>) target(%arg7 : memref<120x128xf32, #tpu.memory_space<vmem>>) offsets(%dma_start3A_433 : memref<120xi32, #tpu.memory_space<vmem>>) semaphore(%arg17 : memref<!tpu.dma_semaphore, #tpu.memory_space<semaphore_mem>>)
      %add3A_437 = arith.constant 3 : i32
      %add3A_438 = arith.addi %add3A_413, %add3A_437 : i32
      %rem3A_439 = arith.constant 84 : i32
      %rem3A_440 = arith.remsi %add3A_438, %rem3A_439 : i32
      %dma_start3A_441 = arith.constant 0 : i32
      %dma_start3A_442 = arith.constant 0 : i32
      %dma_start3A_443 = tpu.memref_slice %arg3[%add3A, %rem3A_440, %dma_start3A_441, %dma_start3A_442] : memref<32x84x2x120xi32, #tpu.memory_space<hbm>> -> memref<1x1x2x120xi32, #tpu.memory_space<hbm>>
      %dma_start3A_444 = tpu.memref_squeeze %dma_start3A_443 : memref<1x1x2x120xi32, #tpu.memory_space<hbm>> -> memref<2x120xi32, #tpu.memory_space<hbm>>
      %dma_start3A_445 = arith.constant 0 : i32
      %dma_start3A_446 = arith.constant 0 : i32
      %dma_start3A_447 = tpu.memref_slice %arg3[%add3A, %rem3A_440, %dma_start3A_445, %dma_start3A_446] : memref<32x84x2x120xi32, #tpu.memory_space<hbm>> -> memref<1x1x2x120xi32, #tpu.memory_space<hbm>>
      %dma_start3A_448 = tpu.memref_squeeze %dma_start3A_447 : memref<1x1x2x120xi32, #tpu.memory_space<hbm>> -> memref<2x120xi32, #tpu.memory_space<hbm>>
      tpu.enqueue_dma source(%dma_start3A_448 : memref<2x120xi32, #tpu.memory_space<hbm>>) target(%arg13 : memref<2x120xi32, #tpu.memory_space<vmem>>) target_semaphore(%arg26 : memref<!tpu.dma_semaphore, #tpu.memory_space<semaphore_mem>>)
      %dma_wait3A_449 = arith.constant 0 : i32
      %dma_wait3A_450 = arith.constant 0 : i32
      %dma_wait3A_451 = tpu.memref_slice %arg2[%dma_wait3A_449, %dma_wait3A_450] : memref<10000x128xf32, #tpu.memory_space<hbm>> -> memref<120x128xf32, #tpu.memory_space<hbm>>
      %dma_wait3A_452 = arith.constant 0 : i32
      %dma_wait3A_453 = arith.constant 0 : i32
      %dma_wait3A_454 = tpu.memref_slice %arg2[%dma_wait3A_452, %dma_wait3A_453] : memref<10000x128xf32, #tpu.memory_space<hbm>> -> memref<120x128xf32, #tpu.memory_space<hbm>>
      tpu.wait_dma2 semaphore(%arg18 : memref<!tpu.dma_semaphore, #tpu.memory_space<semaphore_mem>>) src(%dma_wait3A_454 : memref<120x128xf32, #tpu.memory_space<hbm>>) dst(%arg8 : memref<120x128xf32, #tpu.memory_space<vmem>>)
      %dma_start3A_455 = arith.constant 1 : i32
      %dma_start3A_456 = arith.constant 0 : i32
      %dma_start3A_457 = tpu.memref_slice %arg14[%dma_start3A_455, %dma_start3A_456] : memref<2x120xi32, #tpu.memory_space<vmem>> -> memref<1x120xi32, #tpu.memory_space<vmem>>
      %dma_start3A_458 = tpu.memref_squeeze %dma_start3A_457 : memref<1x120xi32, #tpu.memory_space<vmem>> -> memref<120xi32, #tpu.memory_space<vmem>>
      %dma_start3A_459 = arith.constant 0 : i32
      %dma_start3A_460 = arith.constant 0 : i32
      %dma_start3A_461 = tpu.memref_slice %arg15[%dma_start3A_459, %dma_start3A_460] : memref<10240x128xf32, #tpu.memory_space<vmem_shared>> -> memref<10240x128xf32, #tpu.memory_space<vmem_shared>>
      tpu.enqueue_indirect_dma source(%arg8 : memref<120x128xf32, #tpu.memory_space<vmem>>) target(%dma_start3A_461 : memref<10240x128xf32, #tpu.memory_space<vmem_shared>>) offsets(%dma_start3A_458 : memref<120xi32, #tpu.memory_space<vmem>>) semaphore(%arg21 : memref<!tpu.dma_semaphore, #tpu.memory_space<semaphore_mem>>) {add = true}
      %mul3A_462 = arith.constant 6 : i32
      %mul3A_463 = arith.muli %scan3A_357, %mul3A_462 : i32
      %add3A_464 = arith.constant 2 : i32
      %add3A_465 = arith.addi %mul3A_463, %add3A_464 : i32
      %dma_wait3A_466 = arith.constant 0 : i32
      %dma_wait3A_467 = arith.constant 0 : i32
      %dma_wait3A_468 = arith.constant 0 : i32
      %dma_wait3A_469 = arith.constant 0 : i32
      %dma_wait3A_470 = tpu.memref_slice %arg3[%dma_wait3A_466, %dma_wait3A_467, %dma_wait3A_468, %dma_wait3A_469] : memref<32x84x2x120xi32, #tpu.memory_space<hbm>> -> memref<1x1x2x120xi32, #tpu.memory_space<hbm>>
      %dma_wait3A_471 = tpu.memref_squeeze %dma_wait3A_470 : memref<1x1x2x120xi32, #tpu.memory_space<hbm>> -> memref<2x120xi32, #tpu.memory_space<hbm>>
      %dma_wait3A_472 = arith.constant 0 : i32
      %dma_wait3A_473 = arith.constant 0 : i32
      %dma_wait3A_474 = tpu.memref_slice %arg3[%dma_wait3A_466, %dma_wait3A_467, %dma_wait3A_472, %dma_wait3A_473] : memref<32x84x2x120xi32, #tpu.memory_space<hbm>> -> memref<1x1x2x120xi32, #tpu.memory_space<hbm>>
      %dma_wait3A_475 = tpu.memref_squeeze %dma_wait3A_474 : memref<1x1x2x120xi32, #tpu.memory_space<hbm>> -> memref<2x120xi32, #tpu.memory_space<hbm>>
      tpu.wait_dma2 semaphore(%arg24 : memref<!tpu.dma_semaphore, #tpu.memory_space<semaphore_mem>>) src(%dma_wait3A_475 : memref<2x120xi32, #tpu.memory_space<hbm>>) dst(%arg11 : memref<2x120xi32, #tpu.memory_space<vmem>>)
      %dma_wait3A_476 = arith.constant 0 : i32
      %dma_wait3A_477 = arith.constant 0 : i32
      %dma_wait3A_478 = tpu.memref_slice %arg15[%dma_wait3A_476, %dma_wait3A_477] : memref<10240x128xf32, #tpu.memory_space<vmem_shared>> -> memref<120x128xf32, #tpu.memory_space<vmem_shared>>
      %dma_wait3A_479 = arith.constant 0 : i32
      %dma_wait3A_480 = arith.constant 0 : i32
      %dma_wait3A_481 = tpu.memref_slice %arg15[%dma_wait3A_479, %dma_wait3A_480] : memref<10240x128xf32, #tpu.memory_space<vmem_shared>> -> memref<120x128xf32, #tpu.memory_space<vmem_shared>>
      tpu.wait_dma2 semaphore(%arg21 : memref<!tpu.dma_semaphore, #tpu.memory_space<semaphore_mem>>) src(%arg8 : memref<120x128xf32, #tpu.memory_space<vmem>>) dst(%dma_wait3A_481 : memref<120x128xf32, #tpu.memory_space<vmem_shared>>)
      %dma_start3A_482 = arith.constant 0 : i32
      %dma_start3A_483 = arith.constant 0 : i32
      %dma_start3A_484 = tpu.memref_slice %arg11[%dma_start3A_482, %dma_start3A_483] : memref<2x120xi32, #tpu.memory_space<vmem>> -> memref<1x120xi32, #tpu.memory_space<vmem>>
      %dma_start3A_485 = tpu.memref_squeeze %dma_start3A_484 : memref<1x120xi32, #tpu.memory_space<vmem>> -> memref<120xi32, #tpu.memory_space<vmem>>
      %dma_start3A_486 = arith.constant 0 : i32
      %dma_start3A_487 = arith.constant 0 : i32
      %dma_start3A_488 = tpu.memref_slice %arg2[%dma_start3A_486, %dma_start3A_487] : memref<10000x128xf32, #tpu.memory_space<hbm>> -> memref<10000x128xf32, #tpu.memory_space<hbm>>
      tpu.enqueue_indirect_dma source(%dma_start3A_488 : memref<10000x128xf32, #tpu.memory_space<hbm>>) target(%arg8 : memref<120x128xf32, #tpu.memory_space<vmem>>) offsets(%dma_start3A_485 : memref<120xi32, #tpu.memory_space<vmem>>) semaphore(%arg18 : memref<!tpu.dma_semaphore, #tpu.memory_space<semaphore_mem>>)
      %add3A_489 = arith.constant 3 : i32
      %add3A_490 = arith.addi %add3A_465, %add3A_489 : i32
      %rem3A_491 = arith.constant 84 : i32
      %rem3A_492 = arith.remsi %add3A_490, %rem3A_491 : i32
      %dma_start3A_493 = arith.constant 0 : i32
      %dma_start3A_494 = arith.constant 0 : i32
      %dma_start3A_495 = tpu.memref_slice %arg3[%add3A, %rem3A_492, %dma_start3A_493, %dma_start3A_494] : memref<32x84x2x120xi32, #tpu.memory_space<hbm>> -> memref<1x1x2x120xi32, #tpu.memory_space<hbm>>
      %dma_start3A_496 = tpu.memref_squeeze %dma_start3A_495 : memref<1x1x2x120xi32, #tpu.memory_space<hbm>> -> memref<2x120xi32, #tpu.memory_space<hbm>>
      %dma_start3A_497 = arith.constant 0 : i32
      %dma_start3A_498 = arith.constant 0 : i32
      %dma_start3A_499 = tpu.memref_slice %arg3[%add3A, %rem3A_492, %dma_start3A_497, %dma_start3A_498] : memref<32x84x2x120xi32, #tpu.memory_space<hbm>> -> memref<1x1x2x120xi32, #tpu.memory_space<hbm>>
      %dma_start3A_500 = tpu.memref_squeeze %dma_start3A_499 : memref<1x1x2x120xi32, #tpu.memory_space<hbm>> -> memref<2x120xi32, #tpu.memory_space<hbm>>
      tpu.enqueue_dma source(%dma_start3A_500 : memref<2x120xi32, #tpu.memory_space<hbm>>) target(%arg14 : memref<2x120xi32, #tpu.memory_space<vmem>>) target_semaphore(%arg27 : memref<!tpu.dma_semaphore, #tpu.memory_space<semaphore_mem>>)
      %dma_wait3A_501 = arith.constant 0 : i32
      %dma_wait3A_502 = arith.constant 0 : i32
      %dma_wait3A_503 = tpu.memref_slice %arg2[%dma_wait3A_501, %dma_wait3A_502] : memref<10000x128xf32, #tpu.memory_space<hbm>> -> memref<120x128xf32, #tpu.memory_space<hbm>>
      %dma_wait3A_504 = arith.constant 0 : i32
      %dma_wait3A_505 = arith.constant 0 : i32
      %dma_wait3A_506 = tpu.memref_slice %arg2[%dma_wait3A_504, %dma_wait3A_505] : memref<10000x128xf32, #tpu.memory_space<hbm>> -> memref<120x128xf32, #tpu.memory_space<hbm>>
      tpu.wait_dma2 semaphore(%arg16 : memref<!tpu.dma_semaphore, #tpu.memory_space<semaphore_mem>>) src(%dma_wait3A_506 : memref<120x128xf32, #tpu.memory_space<hbm>>) dst(%arg6 : memref<120x128xf32, #tpu.memory_space<vmem>>)
      %dma_start3A_507 = arith.constant 1 : i32
      %dma_start3A_508 = arith.constant 0 : i32
      %dma_start3A_509 = tpu.memref_slice %arg9[%dma_start3A_507, %dma_start3A_508] : memref<2x120xi32, #tpu.memory_space<vmem>> -> memref<1x120xi32, #tpu.memory_space<vmem>>
      %dma_start3A_510 = tpu.memref_squeeze %dma_start3A_509 : memref<1x120xi32, #tpu.memory_space<vmem>> -> memref<120xi32, #tpu.memory_space<vmem>>
      %dma_start3A_511 = arith.constant 0 : i32
      %dma_start3A_512 = arith.constant 0 : i32
      %dma_start3A_513 = tpu.memref_slice %arg15[%dma_start3A_511, %dma_start3A_512] : memref<10240x128xf32, #tpu.memory_space<vmem_shared>> -> memref<10240x128xf32, #tpu.memory_space<vmem_shared>>
      tpu.enqueue_indirect_dma source(%arg6 : memref<120x128xf32, #tpu.memory_space<vmem>>) target(%dma_start3A_513 : memref<10240x128xf32, #tpu.memory_space<vmem_shared>>) offsets(%dma_start3A_510 : memref<120xi32, #tpu.memory_space<vmem>>) semaphore(%arg19 : memref<!tpu.dma_semaphore, #tpu.memory_space<semaphore_mem>>) {add = true}
      %mul3A_514 = arith.constant 6 : i32
      %mul3A_515 = arith.muli %scan3A_357, %mul3A_514 : i32
      %add3A_516 = arith.constant 3 : i32
      %add3A_517 = arith.addi %mul3A_515, %add3A_516 : i32
      %dma_wait3A_518 = arith.constant 0 : i32
      %dma_wait3A_519 = arith.constant 0 : i32
      %dma_wait3A_520 = arith.constant 0 : i32
      %dma_wait3A_521 = arith.constant 0 : i32
      %dma_wait3A_522 = tpu.memref_slice %arg3[%dma_wait3A_518, %dma_wait3A_519, %dma_wait3A_520, %dma_wait3A_521] : memref<32x84x2x120xi32, #tpu.memory_space<hbm>> -> memref<1x1x2x120xi32, #tpu.memory_space<hbm>>
      %dma_wait3A_523 = tpu.memref_squeeze %dma_wait3A_522 : memref<1x1x2x120xi32, #tpu.memory_space<hbm>> -> memref<2x120xi32, #tpu.memory_space<hbm>>
      %dma_wait3A_524 = arith.constant 0 : i32
      %dma_wait3A_525 = arith.constant 0 : i32
      %dma_wait3A_526 = tpu.memref_slice %arg3[%dma_wait3A_518, %dma_wait3A_519, %dma_wait3A_524, %dma_wait3A_525] : memref<32x84x2x120xi32, #tpu.memory_space<hbm>> -> memref<1x1x2x120xi32, #tpu.memory_space<hbm>>
      %dma_wait3A_527 = tpu.memref_squeeze %dma_wait3A_526 : memref<1x1x2x120xi32, #tpu.memory_space<hbm>> -> memref<2x120xi32, #tpu.memory_space<hbm>>
      tpu.wait_dma2 semaphore(%arg25 : memref<!tpu.dma_semaphore, #tpu.memory_space<semaphore_mem>>) src(%dma_wait3A_527 : memref<2x120xi32, #tpu.memory_space<hbm>>) dst(%arg12 : memref<2x120xi32, #tpu.memory_space<vmem>>)
      %dma_wait3A_528 = arith.constant 0 : i32
      %dma_wait3A_529 = arith.constant 0 : i32
      %dma_wait3A_530 = tpu.memref_slice %arg15[%dma_wait3A_528, %dma_wait3A_529] : memref<10240x128xf32, #tpu.memory_space<vmem_shared>> -> memref<120x128xf32, #tpu.memory_space<vmem_shared>>
      %dma_wait3A_531 = arith.constant 0 : i32
      %dma_wait3A_532 = arith.constant 0 : i32
      %dma_wait3A_533 = tpu.memref_slice %arg15[%dma_wait3A_531, %dma_wait3A_532] : memref<10240x128xf32, #tpu.memory_space<vmem_shared>> -> memref<120x128xf32, #tpu.memory_space<vmem_shared>>
      tpu.wait_dma2 semaphore(%arg19 : memref<!tpu.dma_semaphore, #tpu.memory_space<semaphore_mem>>) src(%arg6 : memref<120x128xf32, #tpu.memory_space<vmem>>) dst(%dma_wait3A_533 : memref<120x128xf32, #tpu.memory_space<vmem_shared>>)
      %dma_start3A_534 = arith.constant 0 : i32
      %dma_start3A_535 = arith.constant 0 : i32
      %dma_start3A_536 = tpu.memref_slice %arg12[%dma_start3A_534, %dma_start3A_535] : memref<2x120xi32, #tpu.memory_space<vmem>> -> memref<1x120xi32, #tpu.memory_space<vmem>>
      %dma_start3A_537 = tpu.memref_squeeze %dma_start3A_536 : memref<1x120xi32, #tpu.memory_space<vmem>> -> memref<120xi32, #tpu.memory_space<vmem>>
      %dma_start3A_538 = arith.constant 0 : i32
      %dma_start3A_539 = arith.constant 0 : i32
      %dma_start3A_540 = tpu.memref_slice %arg2[%dma_start3A_538, %dma_start3A_539] : memref<10000x128xf32, #tpu.memory_space<hbm>> -> memref<10000x128xf32, #tpu.memory_space<hbm>>
      tpu.enqueue_indirect_dma source(%dma_start3A_540 : memref<10000x128xf32, #tpu.memory_space<hbm>>) target(%arg6 : memref<120x128xf32, #tpu.memory_space<vmem>>) offsets(%dma_start3A_537 : memref<120xi32, #tpu.memory_space<vmem>>) semaphore(%arg16 : memref<!tpu.dma_semaphore, #tpu.memory_space<semaphore_mem>>)
      %add3A_541 = arith.constant 3 : i32
      %add3A_542 = arith.addi %add3A_517, %add3A_541 : i32
      %rem3A_543 = arith.constant 84 : i32
      %rem3A_544 = arith.remsi %add3A_542, %rem3A_543 : i32
      %dma_start3A_545 = arith.constant 0 : i32
      %dma_start3A_546 = arith.constant 0 : i32
      %dma_start3A_547 = tpu.memref_slice %arg3[%add3A, %rem3A_544, %dma_start3A_545, %dma_start3A_546] : memref<32x84x2x120xi32, #tpu.memory_space<hbm>> -> memref<1x1x2x120xi32, #tpu.memory_space<hbm>>
      %dma_start3A_548 = tpu.memref_squeeze %dma_start3A_547 : memref<1x1x2x120xi32, #tpu.memory_space<hbm>> -> memref<2x120xi32, #tpu.memory_space<hbm>>
      %dma_start3A_549 = arith.constant 0 : i32
      %dma_start3A_550 = arith.constant 0 : i32
      %dma_start3A_551 = tpu.memref_slice %arg3[%add3A, %rem3A_544, %dma_start3A_549, %dma_start3A_550] : memref<32x84x2x120xi32, #tpu.memory_space<hbm>> -> memref<1x1x2x120xi32, #tpu.memory_space<hbm>>
      %dma_start3A_552 = tpu.memref_squeeze %dma_start3A_551 : memref<1x1x2x120xi32, #tpu.memory_space<hbm>> -> memref<2x120xi32, #tpu.memory_space<hbm>>
      tpu.enqueue_dma source(%dma_start3A_552 : memref<2x120xi32, #tpu.memory_space<hbm>>) target(%arg9 : memref<2x120xi32, #tpu.memory_space<vmem>>) target_semaphore(%arg22 : memref<!tpu.dma_semaphore, #tpu.memory_space<semaphore_mem>>)
      %dma_wait3A_553 = arith.constant 0 : i32
      %dma_wait3A_554 = arith.constant 0 : i32
      %dma_wait3A_555 = tpu.memref_slice %arg2[%dma_wait3A_553, %dma_wait3A_554] : memref<10000x128xf32, #tpu.memory_space<hbm>> -> memref<120x128xf32, #tpu.memory_space<hbm>>
      %dma_wait3A_556 = arith.constant 0 : i32
      %dma_wait3A_557 = arith.constant 0 : i32
      %dma_wait3A_558 = tpu.memref_slice %arg2[%dma_wait3A_556, %dma_wait3A_557] : memref<10000x128xf32, #tpu.memory_space<hbm>> -> memref<120x128xf32, #tpu.memory_space<hbm>>
      tpu.wait_dma2 semaphore(%arg17 : memref<!tpu.dma_semaphore, #tpu.memory_space<semaphore_mem>>) src(%dma_wait3A_558 : memref<120x128xf32, #tpu.memory_space<hbm>>) dst(%arg7 : memref<120x128xf32, #tpu.memory_space<vmem>>)
      %dma_start3A_559 = arith.constant 1 : i32
      %dma_start3A_560 = arith.constant 0 : i32
      %dma_start3A_561 = tpu.memref_slice %arg10[%dma_start3A_559, %dma_start3A_560] : memref<2x120xi32, #tpu.memory_space<vmem>> -> memref<1x120xi32, #tpu.memory_space<vmem>>
      %dma_start3A_562 = tpu.memref_squeeze %dma_start3A_561 : memref<1x120xi32, #tpu.memory_space<vmem>> -> memref<120xi32, #tpu.memory_space<vmem>>
      %dma_start3A_563 = arith.constant 0 : i32
      %dma_start3A_564 = arith.constant 0 : i32
      %dma_start3A_565 = tpu.memref_slice %arg15[%dma_start3A_563, %dma_start3A_564] : memref<10240x128xf32, #tpu.memory_space<vmem_shared>> -> memref<10240x128xf32, #tpu.memory_space<vmem_shared>>
      tpu.enqueue_indirect_dma source(%arg7 : memref<120x128xf32, #tpu.memory_space<vmem>>) target(%dma_start3A_565 : memref<10240x128xf32, #tpu.memory_space<vmem_shared>>) offsets(%dma_start3A_562 : memref<120xi32, #tpu.memory_space<vmem>>) semaphore(%arg20 : memref<!tpu.dma_semaphore, #tpu.memory_space<semaphore_mem>>) {add = true}
      %mul3A_566 = arith.constant 6 : i32
      %mul3A_567 = arith.muli %scan3A_357, %mul3A_566 : i32
      %add3A_568 = arith.constant 4 : i32
      %add3A_569 = arith.addi %mul3A_567, %add3A_568 : i32
      %dma_wait3A_570 = arith.constant 0 : i32
      %dma_wait3A_571 = arith.constant 0 : i32
      %dma_wait3A_572 = arith.constant 0 : i32
      %dma_wait3A_573 = arith.constant 0 : i32
      %dma_wait3A_574 = tpu.memref_slice %arg3[%dma_wait3A_570, %dma_wait3A_571, %dma_wait3A_572, %dma_wait3A_573] : memref<32x84x2x120xi32, #tpu.memory_space<hbm>> -> memref<1x1x2x120xi32, #tpu.memory_space<hbm>>
      %dma_wait3A_575 = tpu.memref_squeeze %dma_wait3A_574 : memref<1x1x2x120xi32, #tpu.memory_space<hbm>> -> memref<2x120xi32, #tpu.memory_space<hbm>>
      %dma_wait3A_576 = arith.constant 0 : i32
      %dma_wait3A_577 = arith.constant 0 : i32
      %dma_wait3A_578 = tpu.memref_slice %arg3[%dma_wait3A_570, %dma_wait3A_571, %dma_wait3A_576, %dma_wait3A_577] : memref<32x84x2x120xi32, #tpu.memory_space<hbm>> -> memref<1x1x2x120xi32, #tpu.memory_space<hbm>>
      %dma_wait3A_579 = tpu.memref_squeeze %dma_wait3A_578 : memref<1x1x2x120xi32, #tpu.memory_space<hbm>> -> memref<2x120xi32, #tpu.memory_space<hbm>>
      tpu.wait_dma2 semaphore(%arg26 : memref<!tpu.dma_semaphore, #tpu.memory_space<semaphore_mem>>) src(%dma_wait3A_579 : memref<2x120xi32, #tpu.memory_space<hbm>>) dst(%arg13 : memref<2x120xi32, #tpu.memory_space<vmem>>)
      %dma_wait3A_580 = arith.constant 0 : i32
      %dma_wait3A_581 = arith.constant 0 : i32
      %dma_wait3A_582 = tpu.memref_slice %arg15[%dma_wait3A_580, %dma_wait3A_581] : memref<10240x128xf32, #tpu.memory_space<vmem_shared>> -> memref<120x128xf32, #tpu.memory_space<vmem_shared>>
      %dma_wait3A_583 = arith.constant 0 : i32
      %dma_wait3A_584 = arith.constant 0 : i32
      %dma_wait3A_585 = tpu.memref_slice %arg15[%dma_wait3A_583, %dma_wait3A_584] : memref<10240x128xf32, #tpu.memory_space<vmem_shared>> -> memref<120x128xf32, #tpu.memory_space<vmem_shared>>
      tpu.wait_dma2 semaphore(%arg20 : memref<!tpu.dma_semaphore, #tpu.memory_space<semaphore_mem>>) src(%arg7 : memref<120x128xf32, #tpu.memory_space<vmem>>) dst(%dma_wait3A_585 : memref<120x128xf32, #tpu.memory_space<vmem_shared>>)
      %dma_start3A_586 = arith.constant 0 : i32
      %dma_start3A_587 = arith.constant 0 : i32
      %dma_start3A_588 = tpu.memref_slice %arg13[%dma_start3A_586, %dma_start3A_587] : memref<2x120xi32, #tpu.memory_space<vmem>> -> memref<1x120xi32, #tpu.memory_space<vmem>>
      %dma_start3A_589 = tpu.memref_squeeze %dma_start3A_588 : memref<1x120xi32, #tpu.memory_space<vmem>> -> memref<120xi32, #tpu.memory_space<vmem>>
      %dma_start3A_590 = arith.constant 0 : i32
      %dma_start3A_591 = arith.constant 0 : i32
      %dma_start3A_592 = tpu.memref_slice %arg2[%dma_start3A_590, %dma_start3A_591] : memref<10000x128xf32, #tpu.memory_space<hbm>> -> memref<10000x128xf32, #tpu.memory_space<hbm>>
      tpu.enqueue_indirect_dma source(%dma_start3A_592 : memref<10000x128xf32, #tpu.memory_space<hbm>>) target(%arg7 : memref<120x128xf32, #tpu.memory_space<vmem>>) offsets(%dma_start3A_589 : memref<120xi32, #tpu.memory_space<vmem>>) semaphore(%arg17 : memref<!tpu.dma_semaphore, #tpu.memory_space<semaphore_mem>>)
      %add3A_593 = arith.constant 3 : i32
      %add3A_594 = arith.addi %add3A_569, %add3A_593 : i32
      %rem3A_595 = arith.constant 84 : i32
      %rem3A_596 = arith.remsi %add3A_594, %rem3A_595 : i32
      %dma_start3A_597 = arith.constant 0 : i32
      %dma_start3A_598 = arith.constant 0 : i32
      %dma_start3A_599 = tpu.memref_slice %arg3[%add3A, %rem3A_596, %dma_start3A_597, %dma_start3A_598] : memref<32x84x2x120xi32, #tpu.memory_space<hbm>> -> memref<1x1x2x120xi32, #tpu.memory_space<hbm>>
      %dma_start3A_600 = tpu.memref_squeeze %dma_start3A_599 : memref<1x1x2x120xi32, #tpu.memory_space<hbm>> -> memref<2x120xi32, #tpu.memory_space<hbm>>
      %dma_start3A_601 = arith.constant 0 : i32
      %dma_start3A_602 = arith.constant 0 : i32
      %dma_start3A_603 = tpu.memref_slice %arg3[%add3A, %rem3A_596, %dma_start3A_601, %dma_start3A_602] : memref<32x84x2x120xi32, #tpu.memory_space<hbm>> -> memref<1x1x2x120xi32, #tpu.memory_space<hbm>>
      %dma_start3A_604 = tpu.memref_squeeze %dma_start3A_603 : memref<1x1x2x120xi32, #tpu.memory_space<hbm>> -> memref<2x120xi32, #tpu.memory_space<hbm>>
      tpu.enqueue_dma source(%dma_start3A_604 : memref<2x120xi32, #tpu.memory_space<hbm>>) target(%arg10 : memref<2x120xi32, #tpu.memory_space<vmem>>) target_semaphore(%arg23 : memref<!tpu.dma_semaphore, #tpu.memory_space<semaphore_mem>>)
      %dma_wait3A_605 = arith.constant 0 : i32
      %dma_wait3A_606 = arith.constant 0 : i32
      %dma_wait3A_607 = tpu.memref_slice %arg2[%dma_wait3A_605, %dma_wait3A_606] : memref<10000x128xf32, #tpu.memory_space<hbm>> -> memref<120x128xf32, #tpu.memory_space<hbm>>
      %dma_wait3A_608 = arith.constant 0 : i32
      %dma_wait3A_609 = arith.constant 0 : i32
      %dma_wait3A_610 = tpu.memref_slice %arg2[%dma_wait3A_608, %dma_wait3A_609] : memref<10000x128xf32, #tpu.memory_space<hbm>> -> memref<120x128xf32, #tpu.memory_space<hbm>>
      tpu.wait_dma2 semaphore(%arg18 : memref<!tpu.dma_semaphore, #tpu.memory_space<semaphore_mem>>) src(%dma_wait3A_610 : memref<120x128xf32, #tpu.memory_space<hbm>>) dst(%arg8 : memref<120x128xf32, #tpu.memory_space<vmem>>)
      %dma_start3A_611 = arith.constant 1 : i32
      %dma_start3A_612 = arith.constant 0 : i32
      %dma_start3A_613 = tpu.memref_slice %arg11[%dma_start3A_611, %dma_start3A_612] : memref<2x120xi32, #tpu.memory_space<vmem>> -> memref<1x120xi32, #tpu.memory_space<vmem>>
      %dma_start3A_614 = tpu.memref_squeeze %dma_start3A_613 : memref<1x120xi32, #tpu.memory_space<vmem>> -> memref<120xi32, #tpu.memory_space<vmem>>
      %dma_start3A_615 = arith.constant 0 : i32
      %dma_start3A_616 = arith.constant 0 : i32
      %dma_start3A_617 = tpu.memref_slice %arg15[%dma_start3A_615, %dma_start3A_616] : memref<10240x128xf32, #tpu.memory_space<vmem_shared>> -> memref<10240x128xf32, #tpu.memory_space<vmem_shared>>
      tpu.enqueue_indirect_dma source(%arg8 : memref<120x128xf32, #tpu.memory_space<vmem>>) target(%dma_start3A_617 : memref<10240x128xf32, #tpu.memory_space<vmem_shared>>) offsets(%dma_start3A_614 : memref<120xi32, #tpu.memory_space<vmem>>) semaphore(%arg21 : memref<!tpu.dma_semaphore, #tpu.memory_space<semaphore_mem>>) {add = true}
      %mul3A_618 = arith.constant 6 : i32
      %mul3A_619 = arith.muli %scan3A_357, %mul3A_618 : i32
      %add3A_620 = arith.constant 5 : i32
      %add3A_621 = arith.addi %mul3A_619, %add3A_620 : i32
      %dma_wait3A_622 = arith.constant 0 : i32
      %dma_wait3A_623 = arith.constant 0 : i32
      %dma_wait3A_624 = arith.constant 0 : i32
      %dma_wait3A_625 = arith.constant 0 : i32
      %dma_wait3A_626 = tpu.memref_slice %arg3[%dma_wait3A_622, %dma_wait3A_623, %dma_wait3A_624, %dma_wait3A_625] : memref<32x84x2x120xi32, #tpu.memory_space<hbm>> -> memref<1x1x2x120xi32, #tpu.memory_space<hbm>>
      %dma_wait3A_627 = tpu.memref_squeeze %dma_wait3A_626 : memref<1x1x2x120xi32, #tpu.memory_space<hbm>> -> memref<2x120xi32, #tpu.memory_space<hbm>>
      %dma_wait3A_628 = arith.constant 0 : i32
      %dma_wait3A_629 = arith.constant 0 : i32
      %dma_wait3A_630 = tpu.memref_slice %arg3[%dma_wait3A_622, %dma_wait3A_623, %dma_wait3A_628, %dma_wait3A_629] : memref<32x84x2x120xi32, #tpu.memory_space<hbm>> -> memref<1x1x2x120xi32, #tpu.memory_space<hbm>>
      %dma_wait3A_631 = tpu.memref_squeeze %dma_wait3A_630 : memref<1x1x2x120xi32, #tpu.memory_space<hbm>> -> memref<2x120xi32, #tpu.memory_space<hbm>>
      tpu.wait_dma2 semaphore(%arg27 : memref<!tpu.dma_semaphore, #tpu.memory_space<semaphore_mem>>) src(%dma_wait3A_631 : memref<2x120xi32, #tpu.memory_space<hbm>>) dst(%arg14 : memref<2x120xi32, #tpu.memory_space<vmem>>)
      %dma_wait3A_632 = arith.constant 0 : i32
      %dma_wait3A_633 = arith.constant 0 : i32
      %dma_wait3A_634 = tpu.memref_slice %arg15[%dma_wait3A_632, %dma_wait3A_633] : memref<10240x128xf32, #tpu.memory_space<vmem_shared>> -> memref<120x128xf32, #tpu.memory_space<vmem_shared>>
      %dma_wait3A_635 = arith.constant 0 : i32
      %dma_wait3A_636 = arith.constant 0 : i32
      %dma_wait3A_637 = tpu.memref_slice %arg15[%dma_wait3A_635, %dma_wait3A_636] : memref<10240x128xf32, #tpu.memory_space<vmem_shared>> -> memref<120x128xf32, #tpu.memory_space<vmem_shared>>
      tpu.wait_dma2 semaphore(%arg21 : memref<!tpu.dma_semaphore, #tpu.memory_space<semaphore_mem>>) src(%arg8 : memref<120x128xf32, #tpu.memory_space<vmem>>) dst(%dma_wait3A_637 : memref<120x128xf32, #tpu.memory_space<vmem_shared>>)
      %dma_start3A_638 = arith.constant 0 : i32
      %dma_start3A_639 = arith.constant 0 : i32
      %dma_start3A_640 = tpu.memref_slice %arg14[%dma_start3A_638, %dma_start3A_639] : memref<2x120xi32, #tpu.memory_space<vmem>> -> memref<1x120xi32, #tpu.memory_space<vmem>>
      %dma_start3A_641 = tpu.memref_squeeze %dma_start3A_640 : memref<1x120xi32, #tpu.memory_space<vmem>> -> memref<120xi32, #tpu.memory_space<vmem>>
      %dma_start3A_642 = arith.constant 0 : i32
      %dma_start3A_643 = arith.constant 0 : i32
      %dma_start3A_644 = tpu.memref_slice %arg2[%dma_start3A_642, %dma_start3A_643] : memref<10000x128xf32, #tpu.memory_space<hbm>> -> memref<10000x128xf32, #tpu.memory_space<hbm>>
      tpu.enqueue_indirect_dma source(%dma_start3A_644 : memref<10000x128xf32, #tpu.memory_space<hbm>>) target(%arg8 : memref<120x128xf32, #tpu.memory_space<vmem>>) offsets(%dma_start3A_641 : memref<120xi32, #tpu.memory_space<vmem>>) semaphore(%arg18 : memref<!tpu.dma_semaphore, #tpu.memory_space<semaphore_mem>>)
      %add3A_645 = arith.constant 3 : i32
      %add3A_646 = arith.addi %add3A_621, %add3A_645 : i32
      %rem3A_647 = arith.constant 84 : i32
      %rem3A_648 = arith.remsi %add3A_646, %rem3A_647 : i32
      %dma_start3A_649 = arith.constant 0 : i32
      %dma_start3A_650 = arith.constant 0 : i32
      %dma_start3A_651 = tpu.memref_slice %arg3[%add3A, %rem3A_648, %dma_start3A_649, %dma_start3A_650] : memref<32x84x2x120xi32, #tpu.memory_space<hbm>> -> memref<1x1x2x120xi32, #tpu.memory_space<hbm>>
      %dma_start3A_652 = tpu.memref_squeeze %dma_start3A_651 : memref<1x1x2x120xi32, #tpu.memory_space<hbm>> -> memref<2x120xi32, #tpu.memory_space<hbm>>
      %dma_start3A_653 = arith.constant 0 : i32
      %dma_start3A_654 = arith.constant 0 : i32
      %dma_start3A_655 = tpu.memref_slice %arg3[%add3A, %rem3A_648, %dma_start3A_653, %dma_start3A_654] : memref<32x84x2x120xi32, #tpu.memory_space<hbm>> -> memref<1x1x2x120xi32, #tpu.memory_space<hbm>>
      %dma_start3A_656 = tpu.memref_squeeze %dma_start3A_655 : memref<1x1x2x120xi32, #tpu.memory_space<hbm>> -> memref<2x120xi32, #tpu.memory_space<hbm>>
      tpu.enqueue_dma source(%dma_start3A_656 : memref<2x120xi32, #tpu.memory_space<hbm>>) target(%arg11 : memref<2x120xi32, #tpu.memory_space<vmem>>) target_semaphore(%arg24 : memref<!tpu.dma_semaphore, #tpu.memory_space<semaphore_mem>>)
      %dma_wait3A_657 = arith.constant 0 : i32
      %dma_wait3A_658 = arith.constant 0 : i32
      %dma_wait3A_659 = tpu.memref_slice %arg2[%dma_wait3A_657, %dma_wait3A_658] : memref<10000x128xf32, #tpu.memory_space<hbm>> -> memref<120x128xf32, #tpu.memory_space<hbm>>
      %dma_wait3A_660 = arith.constant 0 : i32
      %dma_wait3A_661 = arith.constant 0 : i32
      %dma_wait3A_662 = tpu.memref_slice %arg2[%dma_wait3A_660, %dma_wait3A_661] : memref<10000x128xf32, #tpu.memory_space<hbm>> -> memref<120x128xf32, #tpu.memory_space<hbm>>
      tpu.wait_dma2 semaphore(%arg16 : memref<!tpu.dma_semaphore, #tpu.memory_space<semaphore_mem>>) src(%dma_wait3A_662 : memref<120x128xf32, #tpu.memory_space<hbm>>) dst(%arg6 : memref<120x128xf32, #tpu.memory_space<vmem>>)
      %dma_start3A_663 = arith.constant 1 : i32
      %dma_start3A_664 = arith.constant 0 : i32
      %dma_start3A_665 = tpu.memref_slice %arg12[%dma_start3A_663, %dma_start3A_664] : memref<2x120xi32, #tpu.memory_space<vmem>> -> memref<1x120xi32, #tpu.memory_space<vmem>>
      %dma_start3A_666 = tpu.memref_squeeze %dma_start3A_665 : memref<1x120xi32, #tpu.memory_space<vmem>> -> memref<120xi32, #tpu.memory_space<vmem>>
      %dma_start3A_667 = arith.constant 0 : i32
      %dma_start3A_668 = arith.constant 0 : i32
      %dma_start3A_669 = tpu.memref_slice %arg15[%dma_start3A_667, %dma_start3A_668] : memref<10240x128xf32, #tpu.memory_space<vmem_shared>> -> memref<10240x128xf32, #tpu.memory_space<vmem_shared>>
      tpu.enqueue_indirect_dma source(%arg6 : memref<120x128xf32, #tpu.memory_space<vmem>>) target(%dma_start3A_669 : memref<10240x128xf32, #tpu.memory_space<vmem_shared>>) offsets(%dma_start3A_666 : memref<120xi32, #tpu.memory_space<vmem>>) semaphore(%arg19 : memref<!tpu.dma_semaphore, #tpu.memory_space<semaphore_mem>>) {add = true}
    }
    %scan3A_281 = arith.constant 13 : i32
    %dma_wait3A_282 = arith.constant 0 : i32
    %dma_wait3A_283 = arith.constant 0 : i32
    %dma_wait3A_284 = tpu.memref_slice %arg2[%dma_wait3A_282, %dma_wait3A_283] : memref<10000x128xf32, #tpu.memory_space<hbm>> -> memref<120x128xf32, #tpu.memory_space<hbm>>
    %dma_wait3A_285 = arith.constant 0 : i32
    %dma_wait3A_286 = arith.constant 0 : i32
    %dma_wait3A_287 = tpu.memref_slice %arg2[%dma_wait3A_285, %dma_wait3A_286] : memref<10000x128xf32, #tpu.memory_space<hbm>> -> memref<120x128xf32, #tpu.memory_space<hbm>>
    tpu.wait_dma2 semaphore(%arg17 : memref<!tpu.dma_semaphore, #tpu.memory_space<semaphore_mem>>) src(%dma_wait3A_287 : memref<120x128xf32, #tpu.memory_space<hbm>>) dst(%arg7 : memref<120x128xf32, #tpu.memory_space<vmem>>)
    %dma_start3A_288 = arith.constant 1 : i32
    %dma_start3A_289 = arith.constant 0 : i32
    %dma_start3A_290 = tpu.memref_slice %arg13[%dma_start3A_288, %dma_start3A_289] : memref<2x120xi32, #tpu.memory_space<vmem>> -> memref<1x120xi32, #tpu.memory_space<vmem>>
    %dma_start3A_291 = tpu.memref_squeeze %dma_start3A_290 : memref<1x120xi32, #tpu.memory_space<vmem>> -> memref<120xi32, #tpu.memory_space<vmem>>
    %dma_start3A_292 = arith.constant 0 : i32
    %dma_start3A_293 = arith.constant 0 : i32
    %dma_start3A_294 = tpu.memref_slice %arg15[%dma_start3A_292, %dma_start3A_293] : memref<10240x128xf32, #tpu.memory_space<vmem_shared>> -> memref<10240x128xf32, #tpu.memory_space<vmem_shared>>
    tpu.enqueue_indirect_dma source(%arg7 : memref<120x128xf32, #tpu.memory_space<vmem>>) target(%dma_start3A_294 : memref<10240x128xf32, #tpu.memory_space<vmem_shared>>) offsets(%dma_start3A_291 : memref<120xi32, #tpu.memory_space<vmem>>) semaphore(%arg20 : memref<!tpu.dma_semaphore, #tpu.memory_space<semaphore_mem>>) {add = true}
    %dma_wait3A_295 = arith.constant 0 : i32
    %dma_wait3A_296 = arith.constant 0 : i32
    %dma_wait3A_297 = tpu.memref_slice %arg2[%dma_wait3A_295, %dma_wait3A_296] : memref<10000x128xf32, #tpu.memory_space<hbm>> -> memref<120x128xf32, #tpu.memory_space<hbm>>
    %dma_wait3A_298 = arith.constant 0 : i32
    %dma_wait3A_299 = arith.constant 0 : i32
    %dma_wait3A_300 = tpu.memref_slice %arg2[%dma_wait3A_298, %dma_wait3A_299] : memref<10000x128xf32, #tpu.memory_space<hbm>> -> memref<120x128xf32, #tpu.memory_space<hbm>>
    tpu.wait_dma2 semaphore(%arg18 : memref<!tpu.dma_semaphore, #tpu.memory_space<semaphore_mem>>) src(%dma_wait3A_300 : memref<120x128xf32, #tpu.memory_space<hbm>>) dst(%arg8 : memref<120x128xf32, #tpu.memory_space<vmem>>)
    %dma_start3A_301 = arith.constant 1 : i32
    %dma_start3A_302 = arith.constant 0 : i32
    %dma_start3A_303 = tpu.memref_slice %arg14[%dma_start3A_301, %dma_start3A_302] : memref<2x120xi32, #tpu.memory_space<vmem>> -> memref<1x120xi32, #tpu.memory_space<vmem>>
    %dma_start3A_304 = tpu.memref_squeeze %dma_start3A_303 : memref<1x120xi32, #tpu.memory_space<vmem>> -> memref<120xi32, #tpu.memory_space<vmem>>
    %dma_start3A_305 = arith.constant 0 : i32
    %dma_start3A_306 = arith.constant 0 : i32
    %dma_start3A_307 = tpu.memref_slice %arg15[%dma_start3A_305, %dma_start3A_306] : memref<10240x128xf32, #tpu.memory_space<vmem_shared>> -> memref<10240x128xf32, #tpu.memory_space<vmem_shared>>
    tpu.enqueue_indirect_dma source(%arg8 : memref<120x128xf32, #tpu.memory_space<vmem>>) target(%dma_start3A_307 : memref<10240x128xf32, #tpu.memory_space<vmem_shared>>) offsets(%dma_start3A_304 : memref<120xi32, #tpu.memory_space<vmem>>) semaphore(%arg21 : memref<!tpu.dma_semaphore, #tpu.memory_space<semaphore_mem>>) {add = true}
    %dma_wait3A_308 = arith.constant 0 : i32
    %dma_wait3A_309 = arith.constant 0 : i32
    %dma_wait3A_310 = tpu.memref_slice %arg15[%dma_wait3A_308, %dma_wait3A_309] : memref<10240x128xf32, #tpu.memory_space<vmem_shared>> -> memref<120x128xf32, #tpu.memory_space<vmem_shared>>
    %dma_wait3A_311 = arith.constant 0 : i32
    %dma_wait3A_312 = arith.constant 0 : i32
    %dma_wait3A_313 = tpu.memref_slice %arg15[%dma_wait3A_311, %dma_wait3A_312] : memref<10240x128xf32, #tpu.memory_space<vmem_shared>> -> memref<120x128xf32, #tpu.memory_space<vmem_shared>>
    tpu.wait_dma2 semaphore(%arg19 : memref<!tpu.dma_semaphore, #tpu.memory_space<semaphore_mem>>) src(%arg6 : memref<120x128xf32, #tpu.memory_space<vmem>>) dst(%dma_wait3A_313 : memref<120x128xf32, #tpu.memory_space<vmem_shared>>)
    %dma_wait3A_314 = arith.constant 0 : i32
    %dma_wait3A_315 = arith.constant 0 : i32
    %dma_wait3A_316 = tpu.memref_slice %arg15[%dma_wait3A_314, %dma_wait3A_315] : memref<10240x128xf32, #tpu.memory_space<vmem_shared>> -> memref<120x128xf32, #tpu.memory_space<vmem_shared>>
    %dma_wait3A_317 = arith.constant 0 : i32
    %dma_wait3A_318 = arith.constant 0 : i32
    %dma_wait3A_319 = tpu.memref_slice %arg15[%dma_wait3A_317, %dma_wait3A_318] : memref<10240x128xf32, #tpu.memory_space<vmem_shared>> -> memref<120x128xf32, #tpu.memory_space<vmem_shared>>
    tpu.wait_dma2 semaphore(%arg20 : memref<!tpu.dma_semaphore, #tpu.memory_space<semaphore_mem>>) src(%arg7 : memref<120x128xf32, #tpu.memory_space<vmem>>) dst(%dma_wait3A_319 : memref<120x128xf32, #tpu.memory_space<vmem_shared>>)
    %dma_wait3A_320 = arith.constant 0 : i32
    %dma_wait3A_321 = arith.constant 0 : i32
    %dma_wait3A_322 = tpu.memref_slice %arg15[%dma_wait3A_320, %dma_wait3A_321] : memref<10240x128xf32, #tpu.memory_space<vmem_shared>> -> memref<120x128xf32, #tpu.memory_space<vmem_shared>>
    %dma_wait3A_323 = arith.constant 0 : i32
    %dma_wait3A_324 = arith.constant 0 : i32
    %dma_wait3A_325 = tpu.memref_slice %arg15[%dma_wait3A_323, %dma_wait3A_324] : memref<10240x128xf32, #tpu.memory_space<vmem_shared>> -> memref<120x128xf32, #tpu.memory_space<vmem_shared>>
    tpu.wait_dma2 semaphore(%arg21 : memref<!tpu.dma_semaphore, #tpu.memory_space<semaphore_mem>>) src(%arg8 : memref<120x128xf32, #tpu.memory_space<vmem>>) dst(%dma_wait3A_325 : memref<120x128xf32, #tpu.memory_space<vmem_shared>>)
    %dma_wait3A_326 = arith.constant 0 : i32
    %dma_wait3A_327 = arith.constant 0 : i32
    %dma_wait3A_328 = arith.constant 0 : i32
    %dma_wait3A_329 = arith.constant 0 : i32
    %dma_wait3A_330 = tpu.memref_slice %arg3[%dma_wait3A_326, %dma_wait3A_327, %dma_wait3A_328, %dma_wait3A_329] : memref<32x84x2x120xi32, #tpu.memory_space<hbm>> -> memref<1x1x2x120xi32, #tpu.memory_space<hbm>>
    %dma_wait3A_331 = tpu.memref_squeeze %dma_wait3A_330 : memref<1x1x2x120xi32, #tpu.memory_space<hbm>> -> memref<2x120xi32, #tpu.memory_space<hbm>>
    %dma_wait3A_332 = arith.constant 0 : i32
    %dma_wait3A_333 = arith.constant 0 : i32
    %dma_wait3A_334 = tpu.memref_slice %arg3[%dma_wait3A_326, %dma_wait3A_327, %dma_wait3A_332, %dma_wait3A_333] : memref<32x84x2x120xi32, #tpu.memory_space<hbm>> -> memref<1x1x2x120xi32, #tpu.memory_space<hbm>>
    %dma_wait3A_335 = tpu.memref_squeeze %dma_wait3A_334 : memref<1x1x2x120xi32, #tpu.memory_space<hbm>> -> memref<2x120xi32, #tpu.memory_space<hbm>>
    tpu.wait_dma2 semaphore(%arg22 : memref<!tpu.dma_semaphore, #tpu.memory_space<semaphore_mem>>) src(%dma_wait3A_335 : memref<2x120xi32, #tpu.memory_space<hbm>>) dst(%arg9 : memref<2x120xi32, #tpu.memory_space<vmem>>)
    %dma_wait3A_336 = arith.constant 0 : i32
    %dma_wait3A_337 = arith.constant 0 : i32
    %dma_wait3A_338 = arith.constant 0 : i32
    %dma_wait3A_339 = arith.constant 0 : i32
    %dma_wait3A_340 = tpu.memref_slice %arg3[%dma_wait3A_336, %dma_wait3A_337, %dma_wait3A_338, %dma_wait3A_339] : memref<32x84x2x120xi32, #tpu.memory_space<hbm>> -> memref<1x1x2x120xi32, #tpu.memory_space<hbm>>
    %dma_wait3A_341 = tpu.memref_squeeze %dma_wait3A_340 : memref<1x1x2x120xi32, #tpu.memory_space<hbm>> -> memref<2x120xi32, #tpu.memory_space<hbm>>
    %dma_wait3A_342 = arith.constant 0 : i32
    %dma_wait3A_343 = arith.constant 0 : i32
    %dma_wait3A_344 = tpu.memref_slice %arg3[%dma_wait3A_336, %dma_wait3A_337, %dma_wait3A_342, %dma_wait3A_343] : memref<32x84x2x120xi32, #tpu.memory_space<hbm>> -> memref<1x1x2x120xi32, #tpu.memory_space<hbm>>
    %dma_wait3A_345 = tpu.memref_squeeze %dma_wait3A_344 : memref<1x1x2x120xi32, #tpu.memory_space<hbm>> -> memref<2x120xi32, #tpu.memory_space<hbm>>
    tpu.wait_dma2 semaphore(%arg23 : memref<!tpu.dma_semaphore, #tpu.memory_space<semaphore_mem>>) src(%dma_wait3A_345 : memref<2x120xi32, #tpu.memory_space<hbm>>) dst(%arg10 : memref<2x120xi32, #tpu.memory_space<vmem>>)
    %dma_wait3A_346 = arith.constant 0 : i32
    %dma_wait3A_347 = arith.constant 0 : i32
    %dma_wait3A_348 = arith.constant 0 : i32
    %dma_wait3A_349 = arith.constant 0 : i32
    %dma_wait3A_350 = tpu.memref_slice %arg3[%dma_wait3A_346, %dma_wait3A_347, %dma_wait3A_348, %dma_wait3A_349] : memref<32x84x2x120xi32, #tpu.memory_space<hbm>> -> memref<1x1x2x120xi32, #tpu.memory_space<hbm>>
    %dma_wait3A_351 = tpu.memref_squeeze %dma_wait3A_350 : memref<1x1x2x120xi32, #tpu.memory_space<hbm>> -> memref<2x120xi32, #tpu.memory_space<hbm>>
    %dma_wait3A_352 = arith.constant 0 : i32
    %dma_wait3A_353 = arith.constant 0 : i32
    %dma_wait3A_354 = tpu.memref_slice %arg3[%dma_wait3A_346, %dma_wait3A_347, %dma_wait3A_352, %dma_wait3A_353] : memref<32x84x2x120xi32, #tpu.memory_space<hbm>> -> memref<1x1x2x120xi32, #tpu.memory_space<hbm>>
    %dma_wait3A_355 = tpu.memref_squeeze %dma_wait3A_354 : memref<1x1x2x120xi32, #tpu.memory_space<hbm>> -> memref<2x120xi32, #tpu.memory_space<hbm>>
    tpu.wait_dma2 semaphore(%arg24 : memref<!tpu.dma_semaphore, #tpu.memory_space<semaphore_mem>>) src(%dma_wait3A_355 : memref<2x120xi32, #tpu.memory_space<hbm>>) dst(%arg11 : memref<2x120xi32, #tpu.memory_space<vmem>>)
    %barrier3A_356 = arith.constant 0 : index
    tpu.barrier barrier_id(%barrier3A_356)
    "tpu.region"() ({
      %run_scoped3A = tpu.sem_alloc : memref<!tpu.dma_semaphore, #tpu.memory_space<semaphore_mem>>
      %dma_start3A_357 = arith.constant 0 : i32
      %dma_start3A_358 = tpu.memref_slice %arg5[%arg0, %mul3A_2, %dma_start3A_357] : memref<2x10240x128xf32, #tpu.memory_space<hbm>> -> memref<1x640x128xf32, #tpu.memory_space<hbm>>
      %dma_start3A_359 = tpu.memref_squeeze %dma_start3A_358 : memref<1x640x128xf32, #tpu.memory_space<hbm>> -> memref<640x128xf32, #tpu.memory_space<hbm>>
      %dma_start3A_360 = arith.constant 0 : i32
      %dma_start3A_361 = tpu.memref_slice %arg15[%mul3A_2, %dma_start3A_360] : memref<10240x128xf32, #tpu.memory_space<vmem_shared>> -> memref<640x128xf32, #tpu.memory_space<vmem_shared>>
      tpu.enqueue_dma source(%dma_start3A_361 : memref<640x128xf32, #tpu.memory_space<vmem_shared>>) target(%dma_start3A_359 : memref<640x128xf32, #tpu.memory_space<hbm>>) target_semaphore(%run_scoped3A : memref<!tpu.dma_semaphore, #tpu.memory_space<semaphore_mem>>)
      %dma_wait3A_362 = arith.constant 0 : i32
      %dma_wait3A_363 = tpu.memref_slice %arg5[%arg0, %mul3A_2, %dma_wait3A_362] : memref<2x10240x128xf32, #tpu.memory_space<hbm>> -> memref<1x640x128xf32, #tpu.memory_space<hbm>>
      %dma_wait3A_364 = tpu.memref_squeeze %dma_wait3A_363 : memref<1x640x128xf32, #tpu.memory_space<hbm>> -> memref<640x128xf32, #tpu.memory_space<hbm>>
      %dma_wait3A_365 = arith.constant 0 : i32
      %dma_wait3A_366 = tpu.memref_slice %arg15[%mul3A_2, %dma_wait3A_365] : memref<10240x128xf32, #tpu.memory_space<vmem_shared>> -> memref<640x128xf32, #tpu.memory_space<vmem_shared>>
      tpu.wait_dma2 semaphore(%run_scoped3A : memref<!tpu.dma_semaphore, #tpu.memory_space<semaphore_mem>>) src(%dma_wait3A_366 : memref<640x128xf32, #tpu.memory_space<vmem_shared>>) dst(%dma_wait3A_364 : memref<640x128xf32, #tpu.memory_space<hbm>>)
      tpu.yield
    }) : () -> ()
    return
  }
}

module attributes {stable_mosaic.version = 14 : i64} {
  func.func @body(%arg0: i32, %arg1: memref<1000x128xf32, #tpu.memory_space<vmem>>, %arg2: memref<128x128xf32, #tpu.memory_space<vmem>>, %arg3: memref<1000x1xf32, #tpu.memory_space<vmem>>, %arg4: memref<1000x1xf32, #tpu.memory_space<vmem>>, %arg5: memref<1000x128xf32, #tpu.memory_space<vmem>>) attributes {dimension_semantics = [#tpu.dimension_semantics<arbitrary>], iteration_bounds = array<i64: 10>, scalar_prefetch = 0 : i64, scratch_operands = 0 : i64, tpu.core_type = #tpu.core_type<tc>, window_params = [{transform_indices = @transform_0, window_bounds = array<i64: 1000, 128>}, {pipeline_mode = #tpu.pipeline_mode<synchronous>, transform_indices = @transform_1, window_bounds = array<i64: 128, 128>}, {transform_indices = @transform_2, window_bounds = array<i64: 1000, 1>}, {transform_indices = @transform_3, window_bounds = array<i64: 1000, 1>}, {transform_indices = @transform_4, window_bounds = array<i64: 1000, 128>}]} {
    %get3A = arith.constant 0 : index
    %get3A_0 = arith.constant 0 : index
    %get3A_1 = vector.load %arg3[%get3A, %get3A_0] : memref<1000x1xf32, #tpu.memory_space<vmem>>, vector<1000x1xf32>
    %get3A_2 = arith.constant 0 : index
    %get3A_3 = arith.constant 0 : index
    %get3A_4 = vector.load %arg4[%get3A_2, %get3A_3] : memref<1000x1xf32, #tpu.memory_space<vmem>>, vector<1000x1xf32>
    %add3A = arith.addf %get3A_1, %get3A_4 : vector<1000x1xf32>
    %add3A_5 = arith.constant 1.000000e+00 : f32
    %add3A_6 = vector.broadcast %add3A_5 : f32 to vector<1000x1xf32>
    %add3A_7 = arith.addf %add3A, %add3A_6 : vector<1000x1xf32>
    %rsqrt3A = math.rsqrt %add3A_7 : vector<1000x1xf32>
    %get3A_8 = arith.constant 0 : index
    %get3A_9 = arith.constant 0 : index
    %get3A_10 = vector.load %arg1[%get3A_8, %get3A_9] : memref<1000x128xf32, #tpu.memory_space<vmem>>, vector<1000x128xf32>
    %get3A_11 = arith.constant 0 : index
    %get3A_12 = arith.constant 0 : index
    %get3A_13 = vector.load %arg2[%get3A_11, %get3A_12] : memref<128x128xf32, #tpu.memory_space<vmem>>, vector<128x128xf32>
    %dot_general3A = arith.constant dense<0.000000e+00> : vector<1000x128xf32>
    %dot_general3A_14 = tpu.matmul %get3A_10, %get3A_13, %dot_general3A {dimension_numbers = #tpu.dot_dimension_numbers<[1], [0], [0], [1], [0, 0, 1, 1], [], []>, transpose_lhs_hint = false} : vector<1000x128xf32>, vector<128x128xf32>, vector<1000x128xf32> -> vector<1000x128xf32>
    %mul3A = vector.broadcast %rsqrt3A : vector<1000x1xf32> to vector<1000x128xf32>
    %mul3A_15 = arith.mulf %dot_general3A_14, %mul3A : vector<1000x128xf32>
    %swap3A = arith.constant 0 : index
    %swap3A_16 = arith.constant 0 : index
    %swap3A_17 = vector.load %arg5[%swap3A, %swap3A_16] : memref<1000x128xf32, #tpu.memory_space<vmem>>, vector<1000x128xf32>
    tpu.vector_store %arg5[%swap3A, %swap3A_16], %mul3A_15 {strides = array<i32>} : memref<1000x128xf32, #tpu.memory_space<vmem>>, vector<1000x128xf32>,
    return
  }
  func.func @transform_0(%arg0: i32) -> (i32, i32) {
    %c0_i32 = arith.constant 0 : i32
    %c0_i32_0 = arith.constant 0 : i32
    return %arg0, %c0_i32 : i32, i32
  }
  func.func @transform_1(%arg0: i32) -> (i32, i32) {
    %c0_i32 = arith.constant 0 : i32
    %c0_i32_0 = arith.constant 0 : i32
    %c0_i32_1 = arith.constant 0 : i32
    return %c0_i32, %c0_i32_0 : i32, i32
  }
  func.func @transform_2(%arg0: i32) -> (i32, i32) {
    %c0_i32 = arith.constant 0 : i32
    %c0_i32_0 = arith.constant 0 : i32
    return %arg0, %c0_i32 : i32, i32
  }
  func.func @transform_3(%arg0: i32) -> (i32, i32) {
    %c0_i32 = arith.constant 0 : i32
    %c0_i32_0 = arith.constant 0 : i32
    return %arg0, %c0_i32 : i32, i32
  }
  func.func @transform_4(%arg0: i32) -> (i32, i32) {
    %c0_i32 = arith.constant 0 : i32
    %c0_i32_0 = arith.constant 0 : i32
    return %arg0, %c0_i32 : i32, i32
  }
}

module attributes {stable_mosaic.version = 14 : i64} {
  func.func @body(%arg0: i32, %arg1: memref<1000x128xf32, #tpu.memory_space<vmem>>, %arg2: memref<1000x128xf32, #tpu.memory_space<vmem>>, %arg3: memref<1000x128xf32, #tpu.memory_space<vmem>>, %arg4: memref<1000x1xf32, #tpu.memory_space<vmem>>, %arg5: memref<1000x1xf32, #tpu.memory_space<vmem>>, %arg6: memref<1x128xf32, #tpu.memory_space<vmem>>, %arg7: memref<128x128xf32, #tpu.memory_space<vmem>>, %arg8: memref<1000x128xf32, #tpu.memory_space<vmem>>) attributes {dimension_semantics = [#tpu.dimension_semantics<arbitrary>], iteration_bounds = array<i64: 10>, scalar_prefetch = 0 : i64, scratch_operands = 0 : i64, tpu.core_type = #tpu.core_type<tc>, window_params = [{transform_indices = @transform_0, window_bounds = array<i64: 1000, 128>}, {transform_indices = @transform_1, window_bounds = array<i64: 1000, 128>}, {transform_indices = @transform_2, window_bounds = array<i64: 1000, 128>}, {transform_indices = @transform_3, window_bounds = array<i64: 1000, 1>}, {transform_indices = @transform_4, window_bounds = array<i64: 1000, 1>}, {pipeline_mode = #tpu.pipeline_mode<synchronous>, transform_indices = @transform_5, window_bounds = array<i64: 1, 128>}, {pipeline_mode = #tpu.pipeline_mode<synchronous>, transform_indices = @transform_6, window_bounds = array<i64: 128, 128>}, {transform_indices = @transform_7, window_bounds = array<i64: 1000, 128>}]} {
    %get3A = arith.constant 0 : index
    %get3A_0 = arith.constant 0 : index
    %get3A_1 = vector.load %arg4[%get3A, %get3A_0] : memref<1000x1xf32, #tpu.memory_space<vmem>>, vector<1000x1xf32>
    %get3A_2 = arith.constant 0 : index
    %get3A_3 = arith.constant 0 : index
    %get3A_4 = vector.load %arg5[%get3A_2, %get3A_3] : memref<1000x1xf32, #tpu.memory_space<vmem>>, vector<1000x1xf32>
    %add3A = arith.addf %get3A_1, %get3A_4 : vector<1000x1xf32>
    %add3A_5 = arith.constant 1.000000e+00 : f32
    %add3A_6 = vector.broadcast %add3A_5 : f32 to vector<1000x1xf32>
    %add3A_7 = arith.addf %add3A, %add3A_6 : vector<1000x1xf32>
    %rsqrt3A = math.rsqrt %add3A_7 : vector<1000x1xf32>
    %get3A_8 = arith.constant 0 : index
    %get3A_9 = arith.constant 0 : index
    %get3A_10 = vector.load %arg1[%get3A_8, %get3A_9] : memref<1000x128xf32, #tpu.memory_space<vmem>>, vector<1000x128xf32>
    %get3A_11 = arith.constant 0 : index
    %get3A_12 = arith.constant 0 : index
    %get3A_13 = vector.load %arg2[%get3A_11, %get3A_12] : memref<1000x128xf32, #tpu.memory_space<vmem>>, vector<1000x128xf32>
    %add3A_14 = arith.addf %get3A_10, %get3A_13 : vector<1000x128xf32>
    %get3A_15 = arith.constant 0 : index
    %get3A_16 = arith.constant 0 : index
    %get3A_17 = vector.load %arg3[%get3A_15, %get3A_16] : memref<1000x128xf32, #tpu.memory_space<vmem>>, vector<1000x128xf32>
    %add3A_18 = arith.addf %add3A_14, %get3A_17 : vector<1000x128xf32>
    %mul3A = vector.broadcast %rsqrt3A : vector<1000x1xf32> to vector<1000x128xf32>
    %mul3A_19 = arith.mulf %mul3A, %add3A_18 : vector<1000x128xf32>
    %get3A_20 = arith.constant 0 : index
    %get3A_21 = arith.constant 0 : index
    %get3A_22 = vector.load %arg6[%get3A_20, %get3A_21] : memref<1x128xf32, #tpu.memory_space<vmem>>, vector<1x128xf32>
    %add3A_23 = vector.broadcast %get3A_22 : vector<1x128xf32> to vector<1000x128xf32>
    %add3A_24 = arith.addf %mul3A_19, %add3A_23 : vector<1000x128xf32>
    %max3A = arith.constant 0.000000e+00 : f32
    %max3A_25 = vector.broadcast %max3A : f32 to vector<1000x128xf32>
    %max3A_26 = arith.maximumf %add3A_24, %max3A_25 : vector<1000x128xf32>
    %get3A_27 = arith.constant 0 : index
    %get3A_28 = arith.constant 0 : index
    %get3A_29 = vector.load %arg7[%get3A_27, %get3A_28] : memref<128x128xf32, #tpu.memory_space<vmem>>, vector<128x128xf32>
    %dot_general3A = arith.constant dense<0.000000e+00> : vector<1000x128xf32>
    %dot_general3A_30 = tpu.matmul %max3A_26, %get3A_29, %dot_general3A {dimension_numbers = #tpu.dot_dimension_numbers<[1], [0], [0], [1], [0, 0, 1, 1], [], []>, transpose_lhs_hint = false} : vector<1000x128xf32>, vector<128x128xf32>, vector<1000x128xf32> -> vector<1000x128xf32>
    %mul3A_31 = vector.broadcast %rsqrt3A : vector<1000x1xf32> to vector<1000x128xf32>
    %mul3A_32 = arith.mulf %dot_general3A_30, %mul3A_31 : vector<1000x128xf32>
    %swap3A = arith.constant 0 : index
    %swap3A_33 = arith.constant 0 : index
    %swap3A_34 = vector.load %arg8[%swap3A, %swap3A_33] : memref<1000x128xf32, #tpu.memory_space<vmem>>, vector<1000x128xf32>
    tpu.vector_store %arg8[%swap3A, %swap3A_33], %mul3A_32 {strides = array<i32>} : memref<1000x128xf32, #tpu.memory_space<vmem>>, vector<1000x128xf32>,
    return
  }
  func.func @transform_0(%arg0: i32) -> (i32, i32) {
    %c0_i32 = arith.constant 0 : i32
    %c0_i32_0 = arith.constant 0 : i32
    return %arg0, %c0_i32 : i32, i32
  }
  func.func @transform_1(%arg0: i32) -> (i32, i32) {
    %c0_i32 = arith.constant 0 : i32
    %c0_i32_0 = arith.constant 0 : i32
    return %arg0, %c0_i32 : i32, i32
  }
  func.func @transform_2(%arg0: i32) -> (i32, i32) {
    %c0_i32 = arith.constant 0 : i32
    %c0_i32_0 = arith.constant 0 : i32
    return %arg0, %c0_i32 : i32, i32
  }
  func.func @transform_3(%arg0: i32) -> (i32, i32) {
    %c0_i32 = arith.constant 0 : i32
    %c0_i32_0 = arith.constant 0 : i32
    return %arg0, %c0_i32 : i32, i32
  }
  func.func @transform_4(%arg0: i32) -> (i32, i32) {
    %c0_i32 = arith.constant 0 : i32
    %c0_i32_0 = arith.constant 0 : i32
    return %arg0, %c0_i32 : i32, i32
  }
  func.func @transform_5(%arg0: i32) -> (i32, i32) {
    %c0_i32 = arith.constant 0 : i32
    %c0_i32_0 = arith.constant 0 : i32
    %c0_i32_1 = arith.constant 0 : i32
    return %c0_i32, %c0_i32_0 : i32, i32
  }
  func.func @transform_6(%arg0: i32) -> (i32, i32) {
    %c0_i32 = arith.constant 0 : i32
    %c0_i32_0 = arith.constant 0 : i32
    %c0_i32_1 = arith.constant 0 : i32
    return %c0_i32, %c0_i32_0 : i32, i32
  }
  func.func @transform_7(%arg0: i32) -> (i32, i32) {
    %c0_i32 = arith.constant 0 : i32
    %c0_i32_0 = arith.constant 0 : i32
    return %arg0, %c0_i32 : i32, i32
  }
}

module attributes {stable_mosaic.version = 14 : i64} {
  func.func @body(%arg0: i32, %arg1: memref<1000x128xf32, #tpu.memory_space<vmem>>, %arg2: memref<1000x128xf32, #tpu.memory_space<vmem>>, %arg3: memref<1000x128xf32, #tpu.memory_space<vmem>>, %arg4: memref<1000x1xf32, #tpu.memory_space<vmem>>, %arg5: memref<1000x1xf32, #tpu.memory_space<vmem>>, %arg6: memref<1x128xf32, #tpu.memory_space<vmem>>, %arg7: memref<1000x128xf32, #tpu.memory_space<vmem>>) attributes {dimension_semantics = [#tpu.dimension_semantics<arbitrary>], iteration_bounds = array<i64: 10>, scalar_prefetch = 0 : i64, scratch_operands = 0 : i64, tpu.core_type = #tpu.core_type<tc>, window_params = [{transform_indices = @transform_0, window_bounds = array<i64: 1000, 128>}, {transform_indices = @transform_1, window_bounds = array<i64: 1000, 128>}, {transform_indices = @transform_2, window_bounds = array<i64: 1000, 128>}, {transform_indices = @transform_3, window_bounds = array<i64: 1000, 1>}, {transform_indices = @transform_4, window_bounds = array<i64: 1000, 1>}, {pipeline_mode = #tpu.pipeline_mode<synchronous>, transform_indices = @transform_5, window_bounds = array<i64: 1, 128>}, {transform_indices = @transform_6, window_bounds = array<i64: 1000, 128>}]} {
    %get3A = arith.constant 0 : index
    %get3A_0 = arith.constant 0 : index
    %get3A_1 = vector.load %arg4[%get3A, %get3A_0] : memref<1000x1xf32, #tpu.memory_space<vmem>>, vector<1000x1xf32>
    %get3A_2 = arith.constant 0 : index
    %get3A_3 = arith.constant 0 : index
    %get3A_4 = vector.load %arg5[%get3A_2, %get3A_3] : memref<1000x1xf32, #tpu.memory_space<vmem>>, vector<1000x1xf32>
    %add3A = arith.addf %get3A_1, %get3A_4 : vector<1000x1xf32>
    %add3A_5 = arith.constant 1.000000e+00 : f32
    %add3A_6 = vector.broadcast %add3A_5 : f32 to vector<1000x1xf32>
    %add3A_7 = arith.addf %add3A, %add3A_6 : vector<1000x1xf32>
    %rsqrt3A = math.rsqrt %add3A_7 : vector<1000x1xf32>
    %get3A_8 = arith.constant 0 : index
    %get3A_9 = arith.constant 0 : index
    %get3A_10 = vector.load %arg1[%get3A_8, %get3A_9] : memref<1000x128xf32, #tpu.memory_space<vmem>>, vector<1000x128xf32>
    %get3A_11 = arith.constant 0 : index
    %get3A_12 = arith.constant 0 : index
    %get3A_13 = vector.load %arg2[%get3A_11, %get3A_12] : memref<1000x128xf32, #tpu.memory_space<vmem>>, vector<1000x128xf32>
    %add3A_14 = arith.addf %get3A_10, %get3A_13 : vector<1000x128xf32>
    %get3A_15 = arith.constant 0 : index
    %get3A_16 = arith.constant 0 : index
    %get3A_17 = vector.load %arg3[%get3A_15, %get3A_16] : memref<1000x128xf32, #tpu.memory_space<vmem>>, vector<1000x128xf32>
    %add3A_18 = arith.addf %add3A_14, %get3A_17 : vector<1000x128xf32>
    %mul3A = vector.broadcast %rsqrt3A : vector<1000x1xf32> to vector<1000x128xf32>
    %mul3A_19 = arith.mulf %mul3A, %add3A_18 : vector<1000x128xf32>
    %get3A_20 = arith.constant 0 : index
    %get3A_21 = arith.constant 0 : index
    %get3A_22 = vector.load %arg6[%get3A_20, %get3A_21] : memref<1x128xf32, #tpu.memory_space<vmem>>, vector<1x128xf32>
    %add3A_23 = vector.broadcast %get3A_22 : vector<1x128xf32> to vector<1000x128xf32>
    %add3A_24 = arith.addf %mul3A_19, %add3A_23 : vector<1000x128xf32>
    %swap3A = arith.constant 0 : index
    %swap3A_25 = arith.constant 0 : index
    %swap3A_26 = vector.load %arg7[%swap3A, %swap3A_25] : memref<1000x128xf32, #tpu.memory_space<vmem>>, vector<1000x128xf32>
    tpu.vector_store %arg7[%swap3A, %swap3A_25], %add3A_24 {strides = array<i32>} : memref<1000x128xf32, #tpu.memory_space<vmem>>, vector<1000x128xf32>,
    return
  }
  func.func @transform_0(%arg0: i32) -> (i32, i32) {
    %c0_i32 = arith.constant 0 : i32
    %c0_i32_0 = arith.constant 0 : i32
    return %arg0, %c0_i32 : i32, i32
  }
  func.func @transform_1(%arg0: i32) -> (i32, i32) {
    %c0_i32 = arith.constant 0 : i32
    %c0_i32_0 = arith.constant 0 : i32
    return %arg0, %c0_i32 : i32, i32
  }
  func.func @transform_2(%arg0: i32) -> (i32, i32) {
    %c0_i32 = arith.constant 0 : i32
    %c0_i32_0 = arith.constant 0 : i32
    return %arg0, %c0_i32 : i32, i32
  }
  func.func @transform_3(%arg0: i32) -> (i32, i32) {
    %c0_i32 = arith.constant 0 : i32
    %c0_i32_0 = arith.constant 0 : i32
    return %arg0, %c0_i32 : i32, i32
  }
  func.func @transform_4(%arg0: i32) -> (i32, i32) {
    %c0_i32 = arith.constant 0 : i32
    %c0_i32_0 = arith.constant 0 : i32
    return %arg0, %c0_i32 : i32, i32
  }
  func.func @transform_5(%arg0: i32) -> (i32, i32) {
    %c0_i32 = arith.constant 0 : i32
    %c0_i32_0 = arith.constant 0 : i32
    %c0_i32_1 = arith.constant 0 : i32
    return %c0_i32, %c0_i32_0 : i32, i32
  }
  func.func @transform_6(%arg0: i32) -> (i32, i32) {
    %c0_i32 = arith.constant 0 : i32
    %c0_i32_0 = arith.constant 0 : i32
    return %arg0, %c0_i32 : i32, i32
  }
}

</mosaic_0001>

<sc_bundles>
// kernel: kernel.11.cloned.1.call-start
scs
__scs_entry_jumppad:
0x0: {  	(pc) =	sbr.rel $0x88, $3  }
0x1: {  	(tag) =	ssettag $0x0;
	lr =	simm.s32 $0x1  }
0x2: {  	[smem:$0x3F9B] =	sst lr;
	_ =	strace $0xD0000000  }
0x3: {  	_ = 	snop  }
0x4: {  	_ = 	snop  }
0x5: {  	_ = 	snop  }
0x6: {  	_ = 	snop  }
0x7: {  	_ = 	snop  }
__scs_overlays_trampoline_lowered:
0x8: {  	[smem:$0x3FAA] =	sst s0  }
0x9: {  	[smem:$0x3FAB] =	sst s1  }
0xa: {  	[smem:$0x3FAC] =	sst s2  }
0xb: {  	[smem:$0x3FAD] =	sst s3  }
0xc: {  	[smem:$0x3FAE] =	sst s4  }
0xd: {  	[smem:$0x3FAF] =	sst s5  }
0xe: {  	[smem:$0x3FB0] =	sst s6  }
0xf: {  	[smem:$0x3FB1] =	sst s7  }
0x10: {  	[smem:$0x3FB2] =	sst s8  }
0x11: {  	[smem:$0x3FB3] =	sst s9;
	s0 =	simm.s32 @!p0 $0x0  }
0x12: {  	s1 =	sld [smem:$0x3F99];
	s0 =	simm.s32 @p0 $0x1  }
0x13: {  	[smem:$0x3FB4] =	sst s0;
	s0 =	simm.s32 @!p1 $0x0  }
0x14: {  	s2 =	sld [smem:$0x3F98];
	s0 =	simm.s32 @p1 $0x1  }
0x15: {  	[smem:$0x3FB5] =	sst s0;
	s0 =	simm.s32 @!p2 $0x0  }
0x16: {  	s3 =	sld [smem:$0x3FDB];
	s0 =	simm.s32 @p2 $0x1  }
0x17: {  	s4 =	simm.s32 $0x1BF5;
	[smem:$0x3FB7] =	sst s0  }
0x18: {  	s0 =	sld [smem:$0x3F9A];
	_ =	swait.ge [sflag:s4], $0x0  }
0x19: {  	s7 =	sld [smem:$0x3F9B]  }
0x1a: {  	s8 =	sadd.s32 $0xFFFFE003, lr  }
0x1b: {  	s9 =	sadd.s32 $0xFFFFFEF7, lr;
	s5 =	simm.s32 $0xFFFFFFFF;
	p2 =	slt.u32 s8, $0xFFFFF086  }
0x1c: {  	p1 =	slt.u32 s9, $0xF7A;
	s5 =	simm.s32 @!p2 $0x0  }
0x1d: {  	s5 =	simm.s32 @p1 $0x1;
	p0 =	seq.s32 s7, s2  }
0x1e: {  	s7 =	smul.u32 @!p0 $0xF7A, s2;
	p2 =	seq.s32 @!p0 s5, $0x0  }
0x1f: {  	s9 =	smul.u32 $0xF7A, s1;
	s8 =	simm.s32 @!p0 $0x1BF5;
	p2 =	por !p2, p0  }
0x20: {  	[sflag:s8] =	ssyncset.s32 @!p0 $0xFFFFF086;
	s6 =	sadd.s32 @!p0 s3, s7;
	s7 =	simm.s32 @!p0 $0x108  }
0x21: {  	s3 =	sadd.s32 s3, s9;
	s6 =	sadd.s32 @!p0 $0x88, s6;
	s7 =	simm.s32 @p2 $0x1082  }
0x22: {  	[simem:s7], [sflag:s8] =	dma.local @!p0 [hbm:s6], $0xF7A  }
0x23: {  	s9 =	sor.u32 $0xD0000000, s2;
	s6 =	simm.s32 $0x108;
	_ =	swait.ge @!p0 [sflag:s8], $0x0  }
0x24: {  	s3 =	sadd.s32 $0x88, s3;
	s6 =	simm.s32 @!p1 $0x1082;
	[sflag:s4] =	ssyncset.s32 $0xFFFFF086  }
0x25: {  	[simem:s6], [sflag:s4] =	dma.local [hbm:s3], $0xF7A  }
0x26: {  	[smem:$0x3F9B] =	sst s1;
	(tag) =	ssettag s2;
	_ =	strace s9  }
0x27: {  	s1 =	sld [smem:$0x3FAB]  }
0x28: {  	s2 =	sld [smem:$0x3FAC]  }
0x29: {  	s4 =	sld [smem:$0x3FAE]  }
0x2a: {  	p0 =	seq.s32 s5, $0x0;
	s5 =	sld [smem:$0x3FAF]  }
0x2b: {  	s6 =	sld [smem:$0x3FB0]  }
0x2c: {  	s7 =	sld [smem:$0x3FB1]  }
0x2d: {  	s3 =	simm.s32 $0x108;
	s8 =	sld [smem:$0x3FB2]  }
0x2e: {  	s3 =	simm.s32 @!p0 $0x1082;
	s9 =	sld [smem:$0x3FB3]  }
0x2f: {  	lr =	sadd.s32 s0, s3;
	s0 =	sld [smem:$0x3FAA]  }
0x30: {  	s3 =	sld [smem:$0x3FAD]  }
0x31: {  	[smem:$0x3FB6] =	sst s10  }
0x32: {  	s10 =	sld [smem:$0x3FB4];
	_ =	sdelay $0x3  }
0x33: {  	p0 =	seq.s32 s10, $0x1;
	s10 =	sld [smem:$0x3FB6];
	_ =	sdelay $0x3  }
0x34: {  	[smem:$0x3FB6] =	sst s10  }
0x35: {  	s10 =	sld [smem:$0x3FB5];
	_ =	sdelay $0x3  }
0x36: {  	p1 =	seq.s32 s10, $0x1;
	s10 =	sld [smem:$0x3FB6];
	_ =	sdelay $0x3  }
0x37: {  	[smem:$0x3FB6] =	sst s10  }
0x38: {  	s10 =	sld [smem:$0x3FB7]  }
0x39: {  	_ = 	snop;
	(pc) =	sbr.ind lr, $3  }
0x3a: {  	_ = 	snop  }
0x3b: {  	_ = 	snop  }
0x3c: {  	p2 =	seq.s32 s10, $0x1;
	s10 =	sld [smem:$0x3FB6]  }
0x3d: {  	_ =	shalt  }
0x3e: {  	_ =	shalt  }
0x3f: {  	_ =	shalt  }
0x40: {  	_ =	shalt  }
0x41: {  	_ =	shalt  }
0x42: {  	_ =	shalt  }
0x43: {  	_ =	shalt  }
0x44: {  	_ =	shalt  }
0x45: {  	_ =	shalt  }
0x46: {  	_ =	shalt  }
0x47: {  	_ =	shalt  }
0x48: {  	_ =	shalt  }
0x49: {  	_ =	shalt  }
0x4a: {  	_ =	shalt  }
0x4b: {  	_ =	shalt  }
0x4c: {  	_ =	shalt  }
0x4d: {  	_ =	shalt  }
0x4e: {  	_ =	shalt  }
0x4f: {  	_ =	shalt  }
0x50: {  	_ =	shalt  }
0x51: {  	_ =	shalt  }
0x52: {  	_ =	shalt  }
0x53: {  	_ =	shalt  }
0x54: {  	_ =	shalt  }
0x55: {  	_ =	shalt  }
0x56: {  	_ =	shalt  }
0x57: {  	_ =	shalt  }
0x58: {  	_ =	shalt  }
0x59: {  	_ =	shalt  }
0x5a: {  	_ =	shalt  }
0x5b: {  	_ =	shalt  }
0x5c: {  	_ =	shalt  }
0x5d: {  	_ =	shalt  }
0x5e: {  	_ =	shalt  }
0x5f: {  	_ =	shalt  }
0x60: {  	_ =	shalt  }
0x61: {  	_ =	shalt  }
0x62: {  	_ =	shalt  }
0x63: {  	_ =	shalt  }
0x64: {  	_ =	shalt  }
0x65: {  	_ =	shalt  }
0x66: {  	_ =	shalt  }
0x67: {  	_ =	shalt  }
0x68: {  	_ =	shalt  }
0x69: {  	_ =	shalt  }
0x6a: {  	_ =	shalt  }
0x6b: {  	_ =	shalt  }
0x6c: {  	_ =	shalt  }
0x6d: {  	_ =	shalt  }
0x6e: {  	_ =	shalt  }
0x6f: {  	_ =	shalt  }
0x70: {  	_ =	shalt  }
0x71: {  	_ =	shalt  }
0x72: {  	_ =	shalt  }
0x73: {  	_ =	shalt  }
0x74: {  	_ =	shalt  }
0x75: {  	_ =	shalt  }
0x76: {  	_ =	shalt  }
0x77: {  	_ =	shalt  }
0x78: {  	_ =	shalt  }
0x79: {  	_ =	shalt  }
0x7a: {  	_ =	shalt  }
0x7b: {  	_ =	shalt  }
0x7c: {  	_ =	shalt  }
0x7d: {  	_ =	shalt  }
0x7e: {  	_ =	shalt  }
0x7f: {  	_ =	shalt  }
0x80: {  	_ =	shalt  }
0x81: {  	_ =	shalt  }
0x82: {  	_ =	shalt  }
0x83: {  	_ =	shalt  }
0x84: {  	_ =	shalt  }
0x85: {  	_ =	shalt  }
0x86: {  	_ =	shalt  }
0x87: {  	_ =	shalt  }
.Lfunc_end0:
.L_simem_size_0:
called_computation.1_lowered:
.L_overlay_start_0:
0x88: {  	s2 =	sld [smem:$0x3FD9]  }
0x89: {  	s3 =	sld [smem:$0x3FFE];
	_ =	sdelay $0x1  }
0x8a: {  	s1 =	srdreg.scid  }
0x8b: {  	s0 =	sand.u32 $0x1, s1  }
0x8c: {  	s17 =	sshll.u32 s0, $0xA;
	s2 =	sadd.s32 s3, s2  }
0x8d: {  	s2 =	sadd.s32 s2, s17  }
0x8e: {  	[smem:$0x3FC2] =	sst s2  }
0x8f: {  	_ = 	snop  }
0x90: {  	s2 =	sld [smem:$0x3FD0];
	(tm) =	ssettm $0x1  }
0x91: {  	s18 =	sld [smem:$0x3FFB];
	_ =	sdelay $0x3  }
0x92: {  	_ =	strace s18  }
0x93: {  	s3 =	sld [smem:$0x3FFC];
	_ =	sdelay $0x3  }
0x94: {  	_ =	strace s3  }
0x95: {  	s3 =	sld [smem:$0x3FFD];
	_ =	sdelay $0x3  }
0x96: {  	_ =	strace s3  }
0x97: {  	_ =	strace $0x8FFFFFFF  }
0x98: {  	s19 =	sld [smem:$0x3FDB];
	_ =	sdelay $0x1  }
0x99: {  	s4 =	simm.s32 $_scs_section_size  }
0x9a: {  	s5 =	simm.s32 $_size__tile_overlayer_lowered;
	s6 =	simm.s32 $_tile_overlayer_lowered  }
0x9b: {  	s22 =	simm.s32 $0x1BFF;
	s21 =	sshll.u32 s6, $0x1;
	s3 =	sadd.s32 s4, s19  }
0x9c: {  	s7 =	simm.s32 $0x0;
	s20 =	sshll.u32 s5, $0x1;
	s5 =	sadd.s32 s21, s3  }
0x9d: {  	[timem:s7], [sflag:s22] =	dma.local [hbm:s5], s20  }
0x9e: {  	_ =	swait.ge [sflag:s22], s20  }
0x9f: {  	s4 =	ssub.s32 $0x0, s20;
	[sflag:s22] =	ssyncset.done $0x0  }
0xa0: {  	[sflag:s22] =	ssyncadd.s32 s4;
	_ =	sdelay $0x1  }
0xa1: {  	s23 =	simm.s32 $0x1B8B  }
0xa2: {  	_ =	swait.ge [sflag:s23], $0x1  }
0xa3: {  	[sflag:s23] =	ssyncset.done $0x0  }
0xa4: {  	s25 =	simm.s32 $0x1B8E;
	s24 =	sld [smem:$0x3FFE];
	[sflag:s23] =	ssyncadd.s32 $0xFFFFFFFF  }
0xa5: {  	s26 =	simm.s32 $execute0_lowered;
	[smem:$0x3FD2] =	sst s25  }
0xa6: {  	s5 =	sshll.u32 s26, $0x1;
	_ =	strace $0x80000049;
	[dreg:$0x1] =	wrdreg $0xFFFFFFFF  }
0xa7: {  	s28 =	simm.s32 $_size_execute0_lowered;
	s3 =	sadd.s32 s3, s5;
	[dreg:$0x0] =	wrdreg $0x0  }
0xa8: {  	s5 =	sshll.u32 s28, $0x1;
	[dreg:$0x2] =	wrdreg s3  }
0xa9: {  	[dreg:$0x3] =	wrdreg s5  }
0xaa: {  	[dreg:$0x4] =	wrdreg $0xC0  }
0xab: {  	_ =	task [dreg:s7], $0x5FFFF  }
0xac: {  	[dreg:$0x1] =	wrdreg $0xFFFFFFFF  }
0xad: {  	[dreg:$0x0] =	wrdreg $0x60  }
0xae: {  	[dreg:$0x2] =	wrdreg s2  }
0xaf: {  	[dreg:$0x3] =	wrdreg s24  }
0xb0: {  	[dreg:$0x4] =	wrdreg $0xBA000  }
0xb1: {  	[dreg:$0x5] =	wrdreg $0x9  }
0xb2: {  	_ =	task.clear_ibuf [dreg:s7], $0x6FFFF;
	_ =	strace $0x90000049  }
0xb3: {  	s29 =	simm.s32 $0x9;
	_ =	strace $0x8000004B  }
0xb4: {  	_ =	swait.ge [sflag:s29], $0x1  }
0xb5: {  	[sflag:s29] =	ssyncadd.s32 $0xFFFFFFFF  }
0xb6: {  	_ =	strace $0x9000004B  }
0xb7: {  	_ =	sfence  }
0xb8: {  	s30 =	sld [smem:$0x0];
	_ =	sdelay $0x2  }
0xb9: {  	s31 =	sshll.u32 s1, $0xD;
	s1 =	sshrl.u32 s1, $0x2  }
0xba: {  	s3 =	sand.u32 $0x4000, s31;
	s1 =	sadd.s32 s1, s30  }
0xbb: {  	s0 =	sor.u32 s3, s0;
	s1 =	sshll.u32 s1, $0x11  }
0xbc: {  	s0 =	sor.u32 s1, s0  }
0xbd: {  	s0 =	sadd.s32 $0x8F2B, s0  }
0xbe: {  	[sflag:s0] =	ssyncadd.remote.s32 $0x1  }
0xbf: {  	_ =	sfence.sel $0xFFFF  }
0xc0: {  	[dreg:$0x0] =	wrdreg $0xFFFFFFFF;
	(pc) =	sbr.abs _section_cstart, $3  }
0xc1: {  	[dreg:$0x1] =	wrdreg $0xFFFFFFFF  }
0xc2: {  	_ =	task.clear_ibuf [dreg:s7], $0x2FFFF;
	_ =	strace $0x9FFFFFFF  }
0xc3: {  	(tm) =	ssettm $0x7FFFFFFF  }
tec
execute0_lowered:
.L_overlay_start_1:
0x0: {  	(tag) =	ssettag $0x1  }
0x1: {  	s1 =	rddreg [dreg:$0x0]  }
0x2: {  	s0 =	rddreg [dreg:$0x1]  }
0x3: {  	s2 =	rddreg [dreg:$0x2];
	s4 =	simm.s32 $0x0;
	s3 =	srdreg.scid  }
0x4: {  	s11 =	stileid.u32;
	s28 =	simm.s32 $0xB600;
	s30 =	simm.s32 $0x78  }
0x5: {  	s31 =	simm.s32 $0xB900;
	s29 =	simm.s32 $0x0;
	[smem:$0x7FF] =	sst s4  }
0x6: {  	s3 =	sand.u32 $0x1, s3;
	s7 =	smul.u32 $0x14000, s11;
	s8 =	sshll.u32 s11, $0x1  }
0x7: {  	s5 =	sadd.s32 $0x4800, s0;
	s9 =	sadd.s32 $0x67C00, s0;
	s10 =	smul.u32 $0x50000, s11  }
0x8: {  	s26 =	sshll.u32 s11, $0x6;
	s16 =	smul.u32 $0xA800, s11;
	s11 =	simm.s32 $0x7800  }
0x9: {  	s6 =	smul.u32 $0x140000, s3;
	_ =	strace $0x8000004A;
	[dreg:$0x4] =	wrdreg s9  }
0xa: {  	s8 =	sor.u32 s3, s8;
	s21 =	ssub.s32 $0x2, s3;
	s18 =	sor.u32 $0x1C0D, s26  }
0xb: {  	s3 =	smul.u32 $0x5400, s3;
	s9 =	simm.s32 $0x3;
	s22 =	sshrl.u32 s21, $0x1  }
0xc: {  	s25 =	sshrl.u32 s10, $0x2;
	s6 =	sadd.s32 s7, s6;
	s7 =	smul.u32 $0x5400, s8  }
0xd: {  	s10 =	simm.s32 $0x9;
	[dreg:$0x6] =	wrdreg s18;
	s23 =	ssub.s32 s21, s22  }
0xe: {  	s6 =	sshrl.u32 s6, $0x3;
	s23 =	smax.u32 s23, $0x1;
	s24 =	sshrl.u32 s7, $0x3  }
0xf: {  	s0 =	sadd.s32 s6, s0;
	[dreg:$0x10] =	wrdreg s23;
	s12 =	sadd.s32 s5, s24  }
0x10: {  	s8 =	sadd.s32 s25, s2;
	s0 =	sadd.s32 $0x6A400, s0;
	[dreg:$0x5] =	wrdreg s12  }
0x11: {  	s23 =	simm.s32 $0xD;
	s13 =	sadd.s32 $0x20, s12;
	[dreg:$0xf] =	wrdreg s0  }
0x12: {  	s24 =	sadd.s32 s3, s16;
	s14 =	sadd.s32 $0x40, s12;
	[dreg:$0x7] =	wrdreg s13  }
0x13: {  	s16 =	simm.s32 $0x4;
	s15 =	sadd.s32 $0x60, s12;
	[dreg:$0x8] =	wrdreg s14  }
0x14: {  	s17 =	sadd.s32 $0x80, s12;
	s19 =	sadd.s32 $0xA0, s12;
	[dreg:$0x9] =	wrdreg s15  }
0x15: {  	s20 =	sadd.s32 $0xC0, s12;
	s21 =	sadd.s32 $0xE0, s12;
	[dreg:$0xa] =	wrdreg s17  }
0x16: {  	s22 =	sadd.s32 $0x100, s12;
	s3 =	sadd.s32 $0xB00, s24;
	[dreg:$0xb] =	wrdreg s19  }
0x17: {  	s25 =	sadd.s32 $0xA00, s24;
	s0 =	sadd.s32 $0x900, s24;
	[dreg:$0xc] =	wrdreg s20  }
0x18: {  	s12 =	simm.s32 $0xB800;
	s24 =	simm.s32 $0xB480;
	[dreg:$0xd] =	wrdreg s21  }
0x19: {  	[dreg:$0xe] =	wrdreg s22;
	s3 =	sshrl.u32 s3, $0x3;
	s6 =	sshrl.u32 s25, $0x3  }
0x1a: {  	s0 =	sshrl.u32 s0, $0x3;
	s20 =	sshrl.u32 s8, $0x3;
	s25 =	simm.s32 $0xB500  }
0x1b: {  	s13 =	simm.s32 $0x1;
	s15 =	simm.s32 $0xA;
	s17 =	simm.s32 $0x2  }
0x1c: {  	s19 =	simm.s32 $0xB;
	s3 =	sadd.s32 s3, s5;
	[dreg:$0x14] =	wrdreg s20  }
0x1d: {  	s8 =	simm.s32 $0x5;
	s26 =	sadd.s32 s6, s5;
	[dreg:$0x11] =	wrdreg s3  }
0x1e: {  	s21 =	simm.s32 $0xC;
	s0 =	sadd.s32 s0, s5;
	[dreg:$0x12] =	wrdreg s26  }
0x1f: {  	s22 =	simm.s32 $0x6;
	s6 =	simm.s32 $0xB700;
	[dreg:$0x13] =	wrdreg s0  }
0x20: {  	s26 =	simm.s32 $0xB400;
	s0 =	simm.s32 $0x8;
	s3 =	simm.s32 $0x3C00  }
.LBB2_1:
0x21: {  	[dreg:$0x15] =	wrdreg s29  }
0x22: {  	s14 =	rddreg [dreg:$0x4]  }
0x23: {  	[spmem:s20], [sflag:s18] =	dma.local [hbm:s14], $0x2800  }
0x24: {  	_ =	swait.ge [sflag:s23], $0x2800  }
0x25: {  	[sflag:s23] =	ssyncset.done $0x0  }
0x26: {  	[sflag:s23] =	ssyncadd.s32 $0xFFFFD800;
	s23 =	rddreg [dreg:$0x5]  }
0x27: {  	[tilespmem:s26], [sflag:$0x7] =	stream.linear.gather [hbm4b:s23+s4], $0x100, $0x38;
	[tilespmem:$0x1FA00] =	vst v63  }
0x28: {  	s29 =	rddreg [dreg:$0x7]  }
0x29: {  	[tilespmem:s25], [sflag:$0x8] =	stream.linear.gather [hbm4b:s29+s4], $0x100, $0x38;
	[tilespmem:$0x1FA00] =	vst v63  }
0x2a: {  	s18 =	rddreg [dreg:$0x8]  }
0x2b: {  	[tilespmem:s28], [sflag:$0x9] =	stream.linear.gather [hbm4b:s18+s4], $0x100, $0x38;
	[tilespmem:$0x1FA00] =	vst v63  }
0x2c: {  	s18 =	simm.s32 $0x7;
	[bflag:$0x0] =	sbarrier.arrive $0xFFFF  }
0x2d: {  	_ =	swait.ge [sflag:s18], $0x100  }
0x2e: {  	[sflag:s18] =	ssyncset.done $0x0  }
0x2f: {  	[sflag:s18] =	ssyncadd.s32 $0xFFFFFF00  }
0x30: {  	[tilespmem:s4], [sflag:$0x1] =	stream.indirect.gather [hbm4b:s1+s30], $0x80, s26, s30, $0xb8;
	[tilespmem:$0x1FA00] =	vst v63  }
0x31: {  	s20 =	rddreg [dreg:$0x9]  }
0x32: {  	[tilespmem:s6], [sflag:$0xA] =	stream.linear.gather [hbm4b:s20+s4], $0x100, $0x38;
	[tilespmem:$0x1FA00] =	vst v63  }
0x33: {  	_ =	swait.ge [sflag:s0], $0x100  }
0x34: {  	[sflag:s0] =	ssyncset.done $0x0  }
0x35: {  	[sflag:s0] =	ssyncadd.s32 $0xFFFFFF00  }
0x36: {  	[tilespmem:s3], [sflag:$0x2] =	stream.indirect.gather [hbm4b:s1+s30], $0x80, s25, s30, $0xb8;
	[tilespmem:$0x1FA00] =	vst v63  }
0x37: {  	s23 =	rddreg [dreg:$0xa]  }
0x38: {  	[tilespmem:s12], [sflag:$0xB] =	stream.linear.gather [hbm4b:s23+s4], $0x100, $0x38;
	[tilespmem:$0x1FA00] =	vst v63  }
0x39: {  	_ =	swait.ge [sflag:s10], $0x100  }
0x3a: {  	[sflag:s10] =	ssyncset.done $0x0  }
0x3b: {  	[sflag:s10] =	ssyncadd.s32 $0xFFFFFF00  }
0x3c: {  	[tilespmem:s11], [sflag:$0x3] =	stream.indirect.gather [hbm4b:s1+s30], $0x80, s28, s30, $0xb8;
	[tilespmem:$0x1FA00] =	vst v63  }
0x3d: {  	s29 =	rddreg [dreg:$0xb]  }
0x3e: {  	[tilespmem:s31], [sflag:$0xC] =	stream.linear.gather [hbm4b:s29+s4], $0x100, $0x38;
	[tilespmem:$0x1FA00] =	vst v63  }
0x3f: {  	_ =	swait.ge [sflag:s13], $0x3C00  }
0x40: {  	[sflag:s13] =	ssyncset.done $0x0  }
0x41: {  	[sflag:s13] =	ssyncadd.s32 $0xFFFFC400  }
0x42: {  	[spmem:s2] =	stream.indirect.scatter.add.f32 [tilespmem:s4], [sflag:$0x4], $0x80, s24, s30, $0xb8;
	[tilespmem:$0x1FA00] =	vst v63  }
0x43: {  	_ =	swait.ge [sflag:s15], $0x100  }
0x44: {  	[sflag:s15] =	ssyncset.done $0x0  }
0x45: {  	[sflag:s15] =	ssyncadd.s32 $0xFFFFFF00  }
0x46: {  	_ =	swait.ge [sflag:s16], $0x3C00  }
0x47: {  	[sflag:s16] =	ssyncset.done $0x0  }
0x48: {  	[sflag:s16] =	ssyncadd.s32 $0xFFFFC400  }
0x49: {  	[tilespmem:s4], [sflag:$0x1] =	stream.indirect.gather [hbm4b:s1+s30], $0x80, s6, s30, $0xb8;
	[tilespmem:$0x1FA00] =	vst v63  }
0x4a: {  	s20 =	rddreg [dreg:$0xc]  }
0x4b: {  	[tilespmem:s26], [sflag:$0x7] =	stream.linear.gather [hbm4b:s20+s4], $0x100, $0x38;
	[tilespmem:$0x1FA00] =	vst v63  }
0x4c: {  	_ =	swait.ge [sflag:s17], $0x3C00  }
0x4d: {  	[sflag:s17] =	ssyncset.done $0x0  }
0x4e: {  	s29 =	simm.s32 $0xB580;
	[sflag:s17] =	ssyncadd.s32 $0xFFFFC400  }
0x4f: {  	[spmem:s2] =	stream.indirect.scatter.add.f32 [tilespmem:s3], [sflag:$0x5], $0x80, s29, s30, $0xb8;
	[tilespmem:$0x1FA00] =	vst v63  }
0x50: {  	_ =	swait.ge [sflag:s19], $0x100  }
0x51: {  	[sflag:s19] =	ssyncset.done $0x0  }
0x52: {  	[sflag:s19] =	ssyncadd.s32 $0xFFFFFF00  }
0x53: {  	_ =	swait.ge [sflag:s8], $0x3C00  }
0x54: {  	[sflag:s8] =	ssyncset.done $0x0  }
0x55: {  	[sflag:s8] =	ssyncadd.s32 $0xFFFFC400  }
0x56: {  	[tilespmem:s3], [sflag:$0x2] =	stream.indirect.gather [hbm4b:s1+s30], $0x80, s12, s30, $0xb8;
	[tilespmem:$0x1FA00] =	vst v63  }
0x57: {  	s23 =	rddreg [dreg:$0xd]  }
0x58: {  	[tilespmem:s25], [sflag:$0x8] =	stream.linear.gather [hbm4b:s23+s4], $0x100, $0x38;
	[tilespmem:$0x1FA00] =	vst v63  }
0x59: {  	_ =	swait.ge [sflag:s9], $0x3C00  }
0x5a: {  	[sflag:s9] =	ssyncset.done $0x0  }
0x5b: {  	s24 =	simm.s32 $0xB680;
	[sflag:s9] =	ssyncadd.s32 $0xFFFFC400  }
0x5c: {  	[spmem:s2] =	stream.indirect.scatter.add.f32 [tilespmem:s11], [sflag:$0x6], $0x80, s24, s30, $0xb8;
	[tilespmem:$0x1FA00] =	vst v63  }
0x5d: {  	_ =	swait.ge [sflag:s21], $0x100  }
0x5e: {  	[sflag:s21] =	ssyncset.done $0x0  }
0x5f: {  	[sflag:s21] =	ssyncadd.s32 $0xFFFFFF00  }
0x60: {  	_ =	swait.ge [sflag:s22], $0x3C00  }
0x61: {  	[sflag:s22] =	ssyncset.done $0x0  }
0x62: {  	[sflag:s22] =	ssyncadd.s32 $0xFFFFC400  }
0x63: {  	[tilespmem:s11], [sflag:$0x3] =	stream.indirect.gather [hbm4b:s1+s30], $0x80, s31, s30, $0xb8;
	[tilespmem:$0x1FA00] =	vst v63  }
0x64: {  	s12 =	rddreg [dreg:$0xe]  }
0x65: {  	[tilespmem:s28], [sflag:$0x9] =	stream.linear.gather [hbm4b:s12+s4], $0x100, $0x38;
	[tilespmem:$0x1FA00] =	vst v63  }
0x66: {  	_ =	swait.ge [sflag:s13], $0x3C00  }
0x67: {  	[sflag:s13] =	ssyncset.done $0x0  }
0x68: {  	s14 =	simm.s32 $0xB780;
	[sflag:s13] =	ssyncadd.s32 $0xFFFFC400  }
0x69: {  	[spmem:s2] =	stream.indirect.scatter.add.f32 [tilespmem:s4], [sflag:$0x4], $0x80, s14, s30, $0xb8;
	[tilespmem:$0x1FA00] =	vst v63  }
0x6a: {  	_ =	swait.ge [sflag:s18], $0x100  }
0x6b: {  	[sflag:s18] =	ssyncset.done $0x0  }
0x6c: {  	[sflag:s18] =	ssyncadd.s32 $0xFFFFFF00  }
0x6d: {  	_ =	swait.ge [sflag:s16], $0x3C00  }
0x6e: {  	[sflag:s16] =	ssyncset.done $0x0  }
0x6f: {  	[sflag:s16] =	ssyncadd.s32 $0xFFFFC400  }
0x70: {  	[tilespmem:s4], [sflag:$0x1] =	stream.indirect.gather [hbm4b:s1+s30], $0x80, s26, s30, $0xb8;
	[tilespmem:$0x1FA00] =	vst v63  }
0x71: {  	s20 =	rddreg [dreg:$0x13]  }
0x72: {  	[tilespmem:s6], [sflag:$0xA] =	stream.linear.gather [hbm4b:s20+s4], $0x100, $0x38;
	[tilespmem:$0x1FA00] =	vst v63  }
0x73: {  	_ =	swait.ge [sflag:s17], $0x3C00  }
0x74: {  	[sflag:s17] =	ssyncset.done $0x0  }
0x75: {  	s18 =	simm.s32 $0xB880;
	[sflag:s17] =	ssyncadd.s32 $0xFFFFC400  }
0x76: {  	[spmem:s2] =	stream.indirect.scatter.add.f32 [tilespmem:s3], [sflag:$0x5], $0x80, s18, s30, $0xb8;
	[tilespmem:$0x1FA00] =	vst v63  }
0x77: {  	_ =	swait.ge [sflag:s0], $0x100  }
0x78: {  	[sflag:s0] =	ssyncset.done $0x0  }
0x79: {  	[sflag:s0] =	ssyncadd.s32 $0xFFFFFF00  }
0x7a: {  	_ =	swait.ge [sflag:s8], $0x3C00  }
0x7b: {  	[sflag:s8] =	ssyncset.done $0x0  }
0x7c: {  	[sflag:s8] =	ssyncadd.s32 $0xFFFFC400  }
0x7d: {  	[tilespmem:s3], [sflag:$0x2] =	stream.indirect.gather [hbm4b:s1+s30], $0x80, s25, s30, $0xb8;
	[tilespmem:$0x1FA00] =	vst v63  }
0x7e: {  	s12 =	simm.s32 $0xB800;
	s24 =	rddreg [dreg:$0x12]  }
0x7f: {  	[tilespmem:s12], [sflag:$0xB] =	stream.linear.gather [hbm4b:s24+s4], $0x100, $0x38;
	[tilespmem:$0x1FA00] =	vst v63  }
0x80: {  	_ =	swait.ge [sflag:s9], $0x3C00  }
0x81: {  	[sflag:s9] =	ssyncset.done $0x0  }
0x82: {  	s23 =	simm.s32 $0xB980;
	[sflag:s9] =	ssyncadd.s32 $0xFFFFC400  }
0x83: {  	[spmem:s2] =	stream.indirect.scatter.add.f32 [tilespmem:s11], [sflag:$0x6], $0x80, s23, s30, $0xb8;
	[tilespmem:$0x1FA00] =	vst v63  }
0x84: {  	_ =	swait.ge [sflag:s10], $0x100  }
0x85: {  	[sflag:s10] =	ssyncset.done $0x0  }
0x86: {  	[sflag:s10] =	ssyncadd.s32 $0xFFFFFF00  }
0x87: {  	_ =	swait.ge [sflag:s22], $0x3C00  }
0x88: {  	[sflag:s22] =	ssyncset.done $0x0  }
0x89: {  	[sflag:s22] =	ssyncadd.s32 $0xFFFFC400  }
0x8a: {  	[tilespmem:s11], [sflag:$0x3] =	stream.indirect.gather [hbm4b:s1+s30], $0x80, s28, s30, $0xb8;
	[tilespmem:$0x1FA00] =	vst v63  }
0x8b: {  	s23 =	rddreg [dreg:$0x11]  }
0x8c: {  	[tilespmem:s31], [sflag:$0xC] =	stream.linear.gather [hbm4b:s23+s4], $0x100, $0x38;
	[tilespmem:$0x1FA00] =	vst v63  }
0x8d: {  	_ =	swait.ge [sflag:s13], $0x3C00  }
0x8e: {  	[sflag:s13] =	ssyncset.done $0x0  }
0x8f: {  	s18 =	simm.s32 $0xB480;
	[sflag:s13] =	ssyncadd.s32 $0xFFFFC400  }
0x90: {  	[spmem:s2] =	stream.indirect.scatter.add.f32 [tilespmem:s4], [sflag:$0x4], $0x80, s18, s30, $0xb8;
	[tilespmem:$0x1FA00] =	vst v63  }
0x91: {  	_ =	swait.ge [sflag:s15], $0x100  }
0x92: {  	[sflag:s15] =	ssyncset.done $0x0  }
0x93: {  	p0 =	por $0x0, $0x0;
	s14 =	simm.s32 $0xC00;
	[sflag:s15] =	ssyncadd.s32 $0xFFFFFF00  }
0x94: {  	s14 =	simm.s32 @p0 $0x0;
	_ =	swait.ge [sflag:s16], $0x3C00  }
0x95: {  	s14 =	sadd.s32 s7, s14;
	[sflag:s16] =	ssyncset.done $0x0  }
0x96: {  	s14 =	sshrl.u32 s14, $0x3;
	s6 =	simm.s32 $0xB700;
	[sflag:s16] =	ssyncadd.s32 $0xFFFFC400  }
0x97: {  	[tilespmem:s4], [sflag:$0x1] =	stream.indirect.gather [hbm4b:s1+s30], $0x80, s6, s30, $0xb8;
	[tilespmem:$0x1FA00] =	vst v63  }
0x98: {  	s14 =	sadd.s32 s5, s14  }
0x99: {  	[tilespmem:s26], [sflag:$0x7] =	stream.linear.gather [hbm4b:s14+s4], $0x100, $0x38;
	[tilespmem:$0x1FA00] =	vst v63  }
0x9a: {  	_ =	swait.ge [sflag:s17], $0x3C00  }
0x9b: {  	[sflag:s17] =	ssyncset.done $0x0  }
0x9c: {  	[sflag:s17] =	ssyncadd.s32 $0xFFFFC400  }
0x9d: {  	[spmem:s2] =	stream.indirect.scatter.add.f32 [tilespmem:s3], [sflag:$0x5], $0x80, s29, s30, $0xb8;
	[tilespmem:$0x1FA00] =	vst v63  }
0x9e: {  	_ =	swait.ge [sflag:s19], $0x100  }
0x9f: {  	[sflag:s19] =	ssyncset.done $0x0  }
0xa0: {  	s14 =	simm.s32 $0xD00;
	[sflag:s19] =	ssyncadd.s32 $0xFFFFFF00  }
0xa1: {  	s14 =	simm.s32 @p0 $0x100;
	_ =	swait.ge [sflag:s8], $0x3C00  }
0xa2: {  	s14 =	sadd.s32 s7, s14;
	[sflag:s8] =	ssyncset.done $0x0  }
0xa3: {  	s14 =	sshrl.u32 s14, $0x3;
	[sflag:s8] =	ssyncadd.s32 $0xFFFFC400  }
0xa4: {  	[tilespmem:s3], [sflag:$0x2] =	stream.indirect.gather [hbm4b:s1+s30], $0x80, s12, s30, $0xb8;
	[tilespmem:$0x1FA00] =	vst v63  }
0xa5: {  	s14 =	sadd.s32 s5, s14  }
0xa6: {  	[tilespmem:s25], [sflag:$0x8] =	stream.linear.gather [hbm4b:s14+s4], $0x100, $0x38;
	[tilespmem:$0x1FA00] =	vst v63  }
0xa7: {  	_ =	swait.ge [sflag:s9], $0x3C00  }
0xa8: {  	[sflag:s9] =	ssyncset.done $0x0  }
0xa9: {  	s29 =	simm.s32 $0xB680;
	[sflag:s9] =	ssyncadd.s32 $0xFFFFC400  }
0xaa: {  	[spmem:s2] =	stream.indirect.scatter.add.f32 [tilespmem:s11], [sflag:$0x6], $0x80, s29, s30, $0xb8;
	[tilespmem:$0x1FA00] =	vst v63  }
0xab: {  	_ =	swait.ge [sflag:s21], $0x100  }
0xac: {  	[sflag:s21] =	ssyncset.done $0x0  }
0xad: {  	s14 =	simm.s32 $0xE00;
	[sflag:s21] =	ssyncadd.s32 $0xFFFFFF00  }
0xae: {  	s14 =	simm.s32 @p0 $0x200;
	_ =	swait.ge [sflag:s22], $0x3C00  }
0xaf: {  	s14 =	sadd.s32 s7, s14;
	[sflag:s22] =	ssyncset.done $0x0  }
0xb0: {  	s14 =	sshrl.u32 s14, $0x3;
	[sflag:s22] =	ssyncadd.s32 $0xFFFFC400  }
0xb1: {  	[tilespmem:s11], [sflag:$0x3] =	stream.indirect.gather [hbm4b:s1+s30], $0x80, s31, s30, $0xb8;
	[tilespmem:$0x1FA00] =	vst v63  }
0xb2: {  	s20 =	sadd.s32 $0xC0, s20;
	s24 =	sadd.s32 $0xC0, s24;
	s14 =	sadd.s32 s5, s14  }
0xb3: {  	[tilespmem:s28], [sflag:$0x9] =	stream.linear.gather [hbm4b:s14+s4], $0x100, $0x38;
	[tilespmem:$0x1FA00] =	vst v63  }
0xb4: {  	s23 =	sadd.s32 $0xC0, s23;
	s18 =	simm.s32 $0x1400;
	_ =	swait.ge [sflag:s13], $0x3C00  }
.LBB2_2:
0xb5: {  	p0 =	sne.s32 s18, $0x5600  }
0xb6: {  	[sflag:s13] =	ssyncset.done $0x0;
	s14 =	smov.u32 s18;
	s18 =	sadd.s32 $0x600, s18  }
0xb7: {  	s29 =	simm.s32 $0xB780;
	[sflag:s13] =	ssyncadd.s32 $0xFFFFC400  }
0xb8: {  	[spmem:s2] =	stream.indirect.scatter.add.f32 [tilespmem:s4], [sflag:$0x4], $0x80, s29, s30, $0xb8;
	[tilespmem:$0x1FA00] =	vst v63  }
0xb9: {  	s29 =	simm.s32 $0x7  }
0xba: {  	_ =	swait.ge [sflag:s29], $0x100  }
0xbb: {  	[sflag:s29] =	ssyncset.done $0x0  }
0xbc: {  	[sflag:s29] =	ssyncadd.s32 $0xFFFFFF00  }
0xbd: {  	_ =	swait.ge [sflag:s16], $0x3C00  }
0xbe: {  	[sflag:s16] =	ssyncset.done $0x0  }
0xbf: {  	[sflag:s16] =	ssyncadd.s32 $0xFFFFC400  }
0xc0: {  	[tilespmem:s4], [sflag:$0x1] =	stream.indirect.gather [hbm4b:s1+s30], $0x80, s26, s30, $0xb8;
	[tilespmem:$0x1FA00] =	vst v63  }
0xc1: {  	_ = 	snop  }
0xc2: {  	[tilespmem:s6], [sflag:$0xA] =	stream.linear.gather [hbm4b:s20+s4], $0x100, $0x38;
	[tilespmem:$0x1FA00] =	vst v63  }
0xc3: {  	_ =	swait.ge [sflag:s17], $0x3C00  }
0xc4: {  	[sflag:s17] =	ssyncset.done $0x0  }
0xc5: {  	s26 =	simm.s32 $0xB880;
	[sflag:s17] =	ssyncadd.s32 $0xFFFFC400  }
0xc6: {  	[spmem:s2] =	stream.indirect.scatter.add.f32 [tilespmem:s3], [sflag:$0x5], $0x80, s26, s30, $0xb8;
	[tilespmem:$0x1FA00] =	vst v63  }
0xc7: {  	_ =	swait.ge [sflag:s0], $0x100  }
0xc8: {  	[sflag:s0] =	ssyncset.done $0x0  }
0xc9: {  	[sflag:s0] =	ssyncadd.s32 $0xFFFFFF00  }
0xca: {  	_ =	swait.ge [sflag:s8], $0x3C00  }
0xcb: {  	[sflag:s8] =	ssyncset.done $0x0  }
0xcc: {  	[sflag:s8] =	ssyncadd.s32 $0xFFFFC400  }
0xcd: {  	[tilespmem:s3], [sflag:$0x2] =	stream.indirect.gather [hbm4b:s1+s30], $0x80, s25, s30, $0xb8;
	[tilespmem:$0x1FA00] =	vst v63  }
0xce: {  	_ = 	snop  }
0xcf: {  	[tilespmem:s12], [sflag:$0xB] =	stream.linear.gather [hbm4b:s24+s4], $0x100, $0x38;
	[tilespmem:$0x1FA00] =	vst v63  }
0xd0: {  	_ =	swait.ge [sflag:s9], $0x3C00  }
0xd1: {  	[sflag:s9] =	ssyncset.done $0x0  }
0xd2: {  	s25 =	simm.s32 $0xB980;
	[sflag:s9] =	ssyncadd.s32 $0xFFFFC400  }
0xd3: {  	[spmem:s2] =	stream.indirect.scatter.add.f32 [tilespmem:s11], [sflag:$0x6], $0x80, s25, s30, $0xb8;
	[tilespmem:$0x1FA00] =	vst v63  }
0xd4: {  	_ =	swait.ge [sflag:s10], $0x100  }
0xd5: {  	[sflag:s10] =	ssyncset.done $0x0  }
0xd6: {  	[sflag:s10] =	ssyncadd.s32 $0xFFFFFF00  }
0xd7: {  	_ =	swait.ge [sflag:s22], $0x3C00  }
0xd8: {  	[sflag:s22] =	ssyncset.done $0x0  }
0xd9: {  	[sflag:s22] =	ssyncadd.s32 $0xFFFFC400  }
0xda: {  	[tilespmem:s11], [sflag:$0x3] =	stream.indirect.gather [hbm4b:s1+s30], $0x80, s28, s30, $0xb8;
	[tilespmem:$0x1FA00] =	vst v63  }
0xdb: {  	_ = 	snop  }
0xdc: {  	[tilespmem:s31], [sflag:$0xC] =	stream.linear.gather [hbm4b:s23+s4], $0x100, $0x38;
	[tilespmem:$0x1FA00] =	vst v63  }
0xdd: {  	_ =	swait.ge [sflag:s13], $0x3C00  }
0xde: {  	[sflag:s13] =	ssyncset.done $0x0  }
0xdf: {  	s25 =	simm.s32 $0xB480;
	[sflag:s13] =	ssyncadd.s32 $0xFFFFC400  }
0xe0: {  	[spmem:s2] =	stream.indirect.scatter.add.f32 [tilespmem:s4], [sflag:$0x4], $0x80, s25, s30, $0xb8;
	[tilespmem:$0x1FA00] =	vst v63  }
0xe1: {  	p1 =	seq.s32 s14, $0x5600;
	_ =	swait.ge [sflag:s15], $0x100  }
0xe2: {  	s31 =	simm.s32 $0xB500;
	s25 =	sadd.s32 $0xFFFFFF00, s14;
	[sflag:s15] =	ssyncset.done $0x0  }
0xe3: {  	s26 =	sadd.s32 $0xFFFFFE00, s14;
	s28 =	simm.s32 $0xB400;
	[sflag:s15] =	ssyncadd.s32 $0xFFFFFF00  }
0xe4: {  	s26 =	simm.s32 @p1 $0x0;
	s25 =	simm.s32 @p1 $0x100;
	_ =	swait.ge [sflag:s16], $0x3C00  }
0xe5: {  	s26 =	sadd.s32 s7, s26;
	s25 =	sadd.s32 s7, s25;
	[sflag:s16] =	ssyncset.done $0x0  }
0xe6: {  	s26 =	sshrl.u32 s26, $0x3;
	s14 =	simm.s32 @p1 $0x200;
	[sflag:s16] =	ssyncadd.s32 $0xFFFFC400  }
0xe7: {  	s26 =	sadd.s32 s5, s26;
	s14 =	sadd.s32 s7, s14  }
0xe8: {  	[tilespmem:s4], [sflag:$0x1] =	stream.indirect.gather [hbm4b:s1+s30], $0x80, s6, s30, $0xb8;
	[tilespmem:$0x1FA00] =	vst v63  }
0xe9: {  	_ = 	snop  }
0xea: {  	[tilespmem:s28], [sflag:$0x7] =	stream.linear.gather [hbm4b:s26+s4], $0x100, $0x38;
	[tilespmem:$0x1FA00] =	vst v63  }
0xeb: {  	s28 =	simm.s32 $0xB600;
	s26 =	simm.s32 $0xB400  }
0xec: {  	_ =	swait.ge [sflag:s17], $0x3C00  }
0xed: {  	[sflag:s17] =	ssyncset.done $0x0  }
0xee: {  	s29 =	simm.s32 $0xB580;
	[sflag:s17] =	ssyncadd.s32 $0xFFFFC400  }
0xef: {  	[spmem:s2] =	stream.indirect.scatter.add.f32 [tilespmem:s3], [sflag:$0x5], $0x80, s29, s30, $0xb8;
	[tilespmem:$0x1FA00] =	vst v63  }
0xf0: {  	_ =	swait.ge [sflag:s19], $0x100  }
0xf1: {  	[sflag:s19] =	ssyncset.done $0x0  }
0xf2: {  	[sflag:s19] =	ssyncadd.s32 $0xFFFFFF00  }
0xf3: {  	s25 =	sshrl.u32 s25, $0x3;
	_ =	swait.ge [sflag:s8], $0x3C00  }
0xf4: {  	s25 =	sadd.s32 s5, s25;
	[sflag:s8] =	ssyncset.done $0x0  }
0xf5: {  	[sflag:s8] =	ssyncadd.s32 $0xFFFFC400  }
0xf6: {  	[tilespmem:s3], [sflag:$0x2] =	stream.indirect.gather [hbm4b:s1+s30], $0x80, s12, s30, $0xb8;
	[tilespmem:$0x1FA00] =	vst v63  }
0xf7: {  	_ = 	snop  }
0xf8: {  	[tilespmem:s31], [sflag:$0x8] =	stream.linear.gather [hbm4b:s25+s4], $0x100, $0x38;
	[tilespmem:$0x1FA00] =	vst v63  }
0xf9: {  	s31 =	simm.s32 $0xB900;
	s25 =	simm.s32 $0xB500  }
0xfa: {  	_ =	swait.ge [sflag:s9], $0x3C00  }
0xfb: {  	[sflag:s9] =	ssyncset.done $0x0  }
0xfc: {  	s29 =	simm.s32 $0xB680;
	[sflag:s9] =	ssyncadd.s32 $0xFFFFC400  }
0xfd: {  	[spmem:s2] =	stream.indirect.scatter.add.f32 [tilespmem:s11], [sflag:$0x6], $0x80, s29, s30, $0xb8;
	[tilespmem:$0x1FA00] =	vst v63  }
0xfe: {  	_ =	swait.ge [sflag:s21], $0x100  }
0xff: {  	[sflag:s21] =	ssyncset.done $0x0  }
0x100: {  	[sflag:s21] =	ssyncadd.s32 $0xFFFFFF00  }
0x101: {  	s14 =	sshrl.u32 s14, $0x3;
	_ =	swait.ge [sflag:s22], $0x3C00  }
0x102: {  	s14 =	sadd.s32 s5, s14;
	[sflag:s22] =	ssyncset.done $0x0  }
.Ltmp0:
0x103: {  	[sflag:s22] =	ssyncadd.s32 $0xFFFFC400;
	(pc) =	sbr.rel @p0 .LBB2_2-.Ltmp0, $4  }
0x104: {  	[tilespmem:s11], [sflag:$0x3] =	stream.indirect.gather [hbm4b:s1+s30], $0x80, s31, s30, $0xb8;
	[tilespmem:$0x1FA00] =	vst v63  }
0x105: {  	s20 =	sadd.s32 $0xC0, s20  }
0x106: {  	[tilespmem:s28], [sflag:$0x9] =	stream.linear.gather [hbm4b:s14+s4], $0x100, $0x38;
	[tilespmem:$0x1FA00] =	vst v63  }
0x107: {  	s24 =	sadd.s32 $0xC0, s24;
	s23 =	sadd.s32 $0xC0, s23;
	_ =	swait.ge [sflag:s13], $0x3C00  }
0x108: {  	[sflag:s13] =	ssyncset.done $0x0  }
0x109: {  	s6 =	simm.s32 $0xB780;
	[sflag:s13] =	ssyncadd.s32 $0xFFFFC400  }
0x10a: {  	[spmem:s2] =	stream.indirect.scatter.add.f32 [tilespmem:s4], [sflag:$0x4], $0x80, s6, s30, $0xb8;
	[tilespmem:$0x1FA00] =	vst v63  }
0x10b: {  	_ =	swait.ge [sflag:s17], $0x3C00  }
0x10c: {  	[sflag:s17] =	ssyncset.done $0x0  }
0x10d: {  	s18 =	simm.s32 $0xB880;
	[sflag:s17] =	ssyncadd.s32 $0xFFFFC400  }
0x10e: {  	[spmem:s2] =	stream.indirect.scatter.add.f32 [tilespmem:s3], [sflag:$0x5], $0x80, s18, s30, $0xb8;
	[tilespmem:$0x1FA00] =	vst v63  }
0x10f: {  	_ =	swait.ge [sflag:s9], $0x3C00  }
0x110: {  	[sflag:s9] =	ssyncset.done $0x0  }
0x111: {  	s20 =	simm.s32 $0xB980;
	[sflag:s9] =	ssyncadd.s32 $0xFFFFC400  }
0x112: {  	[spmem:s2] =	stream.indirect.scatter.add.f32 [tilespmem:s11], [sflag:$0x6], $0x80, s20, s30, $0xb8;
	[tilespmem:$0x1FA00] =	vst v63  }
0x113: {  	_ =	swait.ge [sflag:s16], $0x3C00  }
0x114: {  	[sflag:s16] =	ssyncset.done $0x0  }
0x115: {  	[sflag:s16] =	ssyncadd.s32 $0xFFFFC400  }
0x116: {  	_ =	swait.ge [sflag:s8], $0x3C00  }
0x117: {  	[sflag:s8] =	ssyncset.done $0x0  }
0x118: {  	[sflag:s8] =	ssyncadd.s32 $0xFFFFC400  }
0x119: {  	_ =	swait.ge [sflag:s22], $0x3C00  }
0x11a: {  	[sflag:s22] =	ssyncset.done $0x0  }
0x11b: {  	s23 =	simm.s32 $0x7;
	[sflag:s22] =	ssyncadd.s32 $0xFFFFC400  }
0x11c: {  	_ =	swait.ge [sflag:s23], $0x100  }
0x11d: {  	[sflag:s23] =	ssyncset.done $0x0  }
0x11e: {  	[sflag:s23] =	ssyncadd.s32 $0xFFFFFF00  }
0x11f: {  	_ =	swait.ge [sflag:s0], $0x100  }
0x120: {  	[sflag:s0] =	ssyncset.done $0x0  }
0x121: {  	[sflag:s0] =	ssyncadd.s32 $0xFFFFFF00  }
0x122: {  	_ =	swait.ge [sflag:s10], $0x100  }
0x123: {  	[sflag:s10] =	ssyncset.done $0x0  }
0x124: {  	[sflag:s10] =	ssyncadd.s32 $0xFFFFFF00  }
0x125: {  	[bflag:$0x0] =	sbarrier.arrive $0xFFFF  }
0x126: {  	s18 =	rddreg [dreg:$0x6]  }
0x127: {  	s14 =	rddreg [dreg:$0xf]  }
0x128: {  	s23 =	simm.s32 $0xD;
	s20 =	rddreg [dreg:$0x14]  }
0x129: {  	[hbm:s14], [sflag:s18] =	dma.local [spmem:s20], $0x2800  }
0x12a: {  	_ =	swait.ge [sflag:s23], $0x2800  }
0x12b: {  	s29 =	rddreg [dreg:$0x15]  }
0x12c: {  	s24 =	rddreg [dreg:$0x10];
	s29 =	sadd.s32 $0x1, s29  }
0x12d: {  	p0 =	sne.s32 s29, s24  }
.Ltmp1:
0x12e: {  	_ = 	snop;
	(pc) =	sbr.rel @p0 .LBB2_1-.Ltmp1, $3  }
0x12f: {  	_ =	sdelay $0x1  }
0x130: {  	s12 =	simm.s32 $0xB800;
	[sflag:s23] =	ssyncset.done $0x0  }
0x131: {  	s6 =	simm.s32 $0xB700;
	[sflag:s23] =	ssyncadd.s32 $0xFFFFD800;
	s24 =	simm.s32 $0xB480  }
0x132: {  	_ =	sfence.sel $0x180000  }
0x133: {  	[bflag:$0x0] =	sbarrier.arrive $0xFFFF  }
0x134: {  	_ =	strace $0x9000004A  }
0x135: {  	s0 =	stileid.u32;
	[bflag:$0x2] =	sbarrier.arrive $0xFFFF  }
0x136: {  	p0 =	sne.s32 s0, $0x0;
	s0 =	rddreg [dreg:$0x3]  }
0x137: {  	s0 =	sadd.s32 @!p0 $0x100000, s0  }
0x138: {  	[sflag:s0] =	ssyncadd.tile.s32 @!p0 $0x1;
	_ =	shalt  }
.Lfunc_end2:
_tile_overlayer_lowered:
.L_overlay_start_2:
0x139: {  	(tag) =	ssettag $0x2  }
0x13a: {  	s0 =	rddreg [dreg:$0x0];
	s2 =	stileid.u32  }
0x13b: {  	s1 =	rddreg [dreg:$0x1];
	p0 =	sne.s32 s2, $0x0  }
0x13c: {  	s3 =	rddreg [dreg:$0x2];
	[bflag:$0x3] =	sbarrier.arrive $0xFFFF;
	s2 =	simm.s32 @!p0 $0x1C0D  }
0x13d: {  	[timem:s3], [sflag:s2] =	dma.local @!p0 [hbm:s0], s1  }
0x13e: {  	s0 =	simm.s32 @!p0 $0xD  }
0x13f: {  	_ =	swait.ge @!p0 [sflag:s0], s1  }
0x140: {  	s1 =	ssub.s32 @!p0 $0x0, s1;
	[sflag:s0] =	ssyncset.done @!p0 $0x0  }
0x141: {  	[sflag:s0] =	ssyncadd.s32 @!p0 s1  }
0x142: {  	[bflag:$0x3] =	sbarrier.arrive $0xFFFF  }
0x143: {  	_ =	shalt  }

// kernel: kernel.14.cloned.1.call-start
scs
__scs_entry_jumppad:
0x0: {  	(pc) =	sbr.rel $0x88, $3  }
0x1: {  	(tag) =	ssettag $0x0;
	lr =	simm.s32 $0x1  }
0x2: {  	[smem:$0x3F9B] =	sst lr;
	_ =	strace $0xD0000000  }
0x3: {  	_ = 	snop  }
0x4: {  	_ = 	snop  }
0x5: {  	_ = 	snop  }
0x6: {  	_ = 	snop  }
0x7: {  	_ = 	snop  }
__scs_overlays_trampoline_lowered:
0x8: {  	[smem:$0x3FAA] =	sst s0  }
0x9: {  	[smem:$0x3FAB] =	sst s1  }
0xa: {  	[smem:$0x3FAC] =	sst s2  }
0xb: {  	[smem:$0x3FAD] =	sst s3  }
0xc: {  	[smem:$0x3FAE] =	sst s4  }
0xd: {  	[smem:$0x3FAF] =	sst s5  }
0xe: {  	[smem:$0x3FB0] =	sst s6  }
0xf: {  	[smem:$0x3FB1] =	sst s7  }
0x10: {  	[smem:$0x3FB2] =	sst s8  }
0x11: {  	[smem:$0x3FB3] =	sst s9;
	s0 =	simm.s32 @!p0 $0x0  }
0x12: {  	s1 =	sld [smem:$0x3F99];
	s0 =	simm.s32 @p0 $0x1  }
0x13: {  	[smem:$0x3FB4] =	sst s0;
	s0 =	simm.s32 @!p1 $0x0  }
0x14: {  	s2 =	sld [smem:$0x3F98];
	s0 =	simm.s32 @p1 $0x1  }
0x15: {  	[smem:$0x3FB5] =	sst s0;
	s0 =	simm.s32 @!p2 $0x0  }
0x16: {  	s3 =	sld [smem:$0x3FDB];
	s0 =	simm.s32 @p2 $0x1  }
0x17: {  	s4 =	simm.s32 $0x1BF5;
	[smem:$0x3FB7] =	sst s0  }
0x18: {  	s0 =	sld [smem:$0x3F9A];
	_ =	swait.ge [sflag:s4], $0x0  }
0x19: {  	s7 =	sld [smem:$0x3F9B]  }
0x1a: {  	s8 =	sadd.s32 $0xFFFFE003, lr  }
0x1b: {  	s9 =	sadd.s32 $0xFFFFFEF7, lr;
	s5 =	simm.s32 $0xFFFFFFFF;
	p2 =	slt.u32 s8, $0xFFFFF086  }
0x1c: {  	p1 =	slt.u32 s9, $0xF7A;
	s5 =	simm.s32 @!p2 $0x0  }
0x1d: {  	s5 =	simm.s32 @p1 $0x1;
	p0 =	seq.s32 s7, s2  }
0x1e: {  	s7 =	smul.u32 @!p0 $0xF7A, s2;
	p2 =	seq.s32 @!p0 s5, $0x0  }
0x1f: {  	s9 =	smul.u32 $0xF7A, s1;
	s8 =	simm.s32 @!p0 $0x1BF5;
	p2 =	por !p2, p0  }
0x20: {  	[sflag:s8] =	ssyncset.s32 @!p0 $0xFFFFF086;
	s6 =	sadd.s32 @!p0 s3, s7;
	s7 =	simm.s32 @!p0 $0x108  }
0x21: {  	s3 =	sadd.s32 s3, s9;
	s6 =	sadd.s32 @!p0 $0x88, s6;
	s7 =	simm.s32 @p2 $0x1082  }
0x22: {  	[simem:s7], [sflag:s8] =	dma.local @!p0 [hbm:s6], $0xF7A  }
0x23: {  	s9 =	sor.u32 $0xD0000000, s2;
	s6 =	simm.s32 $0x108;
	_ =	swait.ge @!p0 [sflag:s8], $0x0  }
0x24: {  	s3 =	sadd.s32 $0x88, s3;
	s6 =	simm.s32 @!p1 $0x1082;
	[sflag:s4] =	ssyncset.s32 $0xFFFFF086  }
0x25: {  	[simem:s6], [sflag:s4] =	dma.local [hbm:s3], $0xF7A  }
0x26: {  	[smem:$0x3F9B] =	sst s1;
	(tag) =	ssettag s2;
	_ =	strace s9  }
0x27: {  	s1 =	sld [smem:$0x3FAB]  }
0x28: {  	s2 =	sld [smem:$0x3FAC]  }
0x29: {  	s4 =	sld [smem:$0x3FAE]  }
0x2a: {  	p0 =	seq.s32 s5, $0x0;
	s5 =	sld [smem:$0x3FAF]  }
0x2b: {  	s6 =	sld [smem:$0x3FB0]  }
0x2c: {  	s7 =	sld [smem:$0x3FB1]  }
0x2d: {  	s3 =	simm.s32 $0x108;
	s8 =	sld [smem:$0x3FB2]  }
0x2e: {  	s3 =	simm.s32 @!p0 $0x1082;
	s9 =	sld [smem:$0x3FB3]  }
0x2f: {  	lr =	sadd.s32 s0, s3;
	s0 =	sld [smem:$0x3FAA]  }
0x30: {  	s3 =	sld [smem:$0x3FAD]  }
0x31: {  	[smem:$0x3FB6] =	sst s10  }
0x32: {  	s10 =	sld [smem:$0x3FB4];
	_ =	sdelay $0x3  }
0x33: {  	p0 =	seq.s32 s10, $0x1;
	s10 =	sld [smem:$0x3FB6];
	_ =	sdelay $0x3  }
0x34: {  	[smem:$0x3FB6] =	sst s10  }
0x35: {  	s10 =	sld [smem:$0x3FB5];
	_ =	sdelay $0x3  }
0x36: {  	p1 =	seq.s32 s10, $0x1;
	s10 =	sld [smem:$0x3FB6];
	_ =	sdelay $0x3  }
0x37: {  	[smem:$0x3FB6] =	sst s10  }
0x38: {  	s10 =	sld [smem:$0x3FB7]  }
0x39: {  	_ = 	snop;
	(pc) =	sbr.ind lr, $3  }
0x3a: {  	_ = 	snop  }
0x3b: {  	_ = 	snop  }
0x3c: {  	p2 =	seq.s32 s10, $0x1;
	s10 =	sld [smem:$0x3FB6]  }
0x3d: {  	_ =	shalt  }
0x3e: {  	_ =	shalt  }
0x3f: {  	_ =	shalt  }
0x40: {  	_ =	shalt  }
0x41: {  	_ =	shalt  }
0x42: {  	_ =	shalt  }
0x43: {  	_ =	shalt  }
0x44: {  	_ =	shalt  }
0x45: {  	_ =	shalt  }
0x46: {  	_ =	shalt  }
0x47: {  	_ =	shalt  }
0x48: {  	_ =	shalt  }
0x49: {  	_ =	shalt  }
0x4a: {  	_ =	shalt  }
0x4b: {  	_ =	shalt  }
0x4c: {  	_ =	shalt  }
0x4d: {  	_ =	shalt  }
0x4e: {  	_ =	shalt  }
0x4f: {  	_ =	shalt  }
0x50: {  	_ =	shalt  }
0x51: {  	_ =	shalt  }
0x52: {  	_ =	shalt  }
0x53: {  	_ =	shalt  }
0x54: {  	_ =	shalt  }
0x55: {  	_ =	shalt  }
0x56: {  	_ =	shalt  }
0x57: {  	_ =	shalt  }
0x58: {  	_ =	shalt  }
0x59: {  	_ =	shalt  }
0x5a: {  	_ =	shalt  }
0x5b: {  	_ =	shalt  }
0x5c: {  	_ =	shalt  }
0x5d: {  	_ =	shalt  }
0x5e: {  	_ =	shalt  }
0x5f: {  	_ =	shalt  }
0x60: {  	_ =	shalt  }
0x61: {  	_ =	shalt  }
0x62: {  	_ =	shalt  }
0x63: {  	_ =	shalt  }
0x64: {  	_ =	shalt  }
0x65: {  	_ =	shalt  }
0x66: {  	_ =	shalt  }
0x67: {  	_ =	shalt  }
0x68: {  	_ =	shalt  }
0x69: {  	_ =	shalt  }
0x6a: {  	_ =	shalt  }
0x6b: {  	_ =	shalt  }
0x6c: {  	_ =	shalt  }
0x6d: {  	_ =	shalt  }
0x6e: {  	_ =	shalt  }
0x6f: {  	_ =	shalt  }
0x70: {  	_ =	shalt  }
0x71: {  	_ =	shalt  }
0x72: {  	_ =	shalt  }
0x73: {  	_ =	shalt  }
0x74: {  	_ =	shalt  }
0x75: {  	_ =	shalt  }
0x76: {  	_ =	shalt  }
0x77: {  	_ =	shalt  }
0x78: {  	_ =	shalt  }
0x79: {  	_ =	shalt  }
0x7a: {  	_ =	shalt  }
0x7b: {  	_ =	shalt  }
0x7c: {  	_ =	shalt  }
0x7d: {  	_ =	shalt  }
0x7e: {  	_ =	shalt  }
0x7f: {  	_ =	shalt  }
0x80: {  	_ =	shalt  }
0x81: {  	_ =	shalt  }
0x82: {  	_ =	shalt  }
0x83: {  	_ =	shalt  }
0x84: {  	_ =	shalt  }
0x85: {  	_ =	shalt  }
0x86: {  	_ =	shalt  }
0x87: {  	_ =	shalt  }
.Lfunc_end0:
.L_simem_size_0:
called_computation.2_lowered:
.L_overlay_start_0:
0x88: {  	s2 =	sld [smem:$0x3FD9]  }
0x89: {  	s3 =	sld [smem:$0x3FFE];
	_ =	sdelay $0x1  }
0x8a: {  	s1 =	srdreg.scid  }
0x8b: {  	s0 =	sand.u32 $0x1, s1  }
0x8c: {  	s17 =	sshll.u32 s0, $0xA;
	s2 =	sadd.s32 s3, s2  }
0x8d: {  	s2 =	sadd.s32 s2, s17  }
0x8e: {  	[smem:$0x3FC2] =	sst s2  }
0x8f: {  	_ = 	snop  }
0x90: {  	s2 =	sld [smem:$0x3FD0];
	(tm) =	ssettm $0x1  }
0x91: {  	s18 =	sld [smem:$0x3FFB];
	_ =	sdelay $0x3  }
0x92: {  	_ =	strace s18  }
0x93: {  	s3 =	sld [smem:$0x3FFC];
	_ =	sdelay $0x3  }
0x94: {  	_ =	strace s3  }
0x95: {  	s3 =	sld [smem:$0x3FFD];
	_ =	sdelay $0x3  }
0x96: {  	_ =	strace s3  }
0x97: {  	_ =	strace $0x8FFFFFFF  }
0x98: {  	s19 =	sld [smem:$0x3FDB];
	_ =	sdelay $0x1  }
0x99: {  	s4 =	simm.s32 $_scs_section_size  }
0x9a: {  	s5 =	simm.s32 $_size__tile_overlayer_lowered;
	s6 =	simm.s32 $_tile_overlayer_lowered  }
0x9b: {  	s22 =	simm.s32 $0x1BFF;
	s21 =	sshll.u32 s6, $0x1;
	s3 =	sadd.s32 s4, s19  }
0x9c: {  	s7 =	simm.s32 $0x0;
	s20 =	sshll.u32 s5, $0x1;
	s5 =	sadd.s32 s21, s3  }
0x9d: {  	[timem:s7], [sflag:s22] =	dma.local [hbm:s5], s20  }
0x9e: {  	_ =	swait.ge [sflag:s22], s20  }
0x9f: {  	s4 =	ssub.s32 $0x0, s20;
	[sflag:s22] =	ssyncset.done $0x0  }
0xa0: {  	[sflag:s22] =	ssyncadd.s32 s4;
	_ =	sdelay $0x1  }
0xa1: {  	s23 =	simm.s32 $0x1B8B  }
0xa2: {  	_ =	swait.ge [sflag:s23], $0x1  }
0xa3: {  	[sflag:s23] =	ssyncset.done $0x0  }
0xa4: {  	s25 =	simm.s32 $0x1B8E;
	s24 =	sld [smem:$0x3FFE];
	[sflag:s23] =	ssyncadd.s32 $0xFFFFFFFF  }
0xa5: {  	s26 =	simm.s32 $execute0_lowered;
	[smem:$0x3FD2] =	sst s25  }
0xa6: {  	s5 =	sshll.u32 s26, $0x1;
	_ =	strace $0x8000004C;
	[dreg:$0x1] =	wrdreg $0xFFFFFFFF  }
0xa7: {  	s28 =	simm.s32 $_size_execute0_lowered;
	s3 =	sadd.s32 s3, s5;
	[dreg:$0x0] =	wrdreg $0x0  }
0xa8: {  	s5 =	sshll.u32 s28, $0x1;
	[dreg:$0x2] =	wrdreg s3  }
0xa9: {  	[dreg:$0x3] =	wrdreg s5  }
0xaa: {  	[dreg:$0x4] =	wrdreg $0xC0  }
0xab: {  	_ =	task [dreg:s7], $0x5FFFF  }
0xac: {  	[dreg:$0x1] =	wrdreg $0xFFFFFFFF  }
0xad: {  	[dreg:$0x0] =	wrdreg $0x60  }
0xae: {  	[dreg:$0x2] =	wrdreg s2  }
0xaf: {  	[dreg:$0x3] =	wrdreg s24  }
0xb0: {  	[dreg:$0x4] =	wrdreg $0xBA000  }
0xb1: {  	[dreg:$0x5] =	wrdreg $0x9  }
0xb2: {  	_ =	task.clear_ibuf [dreg:s7], $0x6FFFF;
	_ =	strace $0x9000004C  }
0xb3: {  	s29 =	simm.s32 $0x9;
	_ =	strace $0x8000004E  }
0xb4: {  	_ =	swait.ge [sflag:s29], $0x1  }
0xb5: {  	[sflag:s29] =	ssyncadd.s32 $0xFFFFFFFF  }
0xb6: {  	_ =	strace $0x9000004E  }
0xb7: {  	_ =	sfence  }
0xb8: {  	s30 =	sld [smem:$0x0];
	_ =	sdelay $0x2  }
0xb9: {  	s31 =	sshll.u32 s1, $0xD;
	s1 =	sshrl.u32 s1, $0x2  }
0xba: {  	s3 =	sand.u32 $0x4000, s31;
	s1 =	sadd.s32 s1, s30  }
0xbb: {  	s0 =	sor.u32 s3, s0;
	s1 =	sshll.u32 s1, $0x11  }
0xbc: {  	s0 =	sor.u32 s1, s0  }
0xbd: {  	s0 =	sadd.s32 $0x8F2B, s0  }
0xbe: {  	[sflag:s0] =	ssyncadd.remote.s32 $0x1  }
0xbf: {  	_ =	sfence.sel $0xFFFF  }
0xc0: {  	[dreg:$0x0] =	wrdreg $0xFFFFFFFF;
	(pc) =	sbr.abs _section_cstart, $3  }
0xc1: {  	[dreg:$0x1] =	wrdreg $0xFFFFFFFF  }
0xc2: {  	_ =	task.clear_ibuf [dreg:s7], $0x2FFFF;
	_ =	strace $0x9FFFFFFF  }
0xc3: {  	(tm) =	ssettm $0x7FFFFFFF  }
tec
execute0_lowered:
.L_overlay_start_1:
0x0: {  	(tag) =	ssettag $0x1  }
0x1: {  	s1 =	rddreg [dreg:$0x0]  }
0x2: {  	s0 =	rddreg [dreg:$0x1]  }
0x3: {  	s2 =	rddreg [dreg:$0x2];
	s4 =	simm.s32 $0x0;
	s3 =	srdreg.scid  }
0x4: {  	s11 =	stileid.u32;
	s28 =	simm.s32 $0xB600;
	s30 =	simm.s32 $0x78  }
0x5: {  	s31 =	simm.s32 $0xB900;
	s29 =	simm.s32 $0x0;
	[smem:$0x7FF] =	sst s4  }
0x6: {  	s3 =	sand.u32 $0x1, s3;
	s7 =	smul.u32 $0x14000, s11;
	s8 =	sshll.u32 s11, $0x1  }
0x7: {  	s5 =	sadd.s32 $0x4800, s0;
	s9 =	sadd.s32 $0x67C00, s0;
	s10 =	smul.u32 $0x50000, s11  }
0x8: {  	s26 =	sshll.u32 s11, $0x6;
	s16 =	smul.u32 $0xA800, s11;
	s11 =	simm.s32 $0x7800  }
0x9: {  	s6 =	smul.u32 $0x140000, s3;
	_ =	strace $0x8000004D;
	[dreg:$0x4] =	wrdreg s9  }
0xa: {  	s8 =	sor.u32 s3, s8;
	s21 =	ssub.s32 $0x2, s3;
	s18 =	sor.u32 $0x1C0D, s26  }
0xb: {  	s3 =	smul.u32 $0x5400, s3;
	s9 =	simm.s32 $0x3;
	s22 =	sshrl.u32 s21, $0x1  }
0xc: {  	s25 =	sshrl.u32 s10, $0x2;
	s6 =	sadd.s32 s7, s6;
	s7 =	smul.u32 $0x5400, s8  }
0xd: {  	s10 =	simm.s32 $0x9;
	[dreg:$0x6] =	wrdreg s18;
	s23 =	ssub.s32 s21, s22  }
0xe: {  	s6 =	sshrl.u32 s6, $0x3;
	s23 =	smax.u32 s23, $0x1;
	s24 =	sshrl.u32 s7, $0x3  }
0xf: {  	s0 =	sadd.s32 s6, s0;
	[dreg:$0x10] =	wrdreg s23;
	s12 =	sadd.s32 s5, s24  }
0x10: {  	s8 =	sadd.s32 s25, s2;
	s0 =	sadd.s32 $0x6A400, s0;
	[dreg:$0x5] =	wrdreg s12  }
0x11: {  	s23 =	simm.s32 $0xD;
	s13 =	sadd.s32 $0x20, s12;
	[dreg:$0xf] =	wrdreg s0  }
0x12: {  	s24 =	sadd.s32 s3, s16;
	s14 =	sadd.s32 $0x40, s12;
	[dreg:$0x7] =	wrdreg s13  }
0x13: {  	s16 =	simm.s32 $0x4;
	s15 =	sadd.s32 $0x60, s12;
	[dreg:$0x8] =	wrdreg s14  }
0x14: {  	s17 =	sadd.s32 $0x80, s12;
	s19 =	sadd.s32 $0xA0, s12;
	[dreg:$0x9] =	wrdreg s15  }
0x15: {  	s20 =	sadd.s32 $0xC0, s12;
	s21 =	sadd.s32 $0xE0, s12;
	[dreg:$0xa] =	wrdreg s17  }
0x16: {  	s22 =	sadd.s32 $0x100, s12;
	s3 =	sadd.s32 $0xB00, s24;
	[dreg:$0xb] =	wrdreg s19  }
0x17: {  	s25 =	sadd.s32 $0xA00, s24;
	s0 =	sadd.s32 $0x900, s24;
	[dreg:$0xc] =	wrdreg s20  }
0x18: {  	s12 =	simm.s32 $0xB800;
	s24 =	simm.s32 $0xB480;
	[dreg:$0xd] =	wrdreg s21  }
0x19: {  	[dreg:$0xe] =	wrdreg s22;
	s3 =	sshrl.u32 s3, $0x3;
	s6 =	sshrl.u32 s25, $0x3  }
0x1a: {  	s0 =	sshrl.u32 s0, $0x3;
	s20 =	sshrl.u32 s8, $0x3;
	s25 =	simm.s32 $0xB500  }
0x1b: {  	s13 =	simm.s32 $0x1;
	s15 =	simm.s32 $0xA;
	s17 =	simm.s32 $0x2  }
0x1c: {  	s19 =	simm.s32 $0xB;
	s3 =	sadd.s32 s3, s5;
	[dreg:$0x14] =	wrdreg s20  }
0x1d: {  	s8 =	simm.s32 $0x5;
	s26 =	sadd.s32 s6, s5;
	[dreg:$0x11] =	wrdreg s3  }
0x1e: {  	s21 =	simm.s32 $0xC;
	s0 =	sadd.s32 s0, s5;
	[dreg:$0x12] =	wrdreg s26  }
0x1f: {  	s22 =	simm.s32 $0x6;
	s6 =	simm.s32 $0xB700;
	[dreg:$0x13] =	wrdreg s0  }
0x20: {  	s26 =	simm.s32 $0xB400;
	s0 =	simm.s32 $0x8;
	s3 =	simm.s32 $0x3C00  }
.LBB2_1:
0x21: {  	[dreg:$0x15] =	wrdreg s29  }
0x22: {  	s14 =	rddreg [dreg:$0x4]  }
0x23: {  	[spmem:s20], [sflag:s18] =	dma.local [hbm:s14], $0x2800  }
0x24: {  	_ =	swait.ge [sflag:s23], $0x2800  }
0x25: {  	[sflag:s23] =	ssyncset.done $0x0  }
0x26: {  	[sflag:s23] =	ssyncadd.s32 $0xFFFFD800;
	s23 =	rddreg [dreg:$0x5]  }
0x27: {  	[tilespmem:s26], [sflag:$0x7] =	stream.linear.gather [hbm4b:s23+s4], $0x100, $0x38;
	[tilespmem:$0x1FA00] =	vst v63  }
0x28: {  	s29 =	rddreg [dreg:$0x7]  }
0x29: {  	[tilespmem:s25], [sflag:$0x8] =	stream.linear.gather [hbm4b:s29+s4], $0x100, $0x38;
	[tilespmem:$0x1FA00] =	vst v63  }
0x2a: {  	s18 =	rddreg [dreg:$0x8]  }
0x2b: {  	[tilespmem:s28], [sflag:$0x9] =	stream.linear.gather [hbm4b:s18+s4], $0x100, $0x38;
	[tilespmem:$0x1FA00] =	vst v63  }
0x2c: {  	s18 =	simm.s32 $0x7;
	[bflag:$0x0] =	sbarrier.arrive $0xFFFF  }
0x2d: {  	_ =	swait.ge [sflag:s18], $0x100  }
0x2e: {  	[sflag:s18] =	ssyncset.done $0x0  }
0x2f: {  	[sflag:s18] =	ssyncadd.s32 $0xFFFFFF00  }
0x30: {  	[tilespmem:s4], [sflag:$0x1] =	stream.indirect.gather [hbm4b:s1+s30], $0x80, s26, s30, $0xb8;
	[tilespmem:$0x1FA00] =	vst v63  }
0x31: {  	s20 =	rddreg [dreg:$0x9]  }
0x32: {  	[tilespmem:s6], [sflag:$0xA] =	stream.linear.gather [hbm4b:s20+s4], $0x100, $0x38;
	[tilespmem:$0x1FA00] =	vst v63  }
0x33: {  	_ =	swait.ge [sflag:s0], $0x100  }
0x34: {  	[sflag:s0] =	ssyncset.done $0x0  }
0x35: {  	[sflag:s0] =	ssyncadd.s32 $0xFFFFFF00  }
0x36: {  	[tilespmem:s3], [sflag:$0x2] =	stream.indirect.gather [hbm4b:s1+s30], $0x80, s25, s30, $0xb8;
	[tilespmem:$0x1FA00] =	vst v63  }
0x37: {  	s23 =	rddreg [dreg:$0xa]  }
0x38: {  	[tilespmem:s12], [sflag:$0xB] =	stream.linear.gather [hbm4b:s23+s4], $0x100, $0x38;
	[tilespmem:$0x1FA00] =	vst v63  }
0x39: {  	_ =	swait.ge [sflag:s10], $0x100  }
0x3a: {  	[sflag:s10] =	ssyncset.done $0x0  }
0x3b: {  	[sflag:s10] =	ssyncadd.s32 $0xFFFFFF00  }
0x3c: {  	[tilespmem:s11], [sflag:$0x3] =	stream.indirect.gather [hbm4b:s1+s30], $0x80, s28, s30, $0xb8;
	[tilespmem:$0x1FA00] =	vst v63  }
0x3d: {  	s29 =	rddreg [dreg:$0xb]  }
0x3e: {  	[tilespmem:s31], [sflag:$0xC] =	stream.linear.gather [hbm4b:s29+s4], $0x100, $0x38;
	[tilespmem:$0x1FA00] =	vst v63  }
0x3f: {  	_ =	swait.ge [sflag:s13], $0x3C00  }
0x40: {  	[sflag:s13] =	ssyncset.done $0x0  }
0x41: {  	[sflag:s13] =	ssyncadd.s32 $0xFFFFC400  }
0x42: {  	[spmem:s2] =	stream.indirect.scatter.add.f32 [tilespmem:s4], [sflag:$0x4], $0x80, s24, s30, $0xb8;
	[tilespmem:$0x1FA00] =	vst v63  }
0x43: {  	_ =	swait.ge [sflag:s15], $0x100  }
0x44: {  	[sflag:s15] =	ssyncset.done $0x0  }
0x45: {  	[sflag:s15] =	ssyncadd.s32 $0xFFFFFF00  }
0x46: {  	_ =	swait.ge [sflag:s16], $0x3C00  }
0x47: {  	[sflag:s16] =	ssyncset.done $0x0  }
0x48: {  	[sflag:s16] =	ssyncadd.s32 $0xFFFFC400  }
0x49: {  	[tilespmem:s4], [sflag:$0x1] =	stream.indirect.gather [hbm4b:s1+s30], $0x80, s6, s30, $0xb8;
	[tilespmem:$0x1FA00] =	vst v63  }
0x4a: {  	s20 =	rddreg [dreg:$0xc]  }
0x4b: {  	[tilespmem:s26], [sflag:$0x7] =	stream.linear.gather [hbm4b:s20+s4], $0x100, $0x38;
	[tilespmem:$0x1FA00] =	vst v63  }
0x4c: {  	_ =	swait.ge [sflag:s17], $0x3C00  }
0x4d: {  	[sflag:s17] =	ssyncset.done $0x0  }
0x4e: {  	s29 =	simm.s32 $0xB580;
	[sflag:s17] =	ssyncadd.s32 $0xFFFFC400  }
0x4f: {  	[spmem:s2] =	stream.indirect.scatter.add.f32 [tilespmem:s3], [sflag:$0x5], $0x80, s29, s30, $0xb8;
	[tilespmem:$0x1FA00] =	vst v63  }
0x50: {  	_ =	swait.ge [sflag:s19], $0x100  }
0x51: {  	[sflag:s19] =	ssyncset.done $0x0  }
0x52: {  	[sflag:s19] =	ssyncadd.s32 $0xFFFFFF00  }
0x53: {  	_ =	swait.ge [sflag:s8], $0x3C00  }
0x54: {  	[sflag:s8] =	ssyncset.done $0x0  }
0x55: {  	[sflag:s8] =	ssyncadd.s32 $0xFFFFC400  }
0x56: {  	[tilespmem:s3], [sflag:$0x2] =	stream.indirect.gather [hbm4b:s1+s30], $0x80, s12, s30, $0xb8;
	[tilespmem:$0x1FA00] =	vst v63  }
0x57: {  	s23 =	rddreg [dreg:$0xd]  }
0x58: {  	[tilespmem:s25], [sflag:$0x8] =	stream.linear.gather [hbm4b:s23+s4], $0x100, $0x38;
	[tilespmem:$0x1FA00] =	vst v63  }
0x59: {  	_ =	swait.ge [sflag:s9], $0x3C00  }
0x5a: {  	[sflag:s9] =	ssyncset.done $0x0  }
0x5b: {  	s24 =	simm.s32 $0xB680;
	[sflag:s9] =	ssyncadd.s32 $0xFFFFC400  }
0x5c: {  	[spmem:s2] =	stream.indirect.scatter.add.f32 [tilespmem:s11], [sflag:$0x6], $0x80, s24, s30, $0xb8;
	[tilespmem:$0x1FA00] =	vst v63  }
0x5d: {  	_ =	swait.ge [sflag:s21], $0x100  }
0x5e: {  	[sflag:s21] =	ssyncset.done $0x0  }
0x5f: {  	[sflag:s21] =	ssyncadd.s32 $0xFFFFFF00  }
0x60: {  	_ =	swait.ge [sflag:s22], $0x3C00  }
0x61: {  	[sflag:s22] =	ssyncset.done $0x0  }
0x62: {  	[sflag:s22] =	ssyncadd.s32 $0xFFFFC400  }
0x63: {  	[tilespmem:s11], [sflag:$0x3] =	stream.indirect.gather [hbm4b:s1+s30], $0x80, s31, s30, $0xb8;
	[tilespmem:$0x1FA00] =	vst v63  }
0x64: {  	s12 =	rddreg [dreg:$0xe]  }
0x65: {  	[tilespmem:s28], [sflag:$0x9] =	stream.linear.gather [hbm4b:s12+s4], $0x100, $0x38;
	[tilespmem:$0x1FA00] =	vst v63  }
0x66: {  	_ =	swait.ge [sflag:s13], $0x3C00  }
0x67: {  	[sflag:s13] =	ssyncset.done $0x0  }
0x68: {  	s14 =	simm.s32 $0xB780;
	[sflag:s13] =	ssyncadd.s32 $0xFFFFC400  }
0x69: {  	[spmem:s2] =	stream.indirect.scatter.add.f32 [tilespmem:s4], [sflag:$0x4], $0x80, s14, s30, $0xb8;
	[tilespmem:$0x1FA00] =	vst v63  }
0x6a: {  	_ =	swait.ge [sflag:s18], $0x100  }
0x6b: {  	[sflag:s18] =	ssyncset.done $0x0  }
0x6c: {  	[sflag:s18] =	ssyncadd.s32 $0xFFFFFF00  }
0x6d: {  	_ =	swait.ge [sflag:s16], $0x3C00  }
0x6e: {  	[sflag:s16] =	ssyncset.done $0x0  }
0x6f: {  	[sflag:s16] =	ssyncadd.s32 $0xFFFFC400  }
0x70: {  	[tilespmem:s4], [sflag:$0x1] =	stream.indirect.gather [hbm4b:s1+s30], $0x80, s26, s30, $0xb8;
	[tilespmem:$0x1FA00] =	vst v63  }
0x71: {  	s20 =	rddreg [dreg:$0x13]  }
0x72: {  	[tilespmem:s6], [sflag:$0xA] =	stream.linear.gather [hbm4b:s20+s4], $0x100, $0x38;
	[tilespmem:$0x1FA00] =	vst v63  }
0x73: {  	_ =	swait.ge [sflag:s17], $0x3C00  }
0x74: {  	[sflag:s17] =	ssyncset.done $0x0  }
0x75: {  	s18 =	simm.s32 $0xB880;
	[sflag:s17] =	ssyncadd.s32 $0xFFFFC400  }
0x76: {  	[spmem:s2] =	stream.indirect.scatter.add.f32 [tilespmem:s3], [sflag:$0x5], $0x80, s18, s30, $0xb8;
	[tilespmem:$0x1FA00] =	vst v63  }
0x77: {  	_ =	swait.ge [sflag:s0], $0x100  }
0x78: {  	[sflag:s0] =	ssyncset.done $0x0  }
0x79: {  	[sflag:s0] =	ssyncadd.s32 $0xFFFFFF00  }
0x7a: {  	_ =	swait.ge [sflag:s8], $0x3C00  }
0x7b: {  	[sflag:s8] =	ssyncset.done $0x0  }
0x7c: {  	[sflag:s8] =	ssyncadd.s32 $0xFFFFC400  }
0x7d: {  	[tilespmem:s3], [sflag:$0x2] =	stream.indirect.gather [hbm4b:s1+s30], $0x80, s25, s30, $0xb8;
	[tilespmem:$0x1FA00] =	vst v63  }
0x7e: {  	s12 =	simm.s32 $0xB800;
	s24 =	rddreg [dreg:$0x12]  }
0x7f: {  	[tilespmem:s12], [sflag:$0xB] =	stream.linear.gather [hbm4b:s24+s4], $0x100, $0x38;
	[tilespmem:$0x1FA00] =	vst v63  }
0x80: {  	_ =	swait.ge [sflag:s9], $0x3C00  }
0x81: {  	[sflag:s9] =	ssyncset.done $0x0  }
0x82: {  	s23 =	simm.s32 $0xB980;
	[sflag:s9] =	ssyncadd.s32 $0xFFFFC400  }
0x83: {  	[spmem:s2] =	stream.indirect.scatter.add.f32 [tilespmem:s11], [sflag:$0x6], $0x80, s23, s30, $0xb8;
	[tilespmem:$0x1FA00] =	vst v63  }
0x84: {  	_ =	swait.ge [sflag:s10], $0x100  }
0x85: {  	[sflag:s10] =	ssyncset.done $0x0  }
0x86: {  	[sflag:s10] =	ssyncadd.s32 $0xFFFFFF00  }
0x87: {  	_ =	swait.ge [sflag:s22], $0x3C00  }
0x88: {  	[sflag:s22] =	ssyncset.done $0x0  }
0x89: {  	[sflag:s22] =	ssyncadd.s32 $0xFFFFC400  }
0x8a: {  	[tilespmem:s11], [sflag:$0x3] =	stream.indirect.gather [hbm4b:s1+s30], $0x80, s28, s30, $0xb8;
	[tilespmem:$0x1FA00] =	vst v63  }
0x8b: {  	s23 =	rddreg [dreg:$0x11]  }
0x8c: {  	[tilespmem:s31], [sflag:$0xC] =	stream.linear.gather [hbm4b:s23+s4], $0x100, $0x38;
	[tilespmem:$0x1FA00] =	vst v63  }
0x8d: {  	_ =	swait.ge [sflag:s13], $0x3C00  }
0x8e: {  	[sflag:s13] =	ssyncset.done $0x0  }
0x8f: {  	s18 =	simm.s32 $0xB480;
	[sflag:s13] =	ssyncadd.s32 $0xFFFFC400  }
0x90: {  	[spmem:s2] =	stream.indirect.scatter.add.f32 [tilespmem:s4], [sflag:$0x4], $0x80, s18, s30, $0xb8;
	[tilespmem:$0x1FA00] =	vst v63  }
0x91: {  	_ =	swait.ge [sflag:s15], $0x100  }
0x92: {  	[sflag:s15] =	ssyncset.done $0x0  }
0x93: {  	p0 =	por $0x0, $0x0;
	s14 =	simm.s32 $0xC00;
	[sflag:s15] =	ssyncadd.s32 $0xFFFFFF00  }
0x94: {  	s14 =	simm.s32 @p0 $0x0;
	_ =	swait.ge [sflag:s16], $0x3C00  }
0x95: {  	s14 =	sadd.s32 s7, s14;
	[sflag:s16] =	ssyncset.done $0x0  }
0x96: {  	s14 =	sshrl.u32 s14, $0x3;
	s6 =	simm.s32 $0xB700;
	[sflag:s16] =	ssyncadd.s32 $0xFFFFC400  }
0x97: {  	[tilespmem:s4], [sflag:$0x1] =	stream.indirect.gather [hbm4b:s1+s30], $0x80, s6, s30, $0xb8;
	[tilespmem:$0x1FA00] =	vst v63  }
0x98: {  	s14 =	sadd.s32 s5, s14  }
0x99: {  	[tilespmem:s26], [sflag:$0x7] =	stream.linear.gather [hbm4b:s14+s4], $0x100, $0x38;
	[tilespmem:$0x1FA00] =	vst v63  }
0x9a: {  	_ =	swait.ge [sflag:s17], $0x3C00  }
0x9b: {  	[sflag:s17] =	ssyncset.done $0x0  }
0x9c: {  	[sflag:s17] =	ssyncadd.s32 $0xFFFFC400  }
0x9d: {  	[spmem:s2] =	stream.indirect.scatter.add.f32 [tilespmem:s3], [sflag:$0x5], $0x80, s29, s30, $0xb8;
	[tilespmem:$0x1FA00] =	vst v63  }
0x9e: {  	_ =	swait.ge [sflag:s19], $0x100  }
0x9f: {  	[sflag:s19] =	ssyncset.done $0x0  }
0xa0: {  	s14 =	simm.s32 $0xD00;
	[sflag:s19] =	ssyncadd.s32 $0xFFFFFF00  }
0xa1: {  	s14 =	simm.s32 @p0 $0x100;
	_ =	swait.ge [sflag:s8], $0x3C00  }
0xa2: {  	s14 =	sadd.s32 s7, s14;
	[sflag:s8] =	ssyncset.done $0x0  }
0xa3: {  	s14 =	sshrl.u32 s14, $0x3;
	[sflag:s8] =	ssyncadd.s32 $0xFFFFC400  }
0xa4: {  	[tilespmem:s3], [sflag:$0x2] =	stream.indirect.gather [hbm4b:s1+s30], $0x80, s12, s30, $0xb8;
	[tilespmem:$0x1FA00] =	vst v63  }
0xa5: {  	s14 =	sadd.s32 s5, s14  }
0xa6: {  	[tilespmem:s25], [sflag:$0x8] =	stream.linear.gather [hbm4b:s14+s4], $0x100, $0x38;
	[tilespmem:$0x1FA00] =	vst v63  }
0xa7: {  	_ =	swait.ge [sflag:s9], $0x3C00  }
0xa8: {  	[sflag:s9] =	ssyncset.done $0x0  }
0xa9: {  	s29 =	simm.s32 $0xB680;
	[sflag:s9] =	ssyncadd.s32 $0xFFFFC400  }
0xaa: {  	[spmem:s2] =	stream.indirect.scatter.add.f32 [tilespmem:s11], [sflag:$0x6], $0x80, s29, s30, $0xb8;
	[tilespmem:$0x1FA00] =	vst v63  }
0xab: {  	_ =	swait.ge [sflag:s21], $0x100  }
0xac: {  	[sflag:s21] =	ssyncset.done $0x0  }
0xad: {  	s14 =	simm.s32 $0xE00;
	[sflag:s21] =	ssyncadd.s32 $0xFFFFFF00  }
0xae: {  	s14 =	simm.s32 @p0 $0x200;
	_ =	swait.ge [sflag:s22], $0x3C00  }
0xaf: {  	s14 =	sadd.s32 s7, s14;
	[sflag:s22] =	ssyncset.done $0x0  }
0xb0: {  	s14 =	sshrl.u32 s14, $0x3;
	[sflag:s22] =	ssyncadd.s32 $0xFFFFC400  }
0xb1: {  	[tilespmem:s11], [sflag:$0x3] =	stream.indirect.gather [hbm4b:s1+s30], $0x80, s31, s30, $0xb8;
	[tilespmem:$0x1FA00] =	vst v63  }
0xb2: {  	s20 =	sadd.s32 $0xC0, s20;
	s24 =	sadd.s32 $0xC0, s24;
	s14 =	sadd.s32 s5, s14  }
0xb3: {  	[tilespmem:s28], [sflag:$0x9] =	stream.linear.gather [hbm4b:s14+s4], $0x100, $0x38;
	[tilespmem:$0x1FA00] =	vst v63  }
0xb4: {  	s23 =	sadd.s32 $0xC0, s23;
	s18 =	simm.s32 $0x1400;
	_ =	swait.ge [sflag:s13], $0x3C00  }
.LBB2_2:
0xb5: {  	p0 =	sne.s32 s18, $0x5600  }
0xb6: {  	[sflag:s13] =	ssyncset.done $0x0;
	s14 =	smov.u32 s18;
	s18 =	sadd.s32 $0x600, s18  }
0xb7: {  	s29 =	simm.s32 $0xB780;
	[sflag:s13] =	ssyncadd.s32 $0xFFFFC400  }
0xb8: {  	[spmem:s2] =	stream.indirect.scatter.add.f32 [tilespmem:s4], [sflag:$0x4], $0x80, s29, s30, $0xb8;
	[tilespmem:$0x1FA00] =	vst v63  }
0xb9: {  	s29 =	simm.s32 $0x7  }
0xba: {  	_ =	swait.ge [sflag:s29], $0x100  }
0xbb: {  	[sflag:s29] =	ssyncset.done $0x0  }
0xbc: {  	[sflag:s29] =	ssyncadd.s32 $0xFFFFFF00  }
0xbd: {  	_ =	swait.ge [sflag:s16], $0x3C00  }
0xbe: {  	[sflag:s16] =	ssyncset.done $0x0  }
0xbf: {  	[sflag:s16] =	ssyncadd.s32 $0xFFFFC400  }
0xc0: {  	[tilespmem:s4], [sflag:$0x1] =	stream.indirect.gather [hbm4b:s1+s30], $0x80, s26, s30, $0xb8;
	[tilespmem:$0x1FA00] =	vst v63  }
0xc1: {  	_ = 	snop  }
0xc2: {  	[tilespmem:s6], [sflag:$0xA] =	stream.linear.gather [hbm4b:s20+s4], $0x100, $0x38;
	[tilespmem:$0x1FA00] =	vst v63  }
0xc3: {  	_ =	swait.ge [sflag:s17], $0x3C00  }
0xc4: {  	[sflag:s17] =	ssyncset.done $0x0  }
0xc5: {  	s26 =	simm.s32 $0xB880;
	[sflag:s17] =	ssyncadd.s32 $0xFFFFC400  }
0xc6: {  	[spmem:s2] =	stream.indirect.scatter.add.f32 [tilespmem:s3], [sflag:$0x5], $0x80, s26, s30, $0xb8;
	[tilespmem:$0x1FA00] =	vst v63  }
0xc7: {  	_ =	swait.ge [sflag:s0], $0x100  }
0xc8: {  	[sflag:s0] =	ssyncset.done $0x0  }
0xc9: {  	[sflag:s0] =	ssyncadd.s32 $0xFFFFFF00  }
0xca: {  	_ =	swait.ge [sflag:s8], $0x3C00  }
0xcb: {  	[sflag:s8] =	ssyncset.done $0x0  }
0xcc: {  	[sflag:s8] =	ssyncadd.s32 $0xFFFFC400  }
0xcd: {  	[tilespmem:s3], [sflag:$0x2] =	stream.indirect.gather [hbm4b:s1+s30], $0x80, s25, s30, $0xb8;
	[tilespmem:$0x1FA00] =	vst v63  }
0xce: {  	_ = 	snop  }
0xcf: {  	[tilespmem:s12], [sflag:$0xB] =	stream.linear.gather [hbm4b:s24+s4], $0x100, $0x38;
	[tilespmem:$0x1FA00] =	vst v63  }
0xd0: {  	_ =	swait.ge [sflag:s9], $0x3C00  }
0xd1: {  	[sflag:s9] =	ssyncset.done $0x0  }
0xd2: {  	s25 =	simm.s32 $0xB980;
	[sflag:s9] =	ssyncadd.s32 $0xFFFFC400  }
0xd3: {  	[spmem:s2] =	stream.indirect.scatter.add.f32 [tilespmem:s11], [sflag:$0x6], $0x80, s25, s30, $0xb8;
	[tilespmem:$0x1FA00] =	vst v63  }
0xd4: {  	_ =	swait.ge [sflag:s10], $0x100  }
0xd5: {  	[sflag:s10] =	ssyncset.done $0x0  }
0xd6: {  	[sflag:s10] =	ssyncadd.s32 $0xFFFFFF00  }
0xd7: {  	_ =	swait.ge [sflag:s22], $0x3C00  }
0xd8: {  	[sflag:s22] =	ssyncset.done $0x0  }
0xd9: {  	[sflag:s22] =	ssyncadd.s32 $0xFFFFC400  }
0xda: {  	[tilespmem:s11], [sflag:$0x3] =	stream.indirect.gather [hbm4b:s1+s30], $0x80, s28, s30, $0xb8;
	[tilespmem:$0x1FA00] =	vst v63  }
0xdb: {  	_ = 	snop  }
0xdc: {  	[tilespmem:s31], [sflag:$0xC] =	stream.linear.gather [hbm4b:s23+s4], $0x100, $0x38;
	[tilespmem:$0x1FA00] =	vst v63  }
0xdd: {  	_ =	swait.ge [sflag:s13], $0x3C00  }
0xde: {  	[sflag:s13] =	ssyncset.done $0x0  }
0xdf: {  	s25 =	simm.s32 $0xB480;
	[sflag:s13] =	ssyncadd.s32 $0xFFFFC400  }
0xe0: {  	[spmem:s2] =	stream.indirect.scatter.add.f32 [tilespmem:s4], [sflag:$0x4], $0x80, s25, s30, $0xb8;
	[tilespmem:$0x1FA00] =	vst v63  }
0xe1: {  	p1 =	seq.s32 s14, $0x5600;
	_ =	swait.ge [sflag:s15], $0x100  }
0xe2: {  	s31 =	simm.s32 $0xB500;
	s25 =	sadd.s32 $0xFFFFFF00, s14;
	[sflag:s15] =	ssyncset.done $0x0  }
0xe3: {  	s26 =	sadd.s32 $0xFFFFFE00, s14;
	s28 =	simm.s32 $0xB400;
	[sflag:s15] =	ssyncadd.s32 $0xFFFFFF00  }
0xe4: {  	s26 =	simm.s32 @p1 $0x0;
	s25 =	simm.s32 @p1 $0x100;
	_ =	swait.ge [sflag:s16], $0x3C00  }
0xe5: {  	s26 =	sadd.s32 s7, s26;
	s25 =	sadd.s32 s7, s25;
	[sflag:s16] =	ssyncset.done $0x0  }
0xe6: {  	s26 =	sshrl.u32 s26, $0x3;
	s14 =	simm.s32 @p1 $0x200;
	[sflag:s16] =	ssyncadd.s32 $0xFFFFC400  }
0xe7: {  	s26 =	sadd.s32 s5, s26;
	s14 =	sadd.s32 s7, s14  }
0xe8: {  	[tilespmem:s4], [sflag:$0x1] =	stream.indirect.gather [hbm4b:s1+s30], $0x80, s6, s30, $0xb8;
	[tilespmem:$0x1FA00] =	vst v63  }
0xe9: {  	_ = 	snop  }
0xea: {  	[tilespmem:s28], [sflag:$0x7] =	stream.linear.gather [hbm4b:s26+s4], $0x100, $0x38;
	[tilespmem:$0x1FA00] =	vst v63  }
0xeb: {  	s28 =	simm.s32 $0xB600;
	s26 =	simm.s32 $0xB400  }
0xec: {  	_ =	swait.ge [sflag:s17], $0x3C00  }
0xed: {  	[sflag:s17] =	ssyncset.done $0x0  }
0xee: {  	s29 =	simm.s32 $0xB580;
	[sflag:s17] =	ssyncadd.s32 $0xFFFFC400  }
0xef: {  	[spmem:s2] =	stream.indirect.scatter.add.f32 [tilespmem:s3], [sflag:$0x5], $0x80, s29, s30, $0xb8;
	[tilespmem:$0x1FA00] =	vst v63  }
0xf0: {  	_ =	swait.ge [sflag:s19], $0x100  }
0xf1: {  	[sflag:s19] =	ssyncset.done $0x0  }
0xf2: {  	[sflag:s19] =	ssyncadd.s32 $0xFFFFFF00  }
0xf3: {  	s25 =	sshrl.u32 s25, $0x3;
	_ =	swait.ge [sflag:s8], $0x3C00  }
0xf4: {  	s25 =	sadd.s32 s5, s25;
	[sflag:s8] =	ssyncset.done $0x0  }
0xf5: {  	[sflag:s8] =	ssyncadd.s32 $0xFFFFC400  }
0xf6: {  	[tilespmem:s3], [sflag:$0x2] =	stream.indirect.gather [hbm4b:s1+s30], $0x80, s12, s30, $0xb8;
	[tilespmem:$0x1FA00] =	vst v63  }
0xf7: {  	_ = 	snop  }
0xf8: {  	[tilespmem:s31], [sflag:$0x8] =	stream.linear.gather [hbm4b:s25+s4], $0x100, $0x38;
	[tilespmem:$0x1FA00] =	vst v63  }
0xf9: {  	s31 =	simm.s32 $0xB900;
	s25 =	simm.s32 $0xB500  }
0xfa: {  	_ =	swait.ge [sflag:s9], $0x3C00  }
0xfb: {  	[sflag:s9] =	ssyncset.done $0x0  }
0xfc: {  	s29 =	simm.s32 $0xB680;
	[sflag:s9] =	ssyncadd.s32 $0xFFFFC400  }
0xfd: {  	[spmem:s2] =	stream.indirect.scatter.add.f32 [tilespmem:s11], [sflag:$0x6], $0x80, s29, s30, $0xb8;
	[tilespmem:$0x1FA00] =	vst v63  }
0xfe: {  	_ =	swait.ge [sflag:s21], $0x100  }
0xff: {  	[sflag:s21] =	ssyncset.done $0x0  }
0x100: {  	[sflag:s21] =	ssyncadd.s32 $0xFFFFFF00  }
0x101: {  	s14 =	sshrl.u32 s14, $0x3;
	_ =	swait.ge [sflag:s22], $0x3C00  }
0x102: {  	s14 =	sadd.s32 s5, s14;
	[sflag:s22] =	ssyncset.done $0x0  }
.Ltmp0:
0x103: {  	[sflag:s22] =	ssyncadd.s32 $0xFFFFC400;
	(pc) =	sbr.rel @p0 .LBB2_2-.Ltmp0, $4  }
0x104: {  	[tilespmem:s11], [sflag:$0x3] =	stream.indirect.gather [hbm4b:s1+s30], $0x80, s31, s30, $0xb8;
	[tilespmem:$0x1FA00] =	vst v63  }
0x105: {  	s20 =	sadd.s32 $0xC0, s20  }
0x106: {  	[tilespmem:s28], [sflag:$0x9] =	stream.linear.gather [hbm4b:s14+s4], $0x100, $0x38;
	[tilespmem:$0x1FA00] =	vst v63  }
0x107: {  	s24 =	sadd.s32 $0xC0, s24;
	s23 =	sadd.s32 $0xC0, s23;
	_ =	swait.ge [sflag:s13], $0x3C00  }
0x108: {  	[sflag:s13] =	ssyncset.done $0x0  }
0x109: {  	s6 =	simm.s32 $0xB780;
	[sflag:s13] =	ssyncadd.s32 $0xFFFFC400  }
0x10a: {  	[spmem:s2] =	stream.indirect.scatter.add.f32 [tilespmem:s4], [sflag:$0x4], $0x80, s6, s30, $0xb8;
	[tilespmem:$0x1FA00] =	vst v63  }
0x10b: {  	_ =	swait.ge [sflag:s17], $0x3C00  }
0x10c: {  	[sflag:s17] =	ssyncset.done $0x0  }
0x10d: {  	s18 =	simm.s32 $0xB880;
	[sflag:s17] =	ssyncadd.s32 $0xFFFFC400  }
0x10e: {  	[spmem:s2] =	stream.indirect.scatter.add.f32 [tilespmem:s3], [sflag:$0x5], $0x80, s18, s30, $0xb8;
	[tilespmem:$0x1FA00] =	vst v63  }
0x10f: {  	_ =	swait.ge [sflag:s9], $0x3C00  }
0x110: {  	[sflag:s9] =	ssyncset.done $0x0  }
0x111: {  	s20 =	simm.s32 $0xB980;
	[sflag:s9] =	ssyncadd.s32 $0xFFFFC400  }
0x112: {  	[spmem:s2] =	stream.indirect.scatter.add.f32 [tilespmem:s11], [sflag:$0x6], $0x80, s20, s30, $0xb8;
	[tilespmem:$0x1FA00] =	vst v63  }
0x113: {  	_ =	swait.ge [sflag:s16], $0x3C00  }
0x114: {  	[sflag:s16] =	ssyncset.done $0x0  }
0x115: {  	[sflag:s16] =	ssyncadd.s32 $0xFFFFC400  }
0x116: {  	_ =	swait.ge [sflag:s8], $0x3C00  }
0x117: {  	[sflag:s8] =	ssyncset.done $0x0  }
0x118: {  	[sflag:s8] =	ssyncadd.s32 $0xFFFFC400  }
0x119: {  	_ =	swait.ge [sflag:s22], $0x3C00  }
0x11a: {  	[sflag:s22] =	ssyncset.done $0x0  }
0x11b: {  	s23 =	simm.s32 $0x7;
	[sflag:s22] =	ssyncadd.s32 $0xFFFFC400  }
0x11c: {  	_ =	swait.ge [sflag:s23], $0x100  }
0x11d: {  	[sflag:s23] =	ssyncset.done $0x0  }
0x11e: {  	[sflag:s23] =	ssyncadd.s32 $0xFFFFFF00  }
0x11f: {  	_ =	swait.ge [sflag:s0], $0x100  }
0x120: {  	[sflag:s0] =	ssyncset.done $0x0  }
0x121: {  	[sflag:s0] =	ssyncadd.s32 $0xFFFFFF00  }
0x122: {  	_ =	swait.ge [sflag:s10], $0x100  }
0x123: {  	[sflag:s10] =	ssyncset.done $0x0  }
0x124: {  	[sflag:s10] =	ssyncadd.s32 $0xFFFFFF00  }
0x125: {  	[bflag:$0x0] =	sbarrier.arrive $0xFFFF  }
0x126: {  	s18 =	rddreg [dreg:$0x6]  }
0x127: {  	s14 =	rddreg [dreg:$0xf]  }
0x128: {  	s23 =	simm.s32 $0xD;
	s20 =	rddreg [dreg:$0x14]  }
0x129: {  	[hbm:s14], [sflag:s18] =	dma.local [spmem:s20], $0x2800  }
0x12a: {  	_ =	swait.ge [sflag:s23], $0x2800  }
0x12b: {  	s29 =	rddreg [dreg:$0x15]  }
0x12c: {  	s24 =	rddreg [dreg:$0x10];
	s29 =	sadd.s32 $0x1, s29  }
0x12d: {  	p0 =	sne.s32 s29, s24  }
.Ltmp1:
0x12e: {  	_ = 	snop;
	(pc) =	sbr.rel @p0 .LBB2_1-.Ltmp1, $3  }
0x12f: {  	_ =	sdelay $0x1  }
0x130: {  	s12 =	simm.s32 $0xB800;
	[sflag:s23] =	ssyncset.done $0x0  }
0x131: {  	s6 =	simm.s32 $0xB700;
	[sflag:s23] =	ssyncadd.s32 $0xFFFFD800;
	s24 =	simm.s32 $0xB480  }
0x132: {  	_ =	sfence.sel $0x180000  }
0x133: {  	[bflag:$0x0] =	sbarrier.arrive $0xFFFF  }
0x134: {  	_ =	strace $0x9000004D  }
0x135: {  	s0 =	stileid.u32;
	[bflag:$0x2] =	sbarrier.arrive $0xFFFF  }
0x136: {  	p0 =	sne.s32 s0, $0x0;
	s0 =	rddreg [dreg:$0x3]  }
0x137: {  	s0 =	sadd.s32 @!p0 $0x100000, s0  }
0x138: {  	[sflag:s0] =	ssyncadd.tile.s32 @!p0 $0x1;
	_ =	shalt  }
.Lfunc_end2:
_tile_overlayer_lowered:
.L_overlay_start_2:
0x139: {  	(tag) =	ssettag $0x2  }
0x13a: {  	s0 =	rddreg [dreg:$0x0];
	s2 =	stileid.u32  }
0x13b: {  	s1 =	rddreg [dreg:$0x1];
	p0 =	sne.s32 s2, $0x0  }
0x13c: {  	s3 =	rddreg [dreg:$0x2];
	[bflag:$0x3] =	sbarrier.arrive $0xFFFF;
	s2 =	simm.s32 @!p0 $0x1C0D  }
0x13d: {  	[timem:s3], [sflag:s2] =	dma.local @!p0 [hbm:s0], s1  }
0x13e: {  	s0 =	simm.s32 @!p0 $0xD  }
0x13f: {  	_ =	swait.ge @!p0 [sflag:s0], s1  }
0x140: {  	s1 =	ssub.s32 @!p0 $0x0, s1;
	[sflag:s0] =	ssyncset.done @!p0 $0x0  }
0x141: {  	[sflag:s0] =	ssyncadd.s32 @!p0 s1  }
0x142: {  	[bflag:$0x3] =	sbarrier.arrive $0xFFFF  }
0x143: {  	_ =	shalt  }

// kernel: kernel.8.cloned.1.call-start
scs
__scs_entry_jumppad:
0x0: {  	(pc) =	sbr.rel $0x88, $3  }
0x1: {  	(tag) =	ssettag $0x0;
	lr =	simm.s32 $0x1  }
0x2: {  	[smem:$0x3F9B] =	sst lr;
	_ =	strace $0xD0000000  }
0x3: {  	_ = 	snop  }
0x4: {  	_ = 	snop  }
0x5: {  	_ = 	snop  }
0x6: {  	_ = 	snop  }
0x7: {  	_ = 	snop  }
__scs_overlays_trampoline_lowered:
0x8: {  	[smem:$0x3FAA] =	sst s0  }
0x9: {  	[smem:$0x3FAB] =	sst s1  }
0xa: {  	[smem:$0x3FAC] =	sst s2  }
0xb: {  	[smem:$0x3FAD] =	sst s3  }
0xc: {  	[smem:$0x3FAE] =	sst s4  }
0xd: {  	[smem:$0x3FAF] =	sst s5  }
0xe: {  	[smem:$0x3FB0] =	sst s6  }
0xf: {  	[smem:$0x3FB1] =	sst s7  }
0x10: {  	[smem:$0x3FB2] =	sst s8  }
0x11: {  	[smem:$0x3FB3] =	sst s9;
	s0 =	simm.s32 @!p0 $0x0  }
0x12: {  	s1 =	sld [smem:$0x3F99];
	s0 =	simm.s32 @p0 $0x1  }
0x13: {  	[smem:$0x3FB4] =	sst s0;
	s0 =	simm.s32 @!p1 $0x0  }
0x14: {  	s2 =	sld [smem:$0x3F98];
	s0 =	simm.s32 @p1 $0x1  }
0x15: {  	[smem:$0x3FB5] =	sst s0;
	s0 =	simm.s32 @!p2 $0x0  }
0x16: {  	s3 =	sld [smem:$0x3FDB];
	s0 =	simm.s32 @p2 $0x1  }
0x17: {  	s4 =	simm.s32 $0x1BF5;
	[smem:$0x3FB7] =	sst s0  }
0x18: {  	s0 =	sld [smem:$0x3F9A];
	_ =	swait.ge [sflag:s4], $0x0  }
0x19: {  	s7 =	sld [smem:$0x3F9B]  }
0x1a: {  	s8 =	sadd.s32 $0xFFFFE003, lr  }
0x1b: {  	s9 =	sadd.s32 $0xFFFFFEF7, lr;
	s5 =	simm.s32 $0xFFFFFFFF;
	p2 =	slt.u32 s8, $0xFFFFF086  }
0x1c: {  	p1 =	slt.u32 s9, $0xF7A;
	s5 =	simm.s32 @!p2 $0x0  }
0x1d: {  	s5 =	simm.s32 @p1 $0x1;
	p0 =	seq.s32 s7, s2  }
0x1e: {  	s7 =	smul.u32 @!p0 $0xF7A, s2;
	p2 =	seq.s32 @!p0 s5, $0x0  }
0x1f: {  	s9 =	smul.u32 $0xF7A, s1;
	s8 =	simm.s32 @!p0 $0x1BF5;
	p2 =	por !p2, p0  }
0x20: {  	[sflag:s8] =	ssyncset.s32 @!p0 $0xFFFFF086;
	s6 =	sadd.s32 @!p0 s3, s7;
	s7 =	simm.s32 @!p0 $0x108  }
0x21: {  	s3 =	sadd.s32 s3, s9;
	s6 =	sadd.s32 @!p0 $0x88, s6;
	s7 =	simm.s32 @p2 $0x1082  }
0x22: {  	[simem:s7], [sflag:s8] =	dma.local @!p0 [hbm:s6], $0xF7A  }
0x23: {  	s9 =	sor.u32 $0xD0000000, s2;
	s6 =	simm.s32 $0x108;
	_ =	swait.ge @!p0 [sflag:s8], $0x0  }
0x24: {  	s3 =	sadd.s32 $0x88, s3;
	s6 =	simm.s32 @!p1 $0x1082;
	[sflag:s4] =	ssyncset.s32 $0xFFFFF086  }
0x25: {  	[simem:s6], [sflag:s4] =	dma.local [hbm:s3], $0xF7A  }
0x26: {  	[smem:$0x3F9B] =	sst s1;
	(tag) =	ssettag s2;
	_ =	strace s9  }
0x27: {  	s1 =	sld [smem:$0x3FAB]  }
0x28: {  	s2 =	sld [smem:$0x3FAC]  }
0x29: {  	s4 =	sld [smem:$0x3FAE]  }
0x2a: {  	p0 =	seq.s32 s5, $0x0;
	s5 =	sld [smem:$0x3FAF]  }
0x2b: {  	s6 =	sld [smem:$0x3FB0]  }
0x2c: {  	s7 =	sld [smem:$0x3FB1]  }
0x2d: {  	s3 =	simm.s32 $0x108;
	s8 =	sld [smem:$0x3FB2]  }
0x2e: {  	s3 =	simm.s32 @!p0 $0x1082;
	s9 =	sld [smem:$0x3FB3]  }
0x2f: {  	lr =	sadd.s32 s0, s3;
	s0 =	sld [smem:$0x3FAA]  }
0x30: {  	s3 =	sld [smem:$0x3FAD]  }
0x31: {  	[smem:$0x3FB6] =	sst s10  }
0x32: {  	s10 =	sld [smem:$0x3FB4];
	_ =	sdelay $0x3  }
0x33: {  	p0 =	seq.s32 s10, $0x1;
	s10 =	sld [smem:$0x3FB6];
	_ =	sdelay $0x3  }
0x34: {  	[smem:$0x3FB6] =	sst s10  }
0x35: {  	s10 =	sld [smem:$0x3FB5];
	_ =	sdelay $0x3  }
0x36: {  	p1 =	seq.s32 s10, $0x1;
	s10 =	sld [smem:$0x3FB6];
	_ =	sdelay $0x3  }
0x37: {  	[smem:$0x3FB6] =	sst s10  }
0x38: {  	s10 =	sld [smem:$0x3FB7]  }
0x39: {  	_ = 	snop;
	(pc) =	sbr.ind lr, $3  }
0x3a: {  	_ = 	snop  }
0x3b: {  	_ = 	snop  }
0x3c: {  	p2 =	seq.s32 s10, $0x1;
	s10 =	sld [smem:$0x3FB6]  }
0x3d: {  	_ =	shalt  }
0x3e: {  	_ =	shalt  }
0x3f: {  	_ =	shalt  }
0x40: {  	_ =	shalt  }
0x41: {  	_ =	shalt  }
0x42: {  	_ =	shalt  }
0x43: {  	_ =	shalt  }
0x44: {  	_ =	shalt  }
0x45: {  	_ =	shalt  }
0x46: {  	_ =	shalt  }
0x47: {  	_ =	shalt  }
0x48: {  	_ =	shalt  }
0x49: {  	_ =	shalt  }
0x4a: {  	_ =	shalt  }
0x4b: {  	_ =	shalt  }
0x4c: {  	_ =	shalt  }
0x4d: {  	_ =	shalt  }
0x4e: {  	_ =	shalt  }
0x4f: {  	_ =	shalt  }
0x50: {  	_ =	shalt  }
0x51: {  	_ =	shalt  }
0x52: {  	_ =	shalt  }
0x53: {  	_ =	shalt  }
0x54: {  	_ =	shalt  }
0x55: {  	_ =	shalt  }
0x56: {  	_ =	shalt  }
0x57: {  	_ =	shalt  }
0x58: {  	_ =	shalt  }
0x59: {  	_ =	shalt  }
0x5a: {  	_ =	shalt  }
0x5b: {  	_ =	shalt  }
0x5c: {  	_ =	shalt  }
0x5d: {  	_ =	shalt  }
0x5e: {  	_ =	shalt  }
0x5f: {  	_ =	shalt  }
0x60: {  	_ =	shalt  }
0x61: {  	_ =	shalt  }
0x62: {  	_ =	shalt  }
0x63: {  	_ =	shalt  }
0x64: {  	_ =	shalt  }
0x65: {  	_ =	shalt  }
0x66: {  	_ =	shalt  }
0x67: {  	_ =	shalt  }
0x68: {  	_ =	shalt  }
0x69: {  	_ =	shalt  }
0x6a: {  	_ =	shalt  }
0x6b: {  	_ =	shalt  }
0x6c: {  	_ =	shalt  }
0x6d: {  	_ =	shalt  }
0x6e: {  	_ =	shalt  }
0x6f: {  	_ =	shalt  }
0x70: {  	_ =	shalt  }
0x71: {  	_ =	shalt  }
0x72: {  	_ =	shalt  }
0x73: {  	_ =	shalt  }
0x74: {  	_ =	shalt  }
0x75: {  	_ =	shalt  }
0x76: {  	_ =	shalt  }
0x77: {  	_ =	shalt  }
0x78: {  	_ =	shalt  }
0x79: {  	_ =	shalt  }
0x7a: {  	_ =	shalt  }
0x7b: {  	_ =	shalt  }
0x7c: {  	_ =	shalt  }
0x7d: {  	_ =	shalt  }
0x7e: {  	_ =	shalt  }
0x7f: {  	_ =	shalt  }
0x80: {  	_ =	shalt  }
0x81: {  	_ =	shalt  }
0x82: {  	_ =	shalt  }
0x83: {  	_ =	shalt  }
0x84: {  	_ =	shalt  }
0x85: {  	_ =	shalt  }
0x86: {  	_ =	shalt  }
0x87: {  	_ =	shalt  }
.Lfunc_end0:
.L_simem_size_0:
called_computation_lowered:
.L_overlay_start_0:
0x88: {  	s2 =	sld [smem:$0x3FD9]  }
0x89: {  	s3 =	sld [smem:$0x3FFE];
	_ =	sdelay $0x1  }
0x8a: {  	s1 =	srdreg.scid  }
0x8b: {  	s0 =	sand.u32 $0x1, s1  }
0x8c: {  	s17 =	sshll.u32 s0, $0xA;
	s2 =	sadd.s32 s3, s2  }
0x8d: {  	s2 =	sadd.s32 s2, s17  }
0x8e: {  	[smem:$0x3FC2] =	sst s2  }
0x8f: {  	_ = 	snop  }
0x90: {  	s2 =	sld [smem:$0x3FD0];
	(tm) =	ssettm $0x1  }
0x91: {  	s18 =	sld [smem:$0x3FFB];
	_ =	sdelay $0x3  }
0x92: {  	_ =	strace s18  }
0x93: {  	s3 =	sld [smem:$0x3FFC];
	_ =	sdelay $0x3  }
0x94: {  	_ =	strace s3  }
0x95: {  	s3 =	sld [smem:$0x3FFD];
	_ =	sdelay $0x3  }
0x96: {  	_ =	strace s3  }
0x97: {  	_ =	strace $0x8FFFFFFF  }
0x98: {  	s19 =	sld [smem:$0x3FDB];
	_ =	sdelay $0x1  }
0x99: {  	s4 =	simm.s32 $_scs_section_size  }
0x9a: {  	s5 =	simm.s32 $_size__tile_overlayer_lowered;
	s6 =	simm.s32 $_tile_overlayer_lowered  }
0x9b: {  	s22 =	simm.s32 $0x1BFF;
	s21 =	sshll.u32 s6, $0x1;
	s3 =	sadd.s32 s4, s19  }
0x9c: {  	s7 =	simm.s32 $0x0;
	s20 =	sshll.u32 s5, $0x1;
	s5 =	sadd.s32 s21, s3  }
0x9d: {  	[timem:s7], [sflag:s22] =	dma.local [hbm:s5], s20  }
0x9e: {  	_ =	swait.ge [sflag:s22], s20  }
0x9f: {  	s4 =	ssub.s32 $0x0, s20;
	[sflag:s22] =	ssyncset.done $0x0  }
0xa0: {  	[sflag:s22] =	ssyncadd.s32 s4;
	_ =	sdelay $0x1  }
0xa1: {  	s23 =	simm.s32 $0x1B8B  }
0xa2: {  	_ =	swait.ge [sflag:s23], $0x1  }
0xa3: {  	[sflag:s23] =	ssyncset.done $0x0  }
0xa4: {  	s25 =	simm.s32 $0x1B8E;
	s24 =	sld [smem:$0x3FFE];
	[sflag:s23] =	ssyncadd.s32 $0xFFFFFFFF  }
0xa5: {  	s26 =	simm.s32 $execute0_lowered;
	[smem:$0x3FD2] =	sst s25  }
0xa6: {  	s5 =	sshll.u32 s26, $0x1;
	_ =	strace $0x80000046;
	[dreg:$0x1] =	wrdreg $0xFFFFFFFF  }
0xa7: {  	s28 =	simm.s32 $_size_execute0_lowered;
	s3 =	sadd.s32 s3, s5;
	[dreg:$0x0] =	wrdreg $0x0  }
0xa8: {  	s5 =	sshll.u32 s28, $0x1;
	[dreg:$0x2] =	wrdreg s3  }
0xa9: {  	[dreg:$0x3] =	wrdreg s5  }
0xaa: {  	[dreg:$0x4] =	wrdreg $0xC0  }
0xab: {  	_ =	task [dreg:s7], $0x5FFFF  }
0xac: {  	[dreg:$0x1] =	wrdreg $0xFFFFFFFF  }
0xad: {  	[dreg:$0x0] =	wrdreg $0x60  }
0xae: {  	[dreg:$0x2] =	wrdreg s2  }
0xaf: {  	[dreg:$0x3] =	wrdreg s24  }
0xb0: {  	[dreg:$0x4] =	wrdreg $0x2C800  }
0xb1: {  	[dreg:$0x5] =	wrdreg $0x9  }
0xb2: {  	_ =	task.clear_ibuf [dreg:s7], $0x6FFFF;
	_ =	strace $0x90000046  }
0xb3: {  	s29 =	simm.s32 $0x9;
	_ =	strace $0x80000048  }
0xb4: {  	_ =	swait.ge [sflag:s29], $0x1  }
0xb5: {  	[sflag:s29] =	ssyncadd.s32 $0xFFFFFFFF  }
0xb6: {  	_ =	strace $0x90000048  }
0xb7: {  	_ =	sfence  }
0xb8: {  	s30 =	sld [smem:$0x0];
	_ =	sdelay $0x2  }
0xb9: {  	s31 =	sshll.u32 s1, $0xD;
	s1 =	sshrl.u32 s1, $0x2  }
0xba: {  	s3 =	sand.u32 $0x4000, s31;
	s1 =	sadd.s32 s1, s30  }
0xbb: {  	s0 =	sor.u32 s3, s0;
	s1 =	sshll.u32 s1, $0x11  }
0xbc: {  	s0 =	sor.u32 s1, s0  }
0xbd: {  	s0 =	sadd.s32 $0x8F2B, s0  }
0xbe: {  	[sflag:s0] =	ssyncadd.remote.s32 $0x1  }
0xbf: {  	_ =	sfence.sel $0xFFFF  }
0xc0: {  	[dreg:$0x0] =	wrdreg $0xFFFFFFFF;
	(pc) =	sbr.abs _section_cstart, $3  }
0xc1: {  	[dreg:$0x1] =	wrdreg $0xFFFFFFFF  }
0xc2: {  	_ =	task.clear_ibuf [dreg:s7], $0x2FFFF;
	_ =	strace $0x9FFFFFFF  }
0xc3: {  	(tm) =	ssettm $0x7FFFFFFF  }
tec
execute0_lowered:
.L_overlay_start_1:
0x0: {  	(tag) =	ssettag $0x1  }
0x1: {  	s7 =	rddreg [dreg:$0x0]  }
0x2: {  	s5 =	rddreg [dreg:$0x1]  }
0x3: {  	s2 =	rddreg [dreg:$0x2]  }
0x4: {  	s0 =	rddreg [dreg:$0x3]  }
0x5: {  	s3 =	simm.s32 $0x0;
	s1 =	stileid.u32;
	s4 =	srdreg.scid  }
0x6: {  	s14 =	simm.s32 $0x1;
	s15 =	simm.s32 $0x20;
	s16 =	simm.s32 $0x10  }
0x7: {  	s17 =	simm.s32 $0x0;
	[smem:$0x7FF] =	sst s3;
	s6 =	smul.u32 $0x280, s1  }
0x8: {  	s9 =	sand.u32 $0x1, s4;
	s10 =	smul.u32 $0x500, s1;
	s4 =	sadd.s32 $0x3600, s5  }
0x9: {  	s12 =	sshll.u32 s1, $0x1;
	s31 =	sshll.u32 s1, $0x6;
	_ =	strace $0x80000047  }
0xa: {  	s11 =	sshll.u32 s9, $0x7;
	s29 =	ssub.s32 $0x2, s9;
	s9 =	sor.u32 s9, s12  }
0xb: {  	s12 =	simm.s32 $0x2C00;
	s8 =	sshrl.u32 s6, $0x3;
	s10 =	sor.u32 s11, s10  }
0xc: {  	s13 =	sshrl.u32 s29, $0x1;
	s9 =	smul.u32 $0x580, s9;
	s30 =	sadd.s32 s6, s2  }
0xd: {  	s6 =	sor.u32 $0x1C02, s31;
	s8 =	sadd.s32 s8, s5;
	s10 =	sshrl.u32 s10, $0x3  }
0xe: {  	s11 =	ssub.s32 s29, s13;
	s13 =	simm.s32 $0x78;
	s10 =	sadd.s32 s10, s5  }
0xf: {  	s5 =	sadd.s32 $0x3800, s8;
	s7 =	sadd.s32 s7, s9;
	s9 =	smax.u32 s11, $0x1  }
0x10: {  	s11 =	simm.s32 $0x2;
	s8 =	sadd.s32 $0x3E00, s10;
	s10 =	sshrl.u32 s30, $0x3  }
.LBB2_1:
0x11: {  	[spmem:s10], [sflag:s6] =	dma.local [hbm:s5], $0x50  }
0x12: {  	_ =	swait.ge [sflag:s11], $0x50  }
0x13: {  	[sflag:s11] =	ssyncset.done $0x0  }
0x14: {  	[sflag:s11] =	ssyncadd.s32 $0xFFFFFFB0  }
0x15: {  	[tilespmem:s12], [sflag:$0x2] =	stream.linear.gather [hbm4b:s4+s3], $0x80, $0x38;
	[tilespmem:$0x2F00] =	vst v63  }
0x16: {  	_ =	swait.ge [sflag:s11], $0x80  }
0x17: {  	[sflag:s11] =	ssyncset.done $0x0  }
0x18: {  	[sflag:s11] =	ssyncadd.s32 $0xFFFFFF80  }
0x19: {  	[tilespmem:s3], [sflag:$0x2] =	stream.linear.gather [hbm4b:s7+s3], $0x2A00, $0x38;
	[tilespmem:$0x2F00] =	vst v63  }
0x1a: {  	_ =	swait.ge [sflag:s11], $0x2A00  }
0x1b: {  	[sflag:s11] =	ssyncset.done $0x0  }
0x1c: {  	[sflag:s11] =	ssyncadd.s32 $0xFFFFD600  }
0x1d: {  	s18 =	simm.s32 $0x0;
	[bflag:$0x0] =	sbarrier.arrive $0xFFFF  }
.LBB2_2:
0x1e: {  	p0 =	sne.s32 s18, $0xA600  }
.Ltmp0:
0x1f: {  	_ = 	snop;
	(pc) =	sbr.rel @p0 .LBB2_2-.Ltmp0, $3  }
0x20: {  	_ =	sdelay $0x1  }
0x21: {  	s19 =	sshra.s32 s18, $0x2;
	s18 =	sadd.s32 $0x200, s18  }
0x22: {  	[spmem:s2] =	stream.indirect.scatter.add.f32 [tilespmem:s12], [sflag:$0x1], $0x1, s19, s13, $0xb8;
	[tilespmem:$0x2F00] =	vst v63  }
0x23: {  	_ =	swait.ge [sflag:s14], $0x78  }
0x24: {  	s18 =	simm.s32 $0x53;
	[sflag:s14] =	ssyncset.done $0x0  }
.LBB2_4:
0x25: {  	p0 =	sne.s32 s18, $0x1;
	s18 =	sadd.s32 $0xFFFFFFFF, s18;
	[sflag:s14] =	ssyncadd.s32 $0xFFFFFF88  }
.Ltmp1:
0x26: {  	(pc) =	sbr.rel @p0 .LBB2_4-.Ltmp1, $3  }
0x27: {  	_ =	sdelay $0x1  }
0x28: {  	_ =	swait.ge [sflag:s14], $0x78  }
0x29: {  	[sflag:s14] =	ssyncset.done $0x0  }
0x2a: {  	s17 =	sadd.s32 $0x1, s17  }
0x2b: {  	[sflag:s14] =	ssyncadd.s32 $0xFFFFFF88;
	p0 =	sne.s32 s17, s9  }
.Ltmp2:
0x2c: {  	[bflag:$0x0] =	sbarrier.arrive $0xFFFF;
	(pc) =	sbr.rel @p0 .LBB2_1-.Ltmp2, $4  }
0x2d: {  	[hbm:s8@s15], [sflag:s6] =	dma.strided [spmem:s10@s16], $0x50, s14, $0x10   }
0x2e: {  	_ =	swait.ge [sflag:s11], $0x50  }
0x2f: {  	[sflag:s11] =	ssyncset.done $0x0  }
0x30: {  	[sflag:s11] =	ssyncadd.s32 $0xFFFFFFB0  }
0x31: {  	_ =	sfence.sel $0x180000  }
0x32: {  	[bflag:$0x0] =	sbarrier.arrive $0xFFFF  }
0x33: {  	p0 =	sne.s32 s1, $0x0;
	_ =	strace $0x90000047  }
0x34: {  	s0 =	sadd.s32 @!p0 $0x100000, s0;
	[bflag:$0x2] =	sbarrier.arrive $0xFFFF  }
0x35: {  	[sflag:s0] =	ssyncadd.tile.s32 @!p0 $0x1;
	_ =	shalt  }
.Lfunc_end2:
_tile_overlayer_lowered:
.L_overlay_start_2:
0x36: {  	(tag) =	ssettag $0x2  }
0x37: {  	s0 =	rddreg [dreg:$0x0];
	s2 =	stileid.u32  }
0x38: {  	s1 =	rddreg [dreg:$0x1];
	p0 =	sne.s32 s2, $0x0  }
0x39: {  	s3 =	rddreg [dreg:$0x2];
	[bflag:$0x3] =	sbarrier.arrive $0xFFFF;
	s2 =	simm.s32 @!p0 $0x1C02  }
0x3a: {  	[timem:s3], [sflag:s2] =	dma.local @!p0 [hbm:s0], s1  }
0x3b: {  	s0 =	simm.s32 @!p0 $0x2  }
0x3c: {  	_ =	swait.ge @!p0 [sflag:s0], s1  }
0x3d: {  	s1 =	ssub.s32 @!p0 $0x0, s1;
	[sflag:s0] =	ssyncset.done @!p0 $0x0  }
0x3e: {  	[sflag:s0] =	ssyncadd.s32 @!p0 s1  }
0x3f: {  	[bflag:$0x3] =	sbarrier.arrive $0xFFFF  }
0x40: {  	_ =	shalt  }

</sc_bundles>
